<compile_context>
chip_gen: v7x
topology: tpu7x:2x2x1
jax: 0.10.2.dev20260603
libtpu: 0.0.44.dev20260713+nightly
codegen_flags: <defaults>
</compile_context>

<pallas_src>
import functools

import jax
import jax.numpy as jnp
from jax import lax
from jax.experimental import pallas as pl
from jax.experimental.pallas import tpu as pltpu
from jax.experimental.pallas import tpu_sc as plsc

N = 10000
E = 320000
D = 128
NC, NS = 2, 16
EWA = E // NS
CH = 80
NCHA = EWA // CH
NBLK = 10
RBE = EWA // NBLK
PH = 4
QR = 1280
NQ = 1250
RQT = QR // NS
TRB = NQ
PHD = 2
QRD = 2560
NQD = 2500
RQTD = QRD // NS
TRBD = NQD
DEGW = 16

BM = 1000

_mesh = plsc.VectorSubcoreMesh(core_axis_name="c", subcore_axis_name="s")



@functools.partial(
    pl.kernel,
    out_type=jax.ShapeDtypeStruct((NC, PHD * QRD, DEGW), jnp.float32),
    mesh=_mesh,
    scratch_types=[
        pltpu.VMEM((NCHA, CH), jnp.int32),
        pltpu.VMEM((NCHA, CH), jnp.int32),
        pltpu.VMEM((CH, DEGW), jnp.float32),
        pltpu.VMEM((RQTD, DEGW), jnp.float32),
        pltpu.VMEM_SHARED((QRD, DEGW), jnp.float32),
    ],
)
def _deg_kernel(dst_hbm, deg_hbm, idx_v, idxm_v, ones_v, zero_v, acc_sh):
    c = lax.axis_index("c")
    s = lax.axis_index("s")

    @pl.loop(0, CH)
    def _(i):
        ones_v[i, :] = jnp.ones((DEGW,), jnp.float32)

    @pl.loop(0, RQTD)
    def _(i):
        zero_v[i, :] = jnp.zeros((DEGW,), jnp.float32)

    pltpu.sync_copy(dst_hbm.at[s], idx_v)

    for p in range(PHD):
        base = (2 * c + p) * NQD

        pltpu.sync_copy(zero_v, acc_sh.at[pl.ds(s * RQTD, RQTD)])
        plsc.subcore_barrier()

        @pl.loop(0, NCHA)
        def _(j):
            for g in range(CH // 16):
                sl = pl.ds(g * 16, 16)
                v = idx_v[j, sl]
                t = v - base
                bad = (t < 0) | (t >= NQD)
                idxm_v[j, sl] = jnp.where(bad, TRBD + (v & 31), t)

        @pl.loop(0, NCHA)
        def _(j):
            pltpu.sync_copy(ones_v, acc_sh.at[idxm_v.at[j]], add=True)

        plsc.subcore_barrier()
        pltpu.sync_copy(acc_sh.at[pl.ds(s * RQTD, RQTD)], zero_v)
        pltpu.sync_copy(zero_v, deg_hbm.at[c, pl.ds(p * QRD + s * RQTD, RQTD)])

        @pl.loop(0, RQTD)
        def _(i):
            zero_v[i, :] = jnp.zeros((DEGW,), jnp.float32)

        plsc.subcore_barrier()


@functools.partial(
    pl.kernel,
    out_type=jax.ShapeDtypeStruct((NC, QR, D), jnp.float32),
    mesh=_mesh,
    scratch_types=[
        pltpu.VMEM((RBE,), jnp.int32),
        pltpu.VMEM((RBE,), jnp.int32),
        pltpu.VMEM((EWA + 2 * CH,), jnp.int32),
        pltpu.VMEM((2, CH), jnp.int32),
        pltpu.VMEM((2, CH), jnp.int32),
        pltpu.VMEM((CH, D), jnp.float32),
        pltpu.VMEM((CH, D), jnp.float32),
        pltpu.VMEM_SHARED((QR, D), jnp.float32),
        pltpu.SemaphoreType.DMA,
        pltpu.SemaphoreType.DMA,
    ],
    compiler_params=pltpu.CompilerParams(needs_layout_passes=False),
)
def _agg_kernel(xws_hbm, src_hbm, dst_hbm, out_hbm,
                sraw_v, draw_v, pak_v, srow_v, drow_v, rows0_v, rows1_v,
                acc_sh, sem0, sem1):
    c = lax.axis_index("c")
    s = lax.axis_index("s")
    base = c * (PH * NQ)

    @pl.loop(0, RQT)
    def _(i):
        for k in range(D // 16):
            rows0_v[i, pl.ds(k * 16, 16)] = jnp.zeros((16,), jnp.float32)

    pltpu.sync_copy(rows0_v.at[pl.ds(0, RQT)], acc_sh.at[pl.ds(s * RQT, RQT)])

    def _blk(b, ptr0):
        pltpu.sync_copy(src_hbm.at[s, b], sraw_v)
        pltpu.sync_copy(dst_hbm.at[s, b], draw_v)

        def _grp(g, ptr):
            v = draw_v[pl.ds(g * 16, 16)]
            u = sraw_v[pl.ds(g * 16, 16)]
            t = v - base
            m = (t >= 0) & (t < NQ)
            inc = plsc.cumsum(jnp.where(m, jnp.int32(1), jnp.int32(0)))
            plsc.store_scatter(pak_v, [ptr + inc - 1],
                               u * 4096 + jnp.where(m, t, 0), mask=m)
            return ptr + lax.reduce_max(inc, (0,))

        return pl.loop(0, RBE // 16, init_carry=ptr0)(_grp)

    ptr = pl.loop(0, NBLK, init_carry=jnp.int32(0))(_blk)

    C2 = 2 * CH
    rounded = ((ptr + C2 - 1) // C2) * C2
    ones_m = jnp.ones((16,), jnp.bool_)

    @pl.loop(0, (rounded - ptr + 15) // 16)
    def _(i):
        pos = ptr + 16 * i + lax.iota(jnp.int32, 16)
        plsc.store_scatter(pak_v, [pos], jnp.full((16,), TRB, jnp.int32),
                           mask=ones_m)

    nh2 = rounded // C2
    plsc.subcore_barrier()

    def _mkrow(j, slot):
        for k in range(CH // 16):
            p = pak_v[pl.ds(j * CH + k * 16, 16)]
            srow_v[slot, pl.ds(k * 16, 16)] = lax.shift_right_logical(p, 12)
            drow_v[slot, pl.ds(k * 16, 16)] = p & 4095

    @pl.when(nh2 > 0)
    def _():
        _mkrow(0, 0)
        pltpu.async_copy(xws_hbm.at[srow_v.at[0]], rows0_v, sem0)

    @pl.loop(0, nh2)
    def _(m):
        j0 = 2 * m
        j1 = 2 * m + 1
        _mkrow(j1, 1)
        pltpu.async_copy(xws_hbm.at[srow_v.at[1]], rows1_v, sem1)
        pltpu.make_async_copy(xws_hbm.at[srow_v.at[0]], rows0_v, sem0).wait()
        pltpu.sync_copy(rows0_v, acc_sh.at[drow_v.at[0]], add=True)

        @pl.when(m < nh2 - 1)
        def _():
            _mkrow(j0 + 2, 0)
            pltpu.async_copy(xws_hbm.at[srow_v.at[0]], rows0_v, sem0)

        pltpu.make_async_copy(xws_hbm.at[srow_v.at[1]], rows1_v, sem1).wait()
        pltpu.sync_copy(rows1_v, acc_sh.at[drow_v.at[1]], add=True)

    plsc.subcore_barrier()
    pltpu.sync_copy(acc_sh.at[pl.ds(s * RQT, RQT)],
                    out_hbm.at[c, pl.ds(s * RQT, RQT)])


def _stitch_deg(a):
    return jnp.concatenate(
        [a[0, :NQD], a[0, QRD:QRD + NQD], a[1, :NQD], a[1, QRD:QRD + NQD]],
        axis=0)



def _dot(a, b):
    return lax.dot_general(a, b, (((1,), (0,)), ((), ())),
                           preferred_element_type=jnp.float32,
                           precision=lax.Precision.HIGHEST)


def _mm_body(x_ref, w_ref, o_ref):
    o_ref[...] = _dot(x_ref[...], w_ref[...])


_mm = pl.pallas_call(
    _mm_body,
    grid=(N // BM,),
    in_specs=[
        pl.BlockSpec((BM, D), lambda i: (i, 0)),
        pl.BlockSpec((D, D), lambda i: (0, 0)),
    ],
    out_specs=pl.BlockSpec((BM, D), lambda i: (i, 0)),
    out_shape=jax.ShapeDtypeStruct((N, D), jnp.float32),
)


def _scale_body(deg_ref, xw_ref, dinv_ref, xws_ref):
    d = deg_ref[:, 0:1] + 1.0
    dinv = lax.rsqrt(d)
    dinv_ref[...] = dinv
    xws_ref[...] = xw_ref[...] * dinv


_scale = pl.pallas_call(
    _scale_body,
    grid=(N // BM,),
    in_specs=[
        pl.BlockSpec((BM, DEGW), lambda i: (i, 0)),
        pl.BlockSpec((BM, D), lambda i: (i, 0)),
    ],
    out_specs=[
        pl.BlockSpec((BM, 1), lambda i: (i, 0)),
        pl.BlockSpec((BM, D), lambda i: (i, 0)),
    ],
    out_shape=[
        jax.ShapeDtypeStruct((N, 1), jnp.float32),
        jax.ShapeDtypeStruct((N, D), jnp.float32),
    ],
)


def _stage_body(dinv_ref, p_ref, xws_ref, b1_ref, b2_ref, w2_ref,
                nxt_ref, res_ref):
    dinv = dinv_ref[...]
    agg = p_ref[...] + xws_ref[...]
    pre = agg * dinv
    h = jnp.maximum(pre + b1_ref[...], 0.0)
    nxt_ref[...] = _dot(h, w2_ref[...]) * dinv
    res_ref[...] = pre + b2_ref[...]


_stage = pl.pallas_call(
    _stage_body,
    grid=(N // BM,),
    in_specs=[
        pl.BlockSpec((BM, 1), lambda i: (i, 0)),
        pl.BlockSpec((BM, D), lambda i: (i, 0)),
        pl.BlockSpec((BM, D), lambda i: (i, 0)),
        pl.BlockSpec((1, D), lambda i: (0, 0)),
        pl.BlockSpec((1, D), lambda i: (0, 0)),
        pl.BlockSpec((D, D), lambda i: (0, 0)),
    ],
    out_specs=[
        pl.BlockSpec((BM, D), lambda i: (i, 0)),
        pl.BlockSpec((BM, D), lambda i: (i, 0)),
    ],
    out_shape=[
        jax.ShapeDtypeStruct((N, D), jnp.float32),
        jax.ShapeDtypeStruct((N, D), jnp.float32),
    ],
)



def kernel(x, edge_index, W1, b1, W2, b2):
    src_a = edge_index[0].astype(jnp.int32).reshape(NS, NCHA, CH)
    dst_a = edge_index[1].astype(jnp.int32).reshape(NS, NCHA, CH)
    src_b = edge_index[0].astype(jnp.int32).reshape(NS, NBLK, RBE)
    dst_b = edge_index[1].astype(jnp.int32).reshape(NS, NBLK, RBE)
    b1r = b1.reshape(1, D)
    b2r = b2.reshape(1, D)

    deg_q = _deg_kernel(dst_a)
    xw1 = _mm(x, W1)
    dinv, xws1 = _scale(_stitch_deg(deg_q), xw1)

    def body(k, carry):
        xws, pfull, res = carry
        ph = k & 3
        dst_k = dst_b - ph * jnp.int32(NQ)
        pq = _agg_kernel(xws, src_b, dst_k)
        pfull = lax.dynamic_update_slice(pfull, pq[0, :NQ], (ph * NQ, 0))
        pfull = lax.dynamic_update_slice(pfull, pq[1, :NQ],
                                         ((PH + ph) * NQ, 0))

        def do_stage():
            nxt, out = _stage(dinv, pfull, xws, b1r, b2r, W2)
            return nxt, out

        xws, res = lax.cond(ph == 3, do_stage, lambda: (xws, res))
        return xws, pfull, res

    eight = jnp.int32(8) + jnp.asarray(x[0, 0] * 0.0).astype(jnp.int32)
    _, _, res = lax.fori_loop(0, eight, body, (xws1, xws1, xws1),
                              unroll=False)
    return res

# --- scband reference (transcript-rebuilt; emitter-appended) ---
"""Pipeline reference for scband-gcn-47450798686231 (READ-ONLY COPY).

The authoritative reference and input builder live on the scoring server;
editing this copy changes nothing except your own understanding.
"""

import jax, jax.numpy as jnp
import numpy as np

N_NODES = 10000
N_EDGES = 320000
D_IN = 128
D_HID = 128
D_OUT = 128


def glorot(key, shape):
    limit = float(np.sqrt(6.0 / (shape[0] + shape[1])))
    return jax.random.uniform(key, shape, dtype=jnp.float32, minval=-limit, maxval=limit)


def setup_inputs(seed: int = 0) -> dict:
    key = jax.random.key(seed)
    k_x, k_e, k_w1, k_w2 = jax.random.split(key, 4)
    x = jax.random.normal(k_x, (N_NODES, D_IN), dtype=jnp.float32)
    edge_index = jax.random.randint(k_e, (2, N_EDGES), 0, N_NODES, dtype=jnp.int64)
    W1 = glorot(k_w1, (D_IN, D_HID))
    b1 = jnp.zeros((D_HID,), dtype=jnp.float32)
    W2 = glorot(k_w2, (D_HID, D_OUT))
    b2 = jnp.zeros((D_OUT,), dtype=jnp.float32)
    return {"x": x, "edge_index": edge_index, "W1": W1, "b1": b1, "W2": W2, "b2": b2}


def gcn_conv(x, src, dst, W, b, num_nodes):
    # symmetric-normalized GCN layer with self-loops (src/dst already include loops)
    deg = jnp.zeros((num_nodes,), dtype=x.dtype).at[dst].add(1.0)
    dinv = jnp.where(deg > 0, jax.lax.rsqrt(deg), 0.0)
    norm = dinv[src] * dinv[dst]
    xw = x @ W
    msg = jnp.take(xw, src, axis=0) * norm[:, None]
    out = jnp.zeros((num_nodes, W.shape[1]), dtype=x.dtype).at[dst].add(msg)
    return out + b


def reference(x, edge_index, W1, b1, W2, b2):
    num_nodes = x.shape[0]
    loop = jnp.arange(num_nodes, dtype=edge_index.dtype)
    src = jnp.concatenate([edge_index[0], loop])
    dst = jnp.concatenate([edge_index[1], loop])
    h = gcn_conv(x, src, dst, W1, b1, num_nodes)
    h = jax.nn.relu(h)
    # dropout p=0.5 is identity in eval mode
    out = gcn_conv(h, src, dst, W2, b2, num_nodes)
    return out

if __name__ == "__main__":
    import jax
    _d = setup_inputs()
    print(jax.jit(kernel)(*tuple(_d.values())))

</pallas_src>

<mosaic_0001>
#map = affine_map<(d0, d1) -> (0, 0, 0)>
module attributes {stable_mosaic.version = 14 : i64} {
  func.func @_deg_kernel(%arg0: i32, %arg1: i32, %arg2: memref<16x250x80xi32, #tpu.memory_space<hbm>>, %arg3: memref<2x5120x16xf32, #tpu.memory_space<hbm>>, %arg4: memref<250x80xi32, #tpu.memory_space<vmem>>, %arg5: memref<250x80xi32, #tpu.memory_space<vmem>>, %arg6: memref<80x16xf32, #tpu.memory_space<vmem>>, %arg7: memref<160x16xf32, #tpu.memory_space<vmem>>, %arg8: memref<2560x16xf32, #tpu.memory_space<vmem_shared>>) attributes {dimension_semantics = [#tpu.dimension_semantics<core_parallel>, #tpu.dimension_semantics<subcore_parallel>], iteration_bounds = array<i64: 2, 16>, scalar_prefetch = 0 : i64, scratch_operands = 5 : i64, tpu.core_type = #tpu.core_type<sc_vector_subcore>, window_params = [{transform_indices = #map}, {transform_indices = #map}]} {
    %scan3A = arith.constant 0 : i32
    %scan3A_0 = arith.constant 80 : i32
    %scan3A_1 = arith.addi %scan3A, %scan3A_0 : i32
    %scan3A_2 = arith.constant 1 : i32
    scf.for %scan3A_70 = %scan3A to %scan3A_1 step %scan3A_2  : i32 {
      %mul3A_71 = arith.constant 1 : i32
      %mul3A_72 = arith.muli %scan3A_70, %mul3A_71 : i32
      %add3A_73 = arith.constant 0 : i32
      %add3A_74 = arith.addi %add3A_73, %mul3A_72 : i32
      %broadcast_in_dim3A = arith.constant 1.000000e+00 : f32
      %broadcast_in_dim3A_75 = vector.broadcast %broadcast_in_dim3A : f32 to vector<16xf32>
      %swap3A = arith.index_cast %add3A_74 : i32 to index
      %swap3A_76 = arith.constant 0 : index
      %swap3A_77 = tpu.vector_load %arg6[%swap3A, %swap3A_76] {strides = array<i32>} : memref<80x16xf32, #tpu.memory_space<vmem>>, vector<1x16xf32>,
      %swap3A_78 = vector.shape_cast %swap3A_77 : vector<1x16xf32> to vector<16xf32>
      %swap3A_79 = vector.shape_cast %broadcast_in_dim3A_75 : vector<16xf32> to vector<1x16xf32>
      tpu.vector_store %arg6[%swap3A, %swap3A_76], %swap3A_79 {strides = array<i32>} : memref<80x16xf32, #tpu.memory_space<vmem>>, vector<1x16xf32>,
    }
    %scan3A_3 = arith.constant 80 : i32
    %scan3A_4 = arith.constant 0 : i32
    %scan3A_5 = arith.constant 160 : i32
    %scan3A_6 = arith.addi %scan3A_4, %scan3A_5 : i32
    %scan3A_7 = arith.constant 1 : i32
    scf.for %scan3A_70 = %scan3A_4 to %scan3A_6 step %scan3A_7  : i32 {
      %mul3A_71 = arith.constant 1 : i32
      %mul3A_72 = arith.muli %scan3A_70, %mul3A_71 : i32
      %add3A_73 = arith.constant 0 : i32
      %add3A_74 = arith.addi %add3A_73, %mul3A_72 : i32
      %broadcast_in_dim3A = arith.constant 0.000000e+00 : f32
      %broadcast_in_dim3A_75 = vector.broadcast %broadcast_in_dim3A : f32 to vector<16xf32>
      %swap3A = arith.index_cast %add3A_74 : i32 to index
      %swap3A_76 = arith.constant 0 : index
      %swap3A_77 = tpu.vector_load %arg7[%swap3A, %swap3A_76] {strides = array<i32>} : memref<160x16xf32, #tpu.memory_space<vmem>>, vector<1x16xf32>,
      %swap3A_78 = vector.shape_cast %swap3A_77 : vector<1x16xf32> to vector<16xf32>
      %swap3A_79 = vector.shape_cast %broadcast_in_dim3A_75 : vector<16xf32> to vector<1x16xf32>
      tpu.vector_store %arg7[%swap3A, %swap3A_76], %swap3A_79 {strides = array<i32>} : memref<160x16xf32, #tpu.memory_space<vmem>>, vector<1x16xf32>,
    }
    %scan3A_8 = arith.constant 160 : i32
    "tpu.region"() ({
      %run_scoped3A = tpu.sem_alloc : memref<!tpu.dma_semaphore, #tpu.memory_space<semaphore_mem>>
      %dma_start3A = arith.constant 0 : i32
      %dma_start3A_70 = arith.constant 0 : i32
      %dma_start3A_71 = tpu.memref_slice %arg2[%arg1, %dma_start3A, %dma_start3A_70] : memref<16x250x80xi32, #tpu.memory_space<hbm>> -> memref<1x250x80xi32, #tpu.memory_space<hbm>>
      %dma_start3A_72 = tpu.memref_squeeze %dma_start3A_71 : memref<1x250x80xi32, #tpu.memory_space<hbm>> -> memref<250x80xi32, #tpu.memory_space<hbm>>
      %dma_start3A_73 = arith.constant 0 : i32
      %dma_start3A_74 = arith.constant 0 : i32
      %dma_start3A_75 = tpu.memref_slice %arg2[%arg1, %dma_start3A_73, %dma_start3A_74] : memref<16x250x80xi32, #tpu.memory_space<hbm>> -> memref<1x250x80xi32, #tpu.memory_space<hbm>>
      %dma_start3A_76 = tpu.memref_squeeze %dma_start3A_75 : memref<1x250x80xi32, #tpu.memory_space<hbm>> -> memref<250x80xi32, #tpu.memory_space<hbm>>
      tpu.enqueue_dma source(%dma_start3A_76 : memref<250x80xi32, #tpu.memory_space<hbm>>) target(%arg4 : memref<250x80xi32, #tpu.memory_space<vmem>>) target_semaphore(%run_scoped3A : memref<!tpu.dma_semaphore, #tpu.memory_space<semaphore_mem>>)
      %dma_wait3A = arith.constant 0 : i32
      %dma_wait3A_77 = arith.constant 0 : i32
      %dma_wait3A_78 = tpu.memref_slice %arg2[%arg1, %dma_wait3A, %dma_wait3A_77] : memref<16x250x80xi32, #tpu.memory_space<hbm>> -> memref<1x250x80xi32, #tpu.memory_space<hbm>>
      %dma_wait3A_79 = tpu.memref_squeeze %dma_wait3A_78 : memref<1x250x80xi32, #tpu.memory_space<hbm>> -> memref<250x80xi32, #tpu.memory_space<hbm>>
      %dma_wait3A_80 = arith.constant 0 : i32
      %dma_wait3A_81 = arith.constant 0 : i32
      %dma_wait3A_82 = tpu.memref_slice %arg2[%arg1, %dma_wait3A_80, %dma_wait3A_81] : memref<16x250x80xi32, #tpu.memory_space<hbm>> -> memref<1x250x80xi32, #tpu.memory_space<hbm>>
      %dma_wait3A_83 = tpu.memref_squeeze %dma_wait3A_82 : memref<1x250x80xi32, #tpu.memory_space<hbm>> -> memref<250x80xi32, #tpu.memory_space<hbm>>
      tpu.wait_dma2 semaphore(%run_scoped3A : memref<!tpu.dma_semaphore, #tpu.memory_space<semaphore_mem>>) src(%dma_wait3A_83 : memref<250x80xi32, #tpu.memory_space<hbm>>) dst(%arg4 : memref<250x80xi32, #tpu.memory_space<vmem>>)
      tpu.yield
    }) : () -> ()
    %mul3A = arith.constant 2 : i32
    %mul3A_9 = arith.muli %mul3A, %arg0 : i32
    %add3A = arith.constant 0 : i32
    %add3A_10 = arith.addi %mul3A_9, %add3A : i32
    %mul3A_11 = arith.constant 2500 : i32
    %mul3A_12 = arith.muli %add3A_10, %mul3A_11 : i32
    %mul3A_13 = arith.constant 160 : i32
    %mul3A_14 = arith.muli %arg1, %mul3A_13 : i32
    "tpu.region"() ({
      %run_scoped3A = tpu.sem_alloc : memref<!tpu.dma_semaphore, #tpu.memory_space<semaphore_mem>>
      %dma_start3A = arith.constant 0 : i32
      %dma_start3A_70 = tpu.memref_slice %arg8[%mul3A_14, %dma_start3A] : memref<2560x16xf32, #tpu.memory_space<vmem_shared>> -> memref<160x16xf32, #tpu.memory_space<vmem_shared>>
      %dma_start3A_71 = arith.constant 0 : i32
      %dma_start3A_72 = tpu.memref_slice %arg8[%mul3A_14, %dma_start3A_71] : memref<2560x16xf32, #tpu.memory_space<vmem_shared>> -> memref<160x16xf32, #tpu.memory_space<vmem_shared>>
      tpu.enqueue_dma source(%arg7 : memref<160x16xf32, #tpu.memory_space<vmem>>) target(%dma_start3A_72 : memref<160x16xf32, #tpu.memory_space<vmem_shared>>) target_semaphore(%run_scoped3A : memref<!tpu.dma_semaphore, #tpu.memory_space<semaphore_mem>>)
      %dma_wait3A = arith.constant 0 : i32
      %dma_wait3A_73 = tpu.memref_slice %arg8[%mul3A_14, %dma_wait3A] : memref<2560x16xf32, #tpu.memory_space<vmem_shared>> -> memref<160x16xf32, #tpu.memory_space<vmem_shared>>
      %dma_wait3A_74 = arith.constant 0 : i32
      %dma_wait3A_75 = tpu.memref_slice %arg8[%mul3A_14, %dma_wait3A_74] : memref<2560x16xf32, #tpu.memory_space<vmem_shared>> -> memref<160x16xf32, #tpu.memory_space<vmem_shared>>
      tpu.wait_dma2 semaphore(%run_scoped3A : memref<!tpu.dma_semaphore, #tpu.memory_space<semaphore_mem>>) src(%arg7 : memref<160x16xf32, #tpu.memory_space<vmem>>) dst(%dma_wait3A_75 : memref<160x16xf32, #tpu.memory_space<vmem_shared>>)
      tpu.yield
    }) : () -> ()
    %barrier3A = arith.constant 0 : index
    tpu.barrier barrier_id(%barrier3A)
    %scan3A_15 = arith.constant 0 : i32
    %scan3A_16 = arith.constant 250 : i32
    %scan3A_17 = arith.addi %scan3A_15, %scan3A_16 : i32
    %scan3A_18 = arith.constant 1 : i32
    scf.for %scan3A_70 = %scan3A_15 to %scan3A_17 step %scan3A_18  : i32 {
      %mul3A_71 = arith.constant 1 : i32
      %mul3A_72 = arith.muli %scan3A_70, %mul3A_71 : i32
      %add3A_73 = arith.constant 0 : i32
      %add3A_74 = arith.addi %add3A_73, %mul3A_72 : i32
      %get3A = arith.index_cast %add3A_74 : i32 to index
      %get3A_75 = arith.constant 0 : index
      %get3A_76 = tpu.vector_load %arg4[%get3A, %get3A_75] {strides = array<i32>} : memref<250x80xi32, #tpu.memory_space<vmem>>, vector<1x16xi32>,
      %get3A_77 = vector.shape_cast %get3A_76 : vector<1x16xi32> to vector<16xi32>
      %sub3A = vector.broadcast %mul3A_12 : i32 to vector<16xi32>
      %sub3A_78 = arith.subi %get3A_77, %sub3A : vector<16xi32>
      %lt3A = arith.constant 0 : i32
      %lt3A_79 = vector.broadcast %lt3A : i32 to vector<16xi32>
      %lt3A_80 = arith.cmpi slt, %sub3A_78, %lt3A_79 : vector<16xi32>
      %ge3A = arith.constant 2500 : i32
      %ge3A_81 = vector.broadcast %ge3A : i32 to vector<16xi32>
      %ge3A_82 = arith.cmpi sge, %sub3A_78, %ge3A_81 : vector<16xi32>
      %or3A = arith.ori %lt3A_80, %ge3A_82 : vector<16xi1>
      %and3A = arith.constant 31 : i32
      %and3A_83 = vector.broadcast %and3A : i32 to vector<16xi32>
      %and3A_84 = arith.andi %get3A_77, %and3A_83 : vector<16xi32>
      %add3A_85 = arith.constant 2500 : i32
      %add3A_86 = vector.broadcast %add3A_85 : i32 to vector<16xi32>
      %add3A_87 = arith.addi %add3A_86, %and3A_84 : vector<16xi32>
      %select_n3A = arith.select %or3A, %add3A_87, %sub3A_78 : vector<16xi1>, vector<16xi32>
      %swap3A = arith.index_cast %add3A_74 : i32 to index
      %swap3A_88 = arith.constant 0 : index
      %swap3A_89 = tpu.vector_load %arg5[%swap3A, %swap3A_88] {strides = array<i32>} : memref<250x80xi32, #tpu.memory_space<vmem>>, vector<1x16xi32>,
      %swap3A_90 = vector.shape_cast %swap3A_89 : vector<1x16xi32> to vector<16xi32>
      %swap3A_91 = vector.shape_cast %select_n3A : vector<16xi32> to vector<1x16xi32>
      tpu.vector_store %arg5[%swap3A, %swap3A_88], %swap3A_91 {strides = array<i32>} : memref<250x80xi32, #tpu.memory_space<vmem>>, vector<1x16xi32>,
      %get3A_92 = arith.index_cast %add3A_74 : i32 to index
      %get3A_93 = arith.constant 16 : index
      %get3A_94 = tpu.vector_load %arg4[%get3A_92, %get3A_93] {strides = array<i32>} : memref<250x80xi32, #tpu.memory_space<vmem>>, vector<1x16xi32>,
      %get3A_95 = vector.shape_cast %get3A_94 : vector<1x16xi32> to vector<16xi32>
      %sub3A_96 = vector.broadcast %mul3A_12 : i32 to vector<16xi32>
      %sub3A_97 = arith.subi %get3A_95, %sub3A_96 : vector<16xi32>
      %lt3A_98 = arith.constant 0 : i32
      %lt3A_99 = vector.broadcast %lt3A_98 : i32 to vector<16xi32>
      %lt3A_100 = arith.cmpi slt, %sub3A_97, %lt3A_99 : vector<16xi32>
      %ge3A_101 = arith.constant 2500 : i32
      %ge3A_102 = vector.broadcast %ge3A_101 : i32 to vector<16xi32>
      %ge3A_103 = arith.cmpi sge, %sub3A_97, %ge3A_102 : vector<16xi32>
      %or3A_104 = arith.ori %lt3A_100, %ge3A_103 : vector<16xi1>
      %and3A_105 = arith.constant 31 : i32
      %and3A_106 = vector.broadcast %and3A_105 : i32 to vector<16xi32>
      %and3A_107 = arith.andi %get3A_95, %and3A_106 : vector<16xi32>
      %add3A_108 = arith.constant 2500 : i32
      %add3A_109 = vector.broadcast %add3A_108 : i32 to vector<16xi32>
      %add3A_110 = arith.addi %add3A_109, %and3A_107 : vector<16xi32>
      %select_n3A_111 = arith.select %or3A_104, %add3A_110, %sub3A_97 : vector<16xi1>, vector<16xi32>
      %swap3A_112 = arith.index_cast %add3A_74 : i32 to index
      %swap3A_113 = arith.constant 16 : index
      %swap3A_114 = tpu.vector_load %arg5[%swap3A_112, %swap3A_113] {strides = array<i32>} : memref<250x80xi32, #tpu.memory_space<vmem>>, vector<1x16xi32>,
      %swap3A_115 = vector.shape_cast %swap3A_114 : vector<1x16xi32> to vector<16xi32>
      %swap3A_116 = vector.shape_cast %select_n3A_111 : vector<16xi32> to vector<1x16xi32>
      tpu.vector_store %arg5[%swap3A_112, %swap3A_113], %swap3A_116 {strides = array<i32>} : memref<250x80xi32, #tpu.memory_space<vmem>>, vector<1x16xi32>,
      %get3A_117 = arith.index_cast %add3A_74 : i32 to index
      %get3A_118 = arith.constant 32 : index
      %get3A_119 = tpu.vector_load %arg4[%get3A_117, %get3A_118] {strides = array<i32>} : memref<250x80xi32, #tpu.memory_space<vmem>>, vector<1x16xi32>,
      %get3A_120 = vector.shape_cast %get3A_119 : vector<1x16xi32> to vector<16xi32>
      %sub3A_121 = vector.broadcast %mul3A_12 : i32 to vector<16xi32>
      %sub3A_122 = arith.subi %get3A_120, %sub3A_121 : vector<16xi32>
      %lt3A_123 = arith.constant 0 : i32
      %lt3A_124 = vector.broadcast %lt3A_123 : i32 to vector<16xi32>
      %lt3A_125 = arith.cmpi slt, %sub3A_122, %lt3A_124 : vector<16xi32>
      %ge3A_126 = arith.constant 2500 : i32
      %ge3A_127 = vector.broadcast %ge3A_126 : i32 to vector<16xi32>
      %ge3A_128 = arith.cmpi sge, %sub3A_122, %ge3A_127 : vector<16xi32>
      %or3A_129 = arith.ori %lt3A_125, %ge3A_128 : vector<16xi1>
      %and3A_130 = arith.constant 31 : i32
      %and3A_131 = vector.broadcast %and3A_130 : i32 to vector<16xi32>
      %and3A_132 = arith.andi %get3A_120, %and3A_131 : vector<16xi32>
      %add3A_133 = arith.constant 2500 : i32
      %add3A_134 = vector.broadcast %add3A_133 : i32 to vector<16xi32>
      %add3A_135 = arith.addi %add3A_134, %and3A_132 : vector<16xi32>
      %select_n3A_136 = arith.select %or3A_129, %add3A_135, %sub3A_122 : vector<16xi1>, vector<16xi32>
      %swap3A_137 = arith.index_cast %add3A_74 : i32 to index
      %swap3A_138 = arith.constant 32 : index
      %swap3A_139 = tpu.vector_load %arg5[%swap3A_137, %swap3A_138] {strides = array<i32>} : memref<250x80xi32, #tpu.memory_space<vmem>>, vector<1x16xi32>,
      %swap3A_140 = vector.shape_cast %swap3A_139 : vector<1x16xi32> to vector<16xi32>
      %swap3A_141 = vector.shape_cast %select_n3A_136 : vector<16xi32> to vector<1x16xi32>
      tpu.vector_store %arg5[%swap3A_137, %swap3A_138], %swap3A_141 {strides = array<i32>} : memref<250x80xi32, #tpu.memory_space<vmem>>, vector<1x16xi32>,
      %get3A_142 = arith.index_cast %add3A_74 : i32 to index
      %get3A_143 = arith.constant 48 : index
      %get3A_144 = tpu.vector_load %arg4[%get3A_142, %get3A_143] {strides = array<i32>} : memref<250x80xi32, #tpu.memory_space<vmem>>, vector<1x16xi32>,
      %get3A_145 = vector.shape_cast %get3A_144 : vector<1x16xi32> to vector<16xi32>
      %sub3A_146 = vector.broadcast %mul3A_12 : i32 to vector<16xi32>
      %sub3A_147 = arith.subi %get3A_145, %sub3A_146 : vector<16xi32>
      %lt3A_148 = arith.constant 0 : i32
      %lt3A_149 = vector.broadcast %lt3A_148 : i32 to vector<16xi32>
      %lt3A_150 = arith.cmpi slt, %sub3A_147, %lt3A_149 : vector<16xi32>
      %ge3A_151 = arith.constant 2500 : i32
      %ge3A_152 = vector.broadcast %ge3A_151 : i32 to vector<16xi32>
      %ge3A_153 = arith.cmpi sge, %sub3A_147, %ge3A_152 : vector<16xi32>
      %or3A_154 = arith.ori %lt3A_150, %ge3A_153 : vector<16xi1>
      %and3A_155 = arith.constant 31 : i32
      %and3A_156 = vector.broadcast %and3A_155 : i32 to vector<16xi32>
      %and3A_157 = arith.andi %get3A_145, %and3A_156 : vector<16xi32>
      %add3A_158 = arith.constant 2500 : i32
      %add3A_159 = vector.broadcast %add3A_158 : i32 to vector<16xi32>
      %add3A_160 = arith.addi %add3A_159, %and3A_157 : vector<16xi32>
      %select_n3A_161 = arith.select %or3A_154, %add3A_160, %sub3A_147 : vector<16xi1>, vector<16xi32>
      %swap3A_162 = arith.index_cast %add3A_74 : i32 to index
      %swap3A_163 = arith.constant 48 : index
      %swap3A_164 = tpu.vector_load %arg5[%swap3A_162, %swap3A_163] {strides = array<i32>} : memref<250x80xi32, #tpu.memory_space<vmem>>, vector<1x16xi32>,
      %swap3A_165 = vector.shape_cast %swap3A_164 : vector<1x16xi32> to vector<16xi32>
      %swap3A_166 = vector.shape_cast %select_n3A_161 : vector<16xi32> to vector<1x16xi32>
      tpu.vector_store %arg5[%swap3A_162, %swap3A_163], %swap3A_166 {strides = array<i32>} : memref<250x80xi32, #tpu.memory_space<vmem>>, vector<1x16xi32>,
      %get3A_167 = arith.index_cast %add3A_74 : i32 to index
      %get3A_168 = arith.constant 64 : index
      %get3A_169 = tpu.vector_load %arg4[%get3A_167, %get3A_168] {strides = array<i32>} : memref<250x80xi32, #tpu.memory_space<vmem>>, vector<1x16xi32>,
      %get3A_170 = vector.shape_cast %get3A_169 : vector<1x16xi32> to vector<16xi32>
      %sub3A_171 = vector.broadcast %mul3A_12 : i32 to vector<16xi32>
      %sub3A_172 = arith.subi %get3A_170, %sub3A_171 : vector<16xi32>
      %lt3A_173 = arith.constant 0 : i32
      %lt3A_174 = vector.broadcast %lt3A_173 : i32 to vector<16xi32>
      %lt3A_175 = arith.cmpi slt, %sub3A_172, %lt3A_174 : vector<16xi32>
      %ge3A_176 = arith.constant 2500 : i32
      %ge3A_177 = vector.broadcast %ge3A_176 : i32 to vector<16xi32>
      %ge3A_178 = arith.cmpi sge, %sub3A_172, %ge3A_177 : vector<16xi32>
      %or3A_179 = arith.ori %lt3A_175, %ge3A_178 : vector<16xi1>
      %and3A_180 = arith.constant 31 : i32
      %and3A_181 = vector.broadcast %and3A_180 : i32 to vector<16xi32>
      %and3A_182 = arith.andi %get3A_170, %and3A_181 : vector<16xi32>
      %add3A_183 = arith.constant 2500 : i32
      %add3A_184 = vector.broadcast %add3A_183 : i32 to vector<16xi32>
      %add3A_185 = arith.addi %add3A_184, %and3A_182 : vector<16xi32>
      %select_n3A_186 = arith.select %or3A_179, %add3A_185, %sub3A_172 : vector<16xi1>, vector<16xi32>
      %swap3A_187 = arith.index_cast %add3A_74 : i32 to index
      %swap3A_188 = arith.constant 64 : index
      %swap3A_189 = tpu.vector_load %arg5[%swap3A_187, %swap3A_188] {strides = array<i32>} : memref<250x80xi32, #tpu.memory_space<vmem>>, vector<1x16xi32>,
      %swap3A_190 = vector.shape_cast %swap3A_189 : vector<1x16xi32> to vector<16xi32>
      %swap3A_191 = vector.shape_cast %select_n3A_186 : vector<16xi32> to vector<1x16xi32>
      tpu.vector_store %arg5[%swap3A_187, %swap3A_188], %swap3A_191 {strides = array<i32>} : memref<250x80xi32, #tpu.memory_space<vmem>>, vector<1x16xi32>,
    }
    %scan3A_19 = arith.constant 250 : i32
    %scan3A_20 = arith.constant 0 : i32
    %scan3A_21 = arith.constant 250 : i32
    %scan3A_22 = arith.addi %scan3A_20, %scan3A_21 : i32
    %scan3A_23 = arith.constant 1 : i32
    scf.for %scan3A_70 = %scan3A_20 to %scan3A_22 step %scan3A_23  : i32 {
      %mul3A_71 = arith.constant 1 : i32
      %mul3A_72 = arith.muli %scan3A_70, %mul3A_71 : i32
      %add3A_73 = arith.constant 0 : i32
      %add3A_74 = arith.addi %add3A_73, %mul3A_72 : i32
      "tpu.region"() ({
        %run_scoped3A = tpu.sem_alloc : memref<!tpu.dma_semaphore, #tpu.memory_space<semaphore_mem>>
        %dma_start3A = arith.constant 0 : i32
        %dma_start3A_75 = tpu.memref_slice %arg5[%add3A_74, %dma_start3A] : memref<250x80xi32, #tpu.memory_space<vmem>> -> memref<1x80xi32, #tpu.memory_space<vmem>>
        %dma_start3A_76 = tpu.memref_squeeze %dma_start3A_75 : memref<1x80xi32, #tpu.memory_space<vmem>> -> memref<80xi32, #tpu.memory_space<vmem>>
        %dma_start3A_77 = arith.constant 0 : i32
        %dma_start3A_78 = arith.constant 0 : i32
        %dma_start3A_79 = tpu.memref_slice %arg8[%dma_start3A_77, %dma_start3A_78] : memref<2560x16xf32, #tpu.memory_space<vmem_shared>> -> memref<2560x16xf32, #tpu.memory_space<vmem_shared>>
        tpu.enqueue_indirect_dma source(%arg6 : memref<80x16xf32, #tpu.memory_space<vmem>>) target(%dma_start3A_79 : memref<2560x16xf32, #tpu.memory_space<vmem_shared>>) offsets(%dma_start3A_76 : memref<80xi32, #tpu.memory_space<vmem>>) semaphore(%run_scoped3A : memref<!tpu.dma_semaphore, #tpu.memory_space<semaphore_mem>>) {add = true}
        %dma_wait3A = arith.constant 0 : i32
        %dma_wait3A_80 = tpu.memref_slice %arg5[%add3A_74, %dma_wait3A] : memref<250x80xi32, #tpu.memory_space<vmem>> -> memref<1x80xi32, #tpu.memory_space<vmem>>
        %dma_wait3A_81 = tpu.memref_squeeze %dma_wait3A_80 : memref<1x80xi32, #tpu.memory_space<vmem>> -> memref<80xi32, #tpu.memory_space<vmem>>
        %dma_wait3A_82 = arith.constant 0 : i32
        %dma_wait3A_83 = arith.constant 0 : i32
        %dma_wait3A_84 = tpu.memref_slice %arg8[%dma_wait3A_82, %dma_wait3A_83] : memref<2560x16xf32, #tpu.memory_space<vmem_shared>> -> memref<2560x16xf32, #tpu.memory_space<vmem_shared>>
        tpu.wait_indirect_dma semaphore(%run_scoped3A : memref<!tpu.dma_semaphore, #tpu.memory_space<semaphore_mem>>) src(%arg6 : memref<80x16xf32, #tpu.memory_space<vmem>>) dst(%dma_wait3A_84 : memref<2560x16xf32, #tpu.memory_space<vmem_shared>>)
        tpu.yield
      }) : () -> ()
    }
    %scan3A_24 = arith.constant 250 : i32
    %barrier3A_25 = arith.constant 0 : index
    tpu.barrier barrier_id(%barrier3A_25)
    %mul3A_26 = arith.constant 160 : i32
    %mul3A_27 = arith.muli %arg1, %mul3A_26 : i32
    "tpu.region"() ({
      %run_scoped3A = tpu.sem_alloc : memref<!tpu.dma_semaphore, #tpu.memory_space<semaphore_mem>>
      %dma_start3A = arith.constant 0 : i32
      %dma_start3A_70 = tpu.memref_slice %arg8[%mul3A_27, %dma_start3A] : memref<2560x16xf32, #tpu.memory_space<vmem_shared>> -> memref<160x16xf32, #tpu.memory_space<vmem_shared>>
      %dma_start3A_71 = arith.constant 0 : i32
      %dma_start3A_72 = tpu.memref_slice %arg8[%mul3A_27, %dma_start3A_71] : memref<2560x16xf32, #tpu.memory_space<vmem_shared>> -> memref<160x16xf32, #tpu.memory_space<vmem_shared>>
      tpu.enqueue_dma source(%dma_start3A_72 : memref<160x16xf32, #tpu.memory_space<vmem_shared>>) target(%arg7 : memref<160x16xf32, #tpu.memory_space<vmem>>) target_semaphore(%run_scoped3A : memref<!tpu.dma_semaphore, #tpu.memory_space<semaphore_mem>>)
      %dma_wait3A = arith.constant 0 : i32
      %dma_wait3A_73 = tpu.memref_slice %arg8[%mul3A_27, %dma_wait3A] : memref<2560x16xf32, #tpu.memory_space<vmem_shared>> -> memref<160x16xf32, #tpu.memory_space<vmem_shared>>
      %dma_wait3A_74 = arith.constant 0 : i32
      %dma_wait3A_75 = tpu.memref_slice %arg8[%mul3A_27, %dma_wait3A_74] : memref<2560x16xf32, #tpu.memory_space<vmem_shared>> -> memref<160x16xf32, #tpu.memory_space<vmem_shared>>
      tpu.wait_dma2 semaphore(%run_scoped3A : memref<!tpu.dma_semaphore, #tpu.memory_space<semaphore_mem>>) src(%dma_wait3A_75 : memref<160x16xf32, #tpu.memory_space<vmem_shared>>) dst(%arg7 : memref<160x16xf32, #tpu.memory_space<vmem>>)
      tpu.yield
    }) : () -> ()
    %mul3A_28 = arith.constant 160 : i32
    %mul3A_29 = arith.muli %arg1, %mul3A_28 : i32
    %add3A_30 = arith.constant 0 : i32
    %add3A_31 = arith.addi %add3A_30, %mul3A_29 : i32
    "tpu.region"() ({
      %run_scoped3A = tpu.sem_alloc : memref<!tpu.dma_semaphore, #tpu.memory_space<semaphore_mem>>
      %dma_start3A = arith.constant 0 : i32
      %dma_start3A_70 = tpu.memref_slice %arg3[%arg0, %add3A_31, %dma_start3A] : memref<2x5120x16xf32, #tpu.memory_space<hbm>> -> memref<1x160x16xf32, #tpu.memory_space<hbm>>
      %dma_start3A_71 = tpu.memref_squeeze %dma_start3A_70 : memref<1x160x16xf32, #tpu.memory_space<hbm>> -> memref<160x16xf32, #tpu.memory_space<hbm>>
      %dma_start3A_72 = arith.constant 0 : i32
      %dma_start3A_73 = tpu.memref_slice %arg3[%arg0, %add3A_31, %dma_start3A_72] : memref<2x5120x16xf32, #tpu.memory_space<hbm>> -> memref<1x160x16xf32, #tpu.memory_space<hbm>>
      %dma_start3A_74 = tpu.memref_squeeze %dma_start3A_73 : memref<1x160x16xf32, #tpu.memory_space<hbm>> -> memref<160x16xf32, #tpu.memory_space<hbm>>
      tpu.enqueue_dma source(%arg7 : memref<160x16xf32, #tpu.memory_space<vmem>>) target(%dma_start3A_74 : memref<160x16xf32, #tpu.memory_space<hbm>>) target_semaphore(%run_scoped3A : memref<!tpu.dma_semaphore, #tpu.memory_space<semaphore_mem>>)
      %dma_wait3A = arith.constant 0 : i32
      %dma_wait3A_75 = tpu.memref_slice %arg3[%arg0, %add3A_31, %dma_wait3A] : memref<2x5120x16xf32, #tpu.memory_space<hbm>> -> memref<1x160x16xf32, #tpu.memory_space<hbm>>
      %dma_wait3A_76 = tpu.memref_squeeze %dma_wait3A_75 : memref<1x160x16xf32, #tpu.memory_space<hbm>> -> memref<160x16xf32, #tpu.memory_space<hbm>>
      %dma_wait3A_77 = arith.constant 0 : i32
      %dma_wait3A_78 = tpu.memref_slice %arg3[%arg0, %add3A_31, %dma_wait3A_77] : memref<2x5120x16xf32, #tpu.memory_space<hbm>> -> memref<1x160x16xf32, #tpu.memory_space<hbm>>
      %dma_wait3A_79 = tpu.memref_squeeze %dma_wait3A_78 : memref<1x160x16xf32, #tpu.memory_space<hbm>> -> memref<160x16xf32, #tpu.memory_space<hbm>>
      tpu.wait_dma2 semaphore(%run_scoped3A : memref<!tpu.dma_semaphore, #tpu.memory_space<semaphore_mem>>) src(%arg7 : memref<160x16xf32, #tpu.memory_space<vmem>>) dst(%dma_wait3A_79 : memref<160x16xf32, #tpu.memory_space<hbm>>)
      tpu.yield
    }) : () -> ()
    %scan3A_32 = arith.constant 0 : i32
    %scan3A_33 = arith.constant 160 : i32
    %scan3A_34 = arith.addi %scan3A_32, %scan3A_33 : i32
    %scan3A_35 = arith.constant 1 : i32
    scf.for %scan3A_70 = %scan3A_32 to %scan3A_34 step %scan3A_35  : i32 {
      %mul3A_71 = arith.constant 1 : i32
      %mul3A_72 = arith.muli %scan3A_70, %mul3A_71 : i32
      %add3A_73 = arith.constant 0 : i32
      %add3A_74 = arith.addi %add3A_73, %mul3A_72 : i32
      %broadcast_in_dim3A = arith.constant 0.000000e+00 : f32
      %broadcast_in_dim3A_75 = vector.broadcast %broadcast_in_dim3A : f32 to vector<16xf32>
      %swap3A = arith.index_cast %add3A_74 : i32 to index
      %swap3A_76 = arith.constant 0 : index
      %swap3A_77 = tpu.vector_load %arg7[%swap3A, %swap3A_76] {strides = array<i32>} : memref<160x16xf32, #tpu.memory_space<vmem>>, vector<1x16xf32>,
      %swap3A_78 = vector.shape_cast %swap3A_77 : vector<1x16xf32> to vector<16xf32>
      %swap3A_79 = vector.shape_cast %broadcast_in_dim3A_75 : vector<16xf32> to vector<1x16xf32>
      tpu.vector_store %arg7[%swap3A, %swap3A_76], %swap3A_79 {strides = array<i32>} : memref<160x16xf32, #tpu.memory_space<vmem>>, vector<1x16xf32>,
    }
    %scan3A_36 = arith.constant 160 : i32
    %barrier3A_37 = arith.constant 0 : index
    tpu.barrier barrier_id(%barrier3A_37)
    %mul3A_38 = arith.constant 2 : i32
    %mul3A_39 = arith.muli %mul3A_38, %arg0 : i32
    %add3A_40 = arith.constant 1 : i32
    %add3A_41 = arith.addi %mul3A_39, %add3A_40 : i32
    %mul3A_42 = arith.constant 2500 : i32
    %mul3A_43 = arith.muli %add3A_41, %mul3A_42 : i32
    %mul3A_44 = arith.constant 160 : i32
    %mul3A_45 = arith.muli %arg1, %mul3A_44 : i32
    "tpu.region"() ({
      %run_scoped3A = tpu.sem_alloc : memref<!tpu.dma_semaphore, #tpu.memory_space<semaphore_mem>>
      %dma_start3A = arith.constant 0 : i32
      %dma_start3A_70 = tpu.memref_slice %arg8[%mul3A_45, %dma_start3A] : memref<2560x16xf32, #tpu.memory_space<vmem_shared>> -> memref<160x16xf32, #tpu.memory_space<vmem_shared>>
      %dma_start3A_71 = arith.constant 0 : i32
      %dma_start3A_72 = tpu.memref_slice %arg8[%mul3A_45, %dma_start3A_71] : memref<2560x16xf32, #tpu.memory_space<vmem_shared>> -> memref<160x16xf32, #tpu.memory_space<vmem_shared>>
      tpu.enqueue_dma source(%arg7 : memref<160x16xf32, #tpu.memory_space<vmem>>) target(%dma_start3A_72 : memref<160x16xf32, #tpu.memory_space<vmem_shared>>) target_semaphore(%run_scoped3A : memref<!tpu.dma_semaphore, #tpu.memory_space<semaphore_mem>>)
      %dma_wait3A = arith.constant 0 : i32
      %dma_wait3A_73 = tpu.memref_slice %arg8[%mul3A_45, %dma_wait3A] : memref<2560x16xf32, #tpu.memory_space<vmem_shared>> -> memref<160x16xf32, #tpu.memory_space<vmem_shared>>
      %dma_wait3A_74 = arith.constant 0 : i32
      %dma_wait3A_75 = tpu.memref_slice %arg8[%mul3A_45, %dma_wait3A_74] : memref<2560x16xf32, #tpu.memory_space<vmem_shared>> -> memref<160x16xf32, #tpu.memory_space<vmem_shared>>
      tpu.wait_dma2 semaphore(%run_scoped3A : memref<!tpu.dma_semaphore, #tpu.memory_space<semaphore_mem>>) src(%arg7 : memref<160x16xf32, #tpu.memory_space<vmem>>) dst(%dma_wait3A_75 : memref<160x16xf32, #tpu.memory_space<vmem_shared>>)
      tpu.yield
    }) : () -> ()
    %barrier3A_46 = arith.constant 0 : index
    tpu.barrier barrier_id(%barrier3A_46)
    %scan3A_47 = arith.constant 0 : i32
    %scan3A_48 = arith.constant 250 : i32
    %scan3A_49 = arith.addi %scan3A_47, %scan3A_48 : i32
    %scan3A_50 = arith.constant 1 : i32
    scf.for %scan3A_70 = %scan3A_47 to %scan3A_49 step %scan3A_50  : i32 {
      %mul3A_71 = arith.constant 1 : i32
      %mul3A_72 = arith.muli %scan3A_70, %mul3A_71 : i32
      %add3A_73 = arith.constant 0 : i32
      %add3A_74 = arith.addi %add3A_73, %mul3A_72 : i32
      %get3A = arith.index_cast %add3A_74 : i32 to index
      %get3A_75 = arith.constant 0 : index
      %get3A_76 = tpu.vector_load %arg4[%get3A, %get3A_75] {strides = array<i32>} : memref<250x80xi32, #tpu.memory_space<vmem>>, vector<1x16xi32>,
      %get3A_77 = vector.shape_cast %get3A_76 : vector<1x16xi32> to vector<16xi32>
      %sub3A = vector.broadcast %mul3A_43 : i32 to vector<16xi32>
      %sub3A_78 = arith.subi %get3A_77, %sub3A : vector<16xi32>
      %lt3A = arith.constant 0 : i32
      %lt3A_79 = vector.broadcast %lt3A : i32 to vector<16xi32>
      %lt3A_80 = arith.cmpi slt, %sub3A_78, %lt3A_79 : vector<16xi32>
      %ge3A = arith.constant 2500 : i32
      %ge3A_81 = vector.broadcast %ge3A : i32 to vector<16xi32>
      %ge3A_82 = arith.cmpi sge, %sub3A_78, %ge3A_81 : vector<16xi32>
      %or3A = arith.ori %lt3A_80, %ge3A_82 : vector<16xi1>
      %and3A = arith.constant 31 : i32
      %and3A_83 = vector.broadcast %and3A : i32 to vector<16xi32>
      %and3A_84 = arith.andi %get3A_77, %and3A_83 : vector<16xi32>
      %add3A_85 = arith.constant 2500 : i32
      %add3A_86 = vector.broadcast %add3A_85 : i32 to vector<16xi32>
      %add3A_87 = arith.addi %add3A_86, %and3A_84 : vector<16xi32>
      %select_n3A = arith.select %or3A, %add3A_87, %sub3A_78 : vector<16xi1>, vector<16xi32>
      %swap3A = arith.index_cast %add3A_74 : i32 to index
      %swap3A_88 = arith.constant 0 : index
      %swap3A_89 = tpu.vector_load %arg5[%swap3A, %swap3A_88] {strides = array<i32>} : memref<250x80xi32, #tpu.memory_space<vmem>>, vector<1x16xi32>,
      %swap3A_90 = vector.shape_cast %swap3A_89 : vector<1x16xi32> to vector<16xi32>
      %swap3A_91 = vector.shape_cast %select_n3A : vector<16xi32> to vector<1x16xi32>
      tpu.vector_store %arg5[%swap3A, %swap3A_88], %swap3A_91 {strides = array<i32>} : memref<250x80xi32, #tpu.memory_space<vmem>>, vector<1x16xi32>,
      %get3A_92 = arith.index_cast %add3A_74 : i32 to index
      %get3A_93 = arith.constant 16 : index
      %get3A_94 = tpu.vector_load %arg4[%get3A_92, %get3A_93] {strides = array<i32>} : memref<250x80xi32, #tpu.memory_space<vmem>>, vector<1x16xi32>,
      %get3A_95 = vector.shape_cast %get3A_94 : vector<1x16xi32> to vector<16xi32>
      %sub3A_96 = vector.broadcast %mul3A_43 : i32 to vector<16xi32>
      %sub3A_97 = arith.subi %get3A_95, %sub3A_96 : vector<16xi32>
      %lt3A_98 = arith.constant 0 : i32
      %lt3A_99 = vector.broadcast %lt3A_98 : i32 to vector<16xi32>
      %lt3A_100 = arith.cmpi slt, %sub3A_97, %lt3A_99 : vector<16xi32>
      %ge3A_101 = arith.constant 2500 : i32
      %ge3A_102 = vector.broadcast %ge3A_101 : i32 to vector<16xi32>
      %ge3A_103 = arith.cmpi sge, %sub3A_97, %ge3A_102 : vector<16xi32>
      %or3A_104 = arith.ori %lt3A_100, %ge3A_103 : vector<16xi1>
      %and3A_105 = arith.constant 31 : i32
      %and3A_106 = vector.broadcast %and3A_105 : i32 to vector<16xi32>
      %and3A_107 = arith.andi %get3A_95, %and3A_106 : vector<16xi32>
      %add3A_108 = arith.constant 2500 : i32
      %add3A_109 = vector.broadcast %add3A_108 : i32 to vector<16xi32>
      %add3A_110 = arith.addi %add3A_109, %and3A_107 : vector<16xi32>
      %select_n3A_111 = arith.select %or3A_104, %add3A_110, %sub3A_97 : vector<16xi1>, vector<16xi32>
      %swap3A_112 = arith.index_cast %add3A_74 : i32 to index
      %swap3A_113 = arith.constant 16 : index
      %swap3A_114 = tpu.vector_load %arg5[%swap3A_112, %swap3A_113] {strides = array<i32>} : memref<250x80xi32, #tpu.memory_space<vmem>>, vector<1x16xi32>,
      %swap3A_115 = vector.shape_cast %swap3A_114 : vector<1x16xi32> to vector<16xi32>
      %swap3A_116 = vector.shape_cast %select_n3A_111 : vector<16xi32> to vector<1x16xi32>
      tpu.vector_store %arg5[%swap3A_112, %swap3A_113], %swap3A_116 {strides = array<i32>} : memref<250x80xi32, #tpu.memory_space<vmem>>, vector<1x16xi32>,
      %get3A_117 = arith.index_cast %add3A_74 : i32 to index
      %get3A_118 = arith.constant 32 : index
      %get3A_119 = tpu.vector_load %arg4[%get3A_117, %get3A_118] {strides = array<i32>} : memref<250x80xi32, #tpu.memory_space<vmem>>, vector<1x16xi32>,
      %get3A_120 = vector.shape_cast %get3A_119 : vector<1x16xi32> to vector<16xi32>
      %sub3A_121 = vector.broadcast %mul3A_43 : i32 to vector<16xi32>
      %sub3A_122 = arith.subi %get3A_120, %sub3A_121 : vector<16xi32>
      %lt3A_123 = arith.constant 0 : i32
      %lt3A_124 = vector.broadcast %lt3A_123 : i32 to vector<16xi32>
      %lt3A_125 = arith.cmpi slt, %sub3A_122, %lt3A_124 : vector<16xi32>
      %ge3A_126 = arith.constant 2500 : i32
      %ge3A_127 = vector.broadcast %ge3A_126 : i32 to vector<16xi32>
      %ge3A_128 = arith.cmpi sge, %sub3A_122, %ge3A_127 : vector<16xi32>
      %or3A_129 = arith.ori %lt3A_125, %ge3A_128 : vector<16xi1>
      %and3A_130 = arith.constant 31 : i32
      %and3A_131 = vector.broadcast %and3A_130 : i32 to vector<16xi32>
      %and3A_132 = arith.andi %get3A_120, %and3A_131 : vector<16xi32>
      %add3A_133 = arith.constant 2500 : i32
      %add3A_134 = vector.broadcast %add3A_133 : i32 to vector<16xi32>
      %add3A_135 = arith.addi %add3A_134, %and3A_132 : vector<16xi32>
      %select_n3A_136 = arith.select %or3A_129, %add3A_135, %sub3A_122 : vector<16xi1>, vector<16xi32>
      %swap3A_137 = arith.index_cast %add3A_74 : i32 to index
      %swap3A_138 = arith.constant 32 : index
      %swap3A_139 = tpu.vector_load %arg5[%swap3A_137, %swap3A_138] {strides = array<i32>} : memref<250x80xi32, #tpu.memory_space<vmem>>, vector<1x16xi32>,
      %swap3A_140 = vector.shape_cast %swap3A_139 : vector<1x16xi32> to vector<16xi32>
      %swap3A_141 = vector.shape_cast %select_n3A_136 : vector<16xi32> to vector<1x16xi32>
      tpu.vector_store %arg5[%swap3A_137, %swap3A_138], %swap3A_141 {strides = array<i32>} : memref<250x80xi32, #tpu.memory_space<vmem>>, vector<1x16xi32>,
      %get3A_142 = arith.index_cast %add3A_74 : i32 to index
      %get3A_143 = arith.constant 48 : index
      %get3A_144 = tpu.vector_load %arg4[%get3A_142, %get3A_143] {strides = array<i32>} : memref<250x80xi32, #tpu.memory_space<vmem>>, vector<1x16xi32>,
      %get3A_145 = vector.shape_cast %get3A_144 : vector<1x16xi32> to vector<16xi32>
      %sub3A_146 = vector.broadcast %mul3A_43 : i32 to vector<16xi32>
      %sub3A_147 = arith.subi %get3A_145, %sub3A_146 : vector<16xi32>
      %lt3A_148 = arith.constant 0 : i32
      %lt3A_149 = vector.broadcast %lt3A_148 : i32 to vector<16xi32>
      %lt3A_150 = arith.cmpi slt, %sub3A_147, %lt3A_149 : vector<16xi32>
      %ge3A_151 = arith.constant 2500 : i32
      %ge3A_152 = vector.broadcast %ge3A_151 : i32 to vector<16xi32>
      %ge3A_153 = arith.cmpi sge, %sub3A_147, %ge3A_152 : vector<16xi32>
      %or3A_154 = arith.ori %lt3A_150, %ge3A_153 : vector<16xi1>
      %and3A_155 = arith.constant 31 : i32
      %and3A_156 = vector.broadcast %and3A_155 : i32 to vector<16xi32>
      %and3A_157 = arith.andi %get3A_145, %and3A_156 : vector<16xi32>
      %add3A_158 = arith.constant 2500 : i32
      %add3A_159 = vector.broadcast %add3A_158 : i32 to vector<16xi32>
      %add3A_160 = arith.addi %add3A_159, %and3A_157 : vector<16xi32>
      %select_n3A_161 = arith.select %or3A_154, %add3A_160, %sub3A_147 : vector<16xi1>, vector<16xi32>
      %swap3A_162 = arith.index_cast %add3A_74 : i32 to index
      %swap3A_163 = arith.constant 48 : index
      %swap3A_164 = tpu.vector_load %arg5[%swap3A_162, %swap3A_163] {strides = array<i32>} : memref<250x80xi32, #tpu.memory_space<vmem>>, vector<1x16xi32>,
      %swap3A_165 = vector.shape_cast %swap3A_164 : vector<1x16xi32> to vector<16xi32>
      %swap3A_166 = vector.shape_cast %select_n3A_161 : vector<16xi32> to vector<1x16xi32>
      tpu.vector_store %arg5[%swap3A_162, %swap3A_163], %swap3A_166 {strides = array<i32>} : memref<250x80xi32, #tpu.memory_space<vmem>>, vector<1x16xi32>,
      %get3A_167 = arith.index_cast %add3A_74 : i32 to index
      %get3A_168 = arith.constant 64 : index
      %get3A_169 = tpu.vector_load %arg4[%get3A_167, %get3A_168] {strides = array<i32>} : memref<250x80xi32, #tpu.memory_space<vmem>>, vector<1x16xi32>,
      %get3A_170 = vector.shape_cast %get3A_169 : vector<1x16xi32> to vector<16xi32>
      %sub3A_171 = vector.broadcast %mul3A_43 : i32 to vector<16xi32>
      %sub3A_172 = arith.subi %get3A_170, %sub3A_171 : vector<16xi32>
      %lt3A_173 = arith.constant 0 : i32
      %lt3A_174 = vector.broadcast %lt3A_173 : i32 to vector<16xi32>
      %lt3A_175 = arith.cmpi slt, %sub3A_172, %lt3A_174 : vector<16xi32>
      %ge3A_176 = arith.constant 2500 : i32
      %ge3A_177 = vector.broadcast %ge3A_176 : i32 to vector<16xi32>
      %ge3A_178 = arith.cmpi sge, %sub3A_172, %ge3A_177 : vector<16xi32>
      %or3A_179 = arith.ori %lt3A_175, %ge3A_178 : vector<16xi1>
      %and3A_180 = arith.constant 31 : i32
      %and3A_181 = vector.broadcast %and3A_180 : i32 to vector<16xi32>
      %and3A_182 = arith.andi %get3A_170, %and3A_181 : vector<16xi32>
      %add3A_183 = arith.constant 2500 : i32
      %add3A_184 = vector.broadcast %add3A_183 : i32 to vector<16xi32>
      %add3A_185 = arith.addi %add3A_184, %and3A_182 : vector<16xi32>
      %select_n3A_186 = arith.select %or3A_179, %add3A_185, %sub3A_172 : vector<16xi1>, vector<16xi32>
      %swap3A_187 = arith.index_cast %add3A_74 : i32 to index
      %swap3A_188 = arith.constant 64 : index
      %swap3A_189 = tpu.vector_load %arg5[%swap3A_187, %swap3A_188] {strides = array<i32>} : memref<250x80xi32, #tpu.memory_space<vmem>>, vector<1x16xi32>,
      %swap3A_190 = vector.shape_cast %swap3A_189 : vector<1x16xi32> to vector<16xi32>
      %swap3A_191 = vector.shape_cast %select_n3A_186 : vector<16xi32> to vector<1x16xi32>
      tpu.vector_store %arg5[%swap3A_187, %swap3A_188], %swap3A_191 {strides = array<i32>} : memref<250x80xi32, #tpu.memory_space<vmem>>, vector<1x16xi32>,
    }
    %scan3A_51 = arith.constant 250 : i32
    %scan3A_52 = arith.constant 0 : i32
    %scan3A_53 = arith.constant 250 : i32
    %scan3A_54 = arith.addi %scan3A_52, %scan3A_53 : i32
    %scan3A_55 = arith.constant 1 : i32
    scf.for %scan3A_70 = %scan3A_52 to %scan3A_54 step %scan3A_55  : i32 {
      %mul3A_71 = arith.constant 1 : i32
      %mul3A_72 = arith.muli %scan3A_70, %mul3A_71 : i32
      %add3A_73 = arith.constant 0 : i32
      %add3A_74 = arith.addi %add3A_73, %mul3A_72 : i32
      "tpu.region"() ({
        %run_scoped3A = tpu.sem_alloc : memref<!tpu.dma_semaphore, #tpu.memory_space<semaphore_mem>>
        %dma_start3A = arith.constant 0 : i32
        %dma_start3A_75 = tpu.memref_slice %arg5[%add3A_74, %dma_start3A] : memref<250x80xi32, #tpu.memory_space<vmem>> -> memref<1x80xi32, #tpu.memory_space<vmem>>
        %dma_start3A_76 = tpu.memref_squeeze %dma_start3A_75 : memref<1x80xi32, #tpu.memory_space<vmem>> -> memref<80xi32, #tpu.memory_space<vmem>>
        %dma_start3A_77 = arith.constant 0 : i32
        %dma_start3A_78 = arith.constant 0 : i32
        %dma_start3A_79 = tpu.memref_slice %arg8[%dma_start3A_77, %dma_start3A_78] : memref<2560x16xf32, #tpu.memory_space<vmem_shared>> -> memref<2560x16xf32, #tpu.memory_space<vmem_shared>>
        tpu.enqueue_indirect_dma source(%arg6 : memref<80x16xf32, #tpu.memory_space<vmem>>) target(%dma_start3A_79 : memref<2560x16xf32, #tpu.memory_space<vmem_shared>>) offsets(%dma_start3A_76 : memref<80xi32, #tpu.memory_space<vmem>>) semaphore(%run_scoped3A : memref<!tpu.dma_semaphore, #tpu.memory_space<semaphore_mem>>) {add = true}
        %dma_wait3A = arith.constant 0 : i32
        %dma_wait3A_80 = tpu.memref_slice %arg5[%add3A_74, %dma_wait3A] : memref<250x80xi32, #tpu.memory_space<vmem>> -> memref<1x80xi32, #tpu.memory_space<vmem>>
        %dma_wait3A_81 = tpu.memref_squeeze %dma_wait3A_80 : memref<1x80xi32, #tpu.memory_space<vmem>> -> memref<80xi32, #tpu.memory_space<vmem>>
        %dma_wait3A_82 = arith.constant 0 : i32
        %dma_wait3A_83 = arith.constant 0 : i32
        %dma_wait3A_84 = tpu.memref_slice %arg8[%dma_wait3A_82, %dma_wait3A_83] : memref<2560x16xf32, #tpu.memory_space<vmem_shared>> -> memref<2560x16xf32, #tpu.memory_space<vmem_shared>>
        tpu.wait_indirect_dma semaphore(%run_scoped3A : memref<!tpu.dma_semaphore, #tpu.memory_space<semaphore_mem>>) src(%arg6 : memref<80x16xf32, #tpu.memory_space<vmem>>) dst(%dma_wait3A_84 : memref<2560x16xf32, #tpu.memory_space<vmem_shared>>)
        tpu.yield
      }) : () -> ()
    }
    %scan3A_56 = arith.constant 250 : i32
    %barrier3A_57 = arith.constant 0 : index
    tpu.barrier barrier_id(%barrier3A_57)
    %mul3A_58 = arith.constant 160 : i32
    %mul3A_59 = arith.muli %arg1, %mul3A_58 : i32
    "tpu.region"() ({
      %run_scoped3A = tpu.sem_alloc : memref<!tpu.dma_semaphore, #tpu.memory_space<semaphore_mem>>
      %dma_start3A = arith.constant 0 : i32
      %dma_start3A_70 = tpu.memref_slice %arg8[%mul3A_59, %dma_start3A] : memref<2560x16xf32, #tpu.memory_space<vmem_shared>> -> memref<160x16xf32, #tpu.memory_space<vmem_shared>>
      %dma_start3A_71 = arith.constant 0 : i32
      %dma_start3A_72 = tpu.memref_slice %arg8[%mul3A_59, %dma_start3A_71] : memref<2560x16xf32, #tpu.memory_space<vmem_shared>> -> memref<160x16xf32, #tpu.memory_space<vmem_shared>>
      tpu.enqueue_dma source(%dma_start3A_72 : memref<160x16xf32, #tpu.memory_space<vmem_shared>>) target(%arg7 : memref<160x16xf32, #tpu.memory_space<vmem>>) target_semaphore(%run_scoped3A : memref<!tpu.dma_semaphore, #tpu.memory_space<semaphore_mem>>)
      %dma_wait3A = arith.constant 0 : i32
      %dma_wait3A_73 = tpu.memref_slice %arg8[%mul3A_59, %dma_wait3A] : memref<2560x16xf32, #tpu.memory_space<vmem_shared>> -> memref<160x16xf32, #tpu.memory_space<vmem_shared>>
      %dma_wait3A_74 = arith.constant 0 : i32
      %dma_wait3A_75 = tpu.memref_slice %arg8[%mul3A_59, %dma_wait3A_74] : memref<2560x16xf32, #tpu.memory_space<vmem_shared>> -> memref<160x16xf32, #tpu.memory_space<vmem_shared>>
      tpu.wait_dma2 semaphore(%run_scoped3A : memref<!tpu.dma_semaphore, #tpu.memory_space<semaphore_mem>>) src(%dma_wait3A_75 : memref<160x16xf32, #tpu.memory_space<vmem_shared>>) dst(%arg7 : memref<160x16xf32, #tpu.memory_space<vmem>>)
      tpu.yield
    }) : () -> ()
    %mul3A_60 = arith.constant 160 : i32
    %mul3A_61 = arith.muli %arg1, %mul3A_60 : i32
    %add3A_62 = arith.constant 2560 : i32
    %add3A_63 = arith.addi %add3A_62, %mul3A_61 : i32
    "tpu.region"() ({
      %run_scoped3A = tpu.sem_alloc : memref<!tpu.dma_semaphore, #tpu.memory_space<semaphore_mem>>
      %dma_start3A = arith.constant 0 : i32
      %dma_start3A_70 = tpu.memref_slice %arg3[%arg0, %add3A_63, %dma_start3A] : memref<2x5120x16xf32, #tpu.memory_space<hbm>> -> memref<1x160x16xf32, #tpu.memory_space<hbm>>
      %dma_start3A_71 = tpu.memref_squeeze %dma_start3A_70 : memref<1x160x16xf32, #tpu.memory_space<hbm>> -> memref<160x16xf32, #tpu.memory_space<hbm>>
      %dma_start3A_72 = arith.constant 0 : i32
      %dma_start3A_73 = tpu.memref_slice %arg3[%arg0, %add3A_63, %dma_start3A_72] : memref<2x5120x16xf32, #tpu.memory_space<hbm>> -> memref<1x160x16xf32, #tpu.memory_space<hbm>>
      %dma_start3A_74 = tpu.memref_squeeze %dma_start3A_73 : memref<1x160x16xf32, #tpu.memory_space<hbm>> -> memref<160x16xf32, #tpu.memory_space<hbm>>
      tpu.enqueue_dma source(%arg7 : memref<160x16xf32, #tpu.memory_space<vmem>>) target(%dma_start3A_74 : memref<160x16xf32, #tpu.memory_space<hbm>>) target_semaphore(%run_scoped3A : memref<!tpu.dma_semaphore, #tpu.memory_space<semaphore_mem>>)
      %dma_wait3A = arith.constant 0 : i32
      %dma_wait3A_75 = tpu.memref_slice %arg3[%arg0, %add3A_63, %dma_wait3A] : memref<2x5120x16xf32, #tpu.memory_space<hbm>> -> memref<1x160x16xf32, #tpu.memory_space<hbm>>
      %dma_wait3A_76 = tpu.memref_squeeze %dma_wait3A_75 : memref<1x160x16xf32, #tpu.memory_space<hbm>> -> memref<160x16xf32, #tpu.memory_space<hbm>>
      %dma_wait3A_77 = arith.constant 0 : i32
      %dma_wait3A_78 = tpu.memref_slice %arg3[%arg0, %add3A_63, %dma_wait3A_77] : memref<2x5120x16xf32, #tpu.memory_space<hbm>> -> memref<1x160x16xf32, #tpu.memory_space<hbm>>
      %dma_wait3A_79 = tpu.memref_squeeze %dma_wait3A_78 : memref<1x160x16xf32, #tpu.memory_space<hbm>> -> memref<160x16xf32, #tpu.memory_space<hbm>>
      tpu.wait_dma2 semaphore(%run_scoped3A : memref<!tpu.dma_semaphore, #tpu.memory_space<semaphore_mem>>) src(%arg7 : memref<160x16xf32, #tpu.memory_space<vmem>>) dst(%dma_wait3A_79 : memref<160x16xf32, #tpu.memory_space<hbm>>)
      tpu.yield
    }) : () -> ()
    %scan3A_64 = arith.constant 0 : i32
    %scan3A_65 = arith.constant 160 : i32
    %scan3A_66 = arith.addi %scan3A_64, %scan3A_65 : i32
    %scan3A_67 = arith.constant 1 : i32
    scf.for %scan3A_70 = %scan3A_64 to %scan3A_66 step %scan3A_67  : i32 {
      %mul3A_71 = arith.constant 1 : i32
      %mul3A_72 = arith.muli %scan3A_70, %mul3A_71 : i32
      %add3A_73 = arith.constant 0 : i32
      %add3A_74 = arith.addi %add3A_73, %mul3A_72 : i32
      %broadcast_in_dim3A = arith.constant 0.000000e+00 : f32
      %broadcast_in_dim3A_75 = vector.broadcast %broadcast_in_dim3A : f32 to vector<16xf32>
      %swap3A = arith.index_cast %add3A_74 : i32 to index
      %swap3A_76 = arith.constant 0 : index
      %swap3A_77 = tpu.vector_load %arg7[%swap3A, %swap3A_76] {strides = array<i32>} : memref<160x16xf32, #tpu.memory_space<vmem>>, vector<1x16xf32>,
      %swap3A_78 = vector.shape_cast %swap3A_77 : vector<1x16xf32> to vector<16xf32>
      %swap3A_79 = vector.shape_cast %broadcast_in_dim3A_75 : vector<16xf32> to vector<1x16xf32>
      tpu.vector_store %arg7[%swap3A, %swap3A_76], %swap3A_79 {strides = array<i32>} : memref<160x16xf32, #tpu.memory_space<vmem>>, vector<1x16xf32>,
    }
    %scan3A_68 = arith.constant 160 : i32
    %barrier3A_69 = arith.constant 0 : index
    tpu.barrier barrier_id(%barrier3A_69)
    return
  }
}

#map = affine_map<(d0, d1) -> (0, 0)>
#map1 = affine_map<(d0, d1) -> (0, 0, 0)>
module attributes {stable_mosaic.version = 14 : i64} {
  func.func @_agg_kernel(%arg0: i32, %arg1: i32, %arg2: memref<10000x128xf32, #tpu.memory_space<hbm>>, %arg3: memref<16x10x2000xi32, #tpu.memory_space<hbm>>, %arg4: memref<16x10x2000xi32, #tpu.memory_space<hbm>>, %arg5: memref<2x1280x128xf32, #tpu.memory_space<hbm>>, %arg6: memref<2000xi32, #tpu.memory_space<vmem>>, %arg7: memref<2000xi32, #tpu.memory_space<vmem>>, %arg8: memref<20160xi32, #tpu.memory_space<vmem>>, %arg9: memref<2x80xi32, #tpu.memory_space<vmem>>, %arg10: memref<2x80xi32, #tpu.memory_space<vmem>>, %arg11: memref<80x128xf32, #tpu.memory_space<vmem>>, %arg12: memref<80x128xf32, #tpu.memory_space<vmem>>, %arg13: memref<1280x128xf32, #tpu.memory_space<vmem_shared>>, %arg14: memref<!tpu.dma_semaphore, #tpu.memory_space<semaphore_mem>>, %arg15: memref<!tpu.dma_semaphore, #tpu.memory_space<semaphore_mem>>) attributes {dimension_semantics = [#tpu.dimension_semantics<core_parallel>, #tpu.dimension_semantics<subcore_parallel>], iteration_bounds = array<i64: 2, 16>, scalar_prefetch = 0 : i64, scratch_operands = 10 : i64, tpu.core_type = #tpu.core_type<sc_vector_subcore>, window_params = [{transform_indices = #map}, {transform_indices = #map1}, {transform_indices = #map1}, {transform_indices = #map1}]} {
    %mul3A = arith.constant 5000 : i32
    %mul3A_0 = arith.muli %arg0, %mul3A : i32
    %scan3A = arith.constant 0 : i32
    %scan3A_1 = arith.constant 80 : i32
    %scan3A_2 = arith.addi %scan3A, %scan3A_1 : i32
    %scan3A_3 = arith.constant 1 : i32
    scf.for %scan3A_131 = %scan3A to %scan3A_2 step %scan3A_3  : i32 {
      %mul3A_132 = arith.constant 1 : i32
      %mul3A_133 = arith.muli %scan3A_131, %mul3A_132 : i32
      %add3A_134 = arith.constant 0 : i32
      %add3A_135 = arith.addi %add3A_134, %mul3A_133 : i32
      %broadcast_in_dim3A_136 = arith.constant 0.000000e+00 : f32
      %broadcast_in_dim3A_137 = vector.broadcast %broadcast_in_dim3A_136 : f32 to vector<16xf32>
      %swap3A = arith.index_cast %add3A_135 : i32 to index
      %swap3A_138 = arith.constant 0 : index
      %swap3A_139 = tpu.vector_load %arg11[%swap3A, %swap3A_138] {strides = array<i32>} : memref<80x128xf32, #tpu.memory_space<vmem>>, vector<16xf32>,
      tpu.vector_store %arg11[%swap3A, %swap3A_138], %broadcast_in_dim3A_137 {strides = array<i32>} : memref<80x128xf32, #tpu.memory_space<vmem>>, vector<16xf32>,
      %broadcast_in_dim3A_140 = arith.constant 0.000000e+00 : f32
      %broadcast_in_dim3A_141 = vector.broadcast %broadcast_in_dim3A_140 : f32 to vector<16xf32>
      %swap3A_142 = arith.index_cast %add3A_135 : i32 to index
      %swap3A_143 = arith.constant 16 : index
      %swap3A_144 = tpu.vector_load %arg11[%swap3A_142, %swap3A_143] {strides = array<i32>} : memref<80x128xf32, #tpu.memory_space<vmem>>, vector<16xf32>,
      tpu.vector_store %arg11[%swap3A_142, %swap3A_143], %broadcast_in_dim3A_141 {strides = array<i32>} : memref<80x128xf32, #tpu.memory_space<vmem>>, vector<16xf32>,
      %broadcast_in_dim3A_145 = arith.constant 0.000000e+00 : f32
      %broadcast_in_dim3A_146 = vector.broadcast %broadcast_in_dim3A_145 : f32 to vector<16xf32>
      %swap3A_147 = arith.index_cast %add3A_135 : i32 to index
      %swap3A_148 = arith.constant 32 : index
      %swap3A_149 = tpu.vector_load %arg11[%swap3A_147, %swap3A_148] {strides = array<i32>} : memref<80x128xf32, #tpu.memory_space<vmem>>, vector<16xf32>,
      tpu.vector_store %arg11[%swap3A_147, %swap3A_148], %broadcast_in_dim3A_146 {strides = array<i32>} : memref<80x128xf32, #tpu.memory_space<vmem>>, vector<16xf32>,
      %broadcast_in_dim3A_150 = arith.constant 0.000000e+00 : f32
      %broadcast_in_dim3A_151 = vector.broadcast %broadcast_in_dim3A_150 : f32 to vector<16xf32>
      %swap3A_152 = arith.index_cast %add3A_135 : i32 to index
      %swap3A_153 = arith.constant 48 : index
      %swap3A_154 = tpu.vector_load %arg11[%swap3A_152, %swap3A_153] {strides = array<i32>} : memref<80x128xf32, #tpu.memory_space<vmem>>, vector<16xf32>,
      tpu.vector_store %arg11[%swap3A_152, %swap3A_153], %broadcast_in_dim3A_151 {strides = array<i32>} : memref<80x128xf32, #tpu.memory_space<vmem>>, vector<16xf32>,
      %broadcast_in_dim3A_155 = arith.constant 0.000000e+00 : f32
      %broadcast_in_dim3A_156 = vector.broadcast %broadcast_in_dim3A_155 : f32 to vector<16xf32>
      %swap3A_157 = arith.index_cast %add3A_135 : i32 to index
      %swap3A_158 = arith.constant 64 : index
      %swap3A_159 = tpu.vector_load %arg11[%swap3A_157, %swap3A_158] {strides = array<i32>} : memref<80x128xf32, #tpu.memory_space<vmem>>, vector<16xf32>,
      tpu.vector_store %arg11[%swap3A_157, %swap3A_158], %broadcast_in_dim3A_156 {strides = array<i32>} : memref<80x128xf32, #tpu.memory_space<vmem>>, vector<16xf32>,
      %broadcast_in_dim3A_160 = arith.constant 0.000000e+00 : f32
      %broadcast_in_dim3A_161 = vector.broadcast %broadcast_in_dim3A_160 : f32 to vector<16xf32>
      %swap3A_162 = arith.index_cast %add3A_135 : i32 to index
      %swap3A_163 = arith.constant 80 : index
      %swap3A_164 = tpu.vector_load %arg11[%swap3A_162, %swap3A_163] {strides = array<i32>} : memref<80x128xf32, #tpu.memory_space<vmem>>, vector<16xf32>,
      tpu.vector_store %arg11[%swap3A_162, %swap3A_163], %broadcast_in_dim3A_161 {strides = array<i32>} : memref<80x128xf32, #tpu.memory_space<vmem>>, vector<16xf32>,
      %broadcast_in_dim3A_165 = arith.constant 0.000000e+00 : f32
      %broadcast_in_dim3A_166 = vector.broadcast %broadcast_in_dim3A_165 : f32 to vector<16xf32>
      %swap3A_167 = arith.index_cast %add3A_135 : i32 to index
      %swap3A_168 = arith.constant 96 : index
      %swap3A_169 = tpu.vector_load %arg11[%swap3A_167, %swap3A_168] {strides = array<i32>} : memref<80x128xf32, #tpu.memory_space<vmem>>, vector<16xf32>,
      tpu.vector_store %arg11[%swap3A_167, %swap3A_168], %broadcast_in_dim3A_166 {strides = array<i32>} : memref<80x128xf32, #tpu.memory_space<vmem>>, vector<16xf32>,
      %broadcast_in_dim3A_170 = arith.constant 0.000000e+00 : f32
      %broadcast_in_dim3A_171 = vector.broadcast %broadcast_in_dim3A_170 : f32 to vector<16xf32>
      %swap3A_172 = arith.index_cast %add3A_135 : i32 to index
      %swap3A_173 = arith.constant 112 : index
      %swap3A_174 = tpu.vector_load %arg11[%swap3A_172, %swap3A_173] {strides = array<i32>} : memref<80x128xf32, #tpu.memory_space<vmem>>, vector<16xf32>,
      tpu.vector_store %arg11[%swap3A_172, %swap3A_173], %broadcast_in_dim3A_171 {strides = array<i32>} : memref<80x128xf32, #tpu.memory_space<vmem>>, vector<16xf32>,
    }
    %scan3A_4 = arith.constant 80 : i32
    %mul3A_5 = arith.constant 80 : i32
    %mul3A_6 = arith.muli %arg1, %mul3A_5 : i32
    "tpu.region"() ({
      %run_scoped3A = tpu.sem_alloc : memref<!tpu.dma_semaphore, #tpu.memory_space<semaphore_mem>>
      %dma_start3A = arith.constant 0 : i32
      %dma_start3A_131 = arith.constant 0 : i32
      %dma_start3A_132 = tpu.memref_slice %arg11[%dma_start3A, %dma_start3A_131] : memref<80x128xf32, #tpu.memory_space<vmem>> -> memref<80x128xf32, #tpu.memory_space<vmem>>
      %dma_start3A_133 = arith.constant 0 : i32
      %dma_start3A_134 = tpu.memref_slice %arg13[%mul3A_6, %dma_start3A_133] : memref<1280x128xf32, #tpu.memory_space<vmem_shared>> -> memref<80x128xf32, #tpu.memory_space<vmem_shared>>
      %dma_start3A_135 = arith.constant 0 : i32
      %dma_start3A_136 = tpu.memref_slice %arg13[%mul3A_6, %dma_start3A_135] : memref<1280x128xf32, #tpu.memory_space<vmem_shared>> -> memref<80x128xf32, #tpu.memory_space<vmem_shared>>
      %dma_start3A_137 = arith.constant 0 : i32
      %dma_start3A_138 = arith.constant 0 : i32
      %dma_start3A_139 = tpu.memref_slice %arg11[%dma_start3A_137, %dma_start3A_138] : memref<80x128xf32, #tpu.memory_space<vmem>> -> memref<80x128xf32, #tpu.memory_space<vmem>>
      tpu.enqueue_dma source(%dma_start3A_139 : memref<80x128xf32, #tpu.memory_space<vmem>>) target(%dma_start3A_136 : memref<80x128xf32, #tpu.memory_space<vmem_shared>>) target_semaphore(%run_scoped3A : memref<!tpu.dma_semaphore, #tpu.memory_space<semaphore_mem>>)
      %dma_wait3A = arith.constant 0 : i32
      %dma_wait3A_140 = arith.constant 0 : i32
      %dma_wait3A_141 = tpu.memref_slice %arg11[%dma_wait3A, %dma_wait3A_140] : memref<80x128xf32, #tpu.memory_space<vmem>> -> memref<80x128xf32, #tpu.memory_space<vmem>>
      %dma_wait3A_142 = arith.constant 0 : i32
      %dma_wait3A_143 = tpu.memref_slice %arg13[%mul3A_6, %dma_wait3A_142] : memref<1280x128xf32, #tpu.memory_space<vmem_shared>> -> memref<80x128xf32, #tpu.memory_space<vmem_shared>>
      %dma_wait3A_144 = arith.constant 0 : i32
      %dma_wait3A_145 = tpu.memref_slice %arg13[%mul3A_6, %dma_wait3A_144] : memref<1280x128xf32, #tpu.memory_space<vmem_shared>> -> memref<80x128xf32, #tpu.memory_space<vmem_shared>>
      %dma_wait3A_146 = arith.constant 0 : i32
      %dma_wait3A_147 = arith.constant 0 : i32
      %dma_wait3A_148 = tpu.memref_slice %arg11[%dma_wait3A_146, %dma_wait3A_147] : memref<80x128xf32, #tpu.memory_space<vmem>> -> memref<80x128xf32, #tpu.memory_space<vmem>>
      tpu.wait_dma2 semaphore(%run_scoped3A : memref<!tpu.dma_semaphore, #tpu.memory_space<semaphore_mem>>) src(%dma_wait3A_148 : memref<80x128xf32, #tpu.memory_space<vmem>>) dst(%dma_wait3A_145 : memref<80x128xf32, #tpu.memory_space<vmem_shared>>)
      tpu.yield
    }) : () -> ()
    %scan3A_7 = arith.constant 0 : i32
    %scan3A_8 = arith.constant 0 : i32
    %scan3A_9 = arith.constant 10 : i32
    %scan3A_10 = arith.addi %scan3A_8, %scan3A_9 : i32
    %scan3A_11 = arith.constant 1 : i32
    %scan3A_12 = scf.for %scan3A_131 = %scan3A_8 to %scan3A_10 step %scan3A_11 iter_args(%scan3A_132 = %scan3A_7) -> (i32)  : i32 {
      %mul3A_133 = arith.constant 1 : i32
      %mul3A_134 = arith.muli %scan3A_131, %mul3A_133 : i32
      %add3A_135 = arith.constant 0 : i32
      %add3A_136 = arith.addi %add3A_135, %mul3A_134 : i32
      "tpu.region"() ({
        %run_scoped3A = tpu.sem_alloc : memref<!tpu.dma_semaphore, #tpu.memory_space<semaphore_mem>>
        %dma_start3A = arith.constant 0 : i32
        %dma_start3A_143 = tpu.memref_slice %arg3[%arg1, %add3A_136, %dma_start3A] : memref<16x10x2000xi32, #tpu.memory_space<hbm>> -> memref<1x1x2000xi32, #tpu.memory_space<hbm>>
        %dma_start3A_144 = tpu.memref_squeeze %dma_start3A_143 : memref<1x1x2000xi32, #tpu.memory_space<hbm>> -> memref<2000xi32, #tpu.memory_space<hbm>>
        %dma_start3A_145 = arith.constant 0 : i32
        %dma_start3A_146 = tpu.memref_slice %arg3[%arg1, %add3A_136, %dma_start3A_145] : memref<16x10x2000xi32, #tpu.memory_space<hbm>> -> memref<1x1x2000xi32, #tpu.memory_space<hbm>>
        %dma_start3A_147 = tpu.memref_squeeze %dma_start3A_146 : memref<1x1x2000xi32, #tpu.memory_space<hbm>> -> memref<2000xi32, #tpu.memory_space<hbm>>
        tpu.enqueue_dma source(%dma_start3A_147 : memref<2000xi32, #tpu.memory_space<hbm>>) target(%arg6 : memref<2000xi32, #tpu.memory_space<vmem>>) target_semaphore(%run_scoped3A : memref<!tpu.dma_semaphore, #tpu.memory_space<semaphore_mem>>)
        %dma_wait3A = arith.constant 0 : i32
        %dma_wait3A_148 = tpu.memref_slice %arg3[%arg1, %add3A_136, %dma_wait3A] : memref<16x10x2000xi32, #tpu.memory_space<hbm>> -> memref<1x1x2000xi32, #tpu.memory_space<hbm>>
        %dma_wait3A_149 = tpu.memref_squeeze %dma_wait3A_148 : memref<1x1x2000xi32, #tpu.memory_space<hbm>> -> memref<2000xi32, #tpu.memory_space<hbm>>
        %dma_wait3A_150 = arith.constant 0 : i32
        %dma_wait3A_151 = tpu.memref_slice %arg3[%arg1, %add3A_136, %dma_wait3A_150] : memref<16x10x2000xi32, #tpu.memory_space<hbm>> -> memref<1x1x2000xi32, #tpu.memory_space<hbm>>
        %dma_wait3A_152 = tpu.memref_squeeze %dma_wait3A_151 : memref<1x1x2000xi32, #tpu.memory_space<hbm>> -> memref<2000xi32, #tpu.memory_space<hbm>>
        tpu.wait_dma2 semaphore(%run_scoped3A : memref<!tpu.dma_semaphore, #tpu.memory_space<semaphore_mem>>) src(%dma_wait3A_152 : memref<2000xi32, #tpu.memory_space<hbm>>) dst(%arg6 : memref<2000xi32, #tpu.memory_space<vmem>>)
        tpu.yield
      }) : () -> ()
      "tpu.region"() ({
        %run_scoped3A = tpu.sem_alloc : memref<!tpu.dma_semaphore, #tpu.memory_space<semaphore_mem>>
        %dma_start3A = arith.constant 0 : i32
        %dma_start3A_143 = tpu.memref_slice %arg4[%arg1, %add3A_136, %dma_start3A] : memref<16x10x2000xi32, #tpu.memory_space<hbm>> -> memref<1x1x2000xi32, #tpu.memory_space<hbm>>
        %dma_start3A_144 = tpu.memref_squeeze %dma_start3A_143 : memref<1x1x2000xi32, #tpu.memory_space<hbm>> -> memref<2000xi32, #tpu.memory_space<hbm>>
        %dma_start3A_145 = arith.constant 0 : i32
        %dma_start3A_146 = tpu.memref_slice %arg4[%arg1, %add3A_136, %dma_start3A_145] : memref<16x10x2000xi32, #tpu.memory_space<hbm>> -> memref<1x1x2000xi32, #tpu.memory_space<hbm>>
        %dma_start3A_147 = tpu.memref_squeeze %dma_start3A_146 : memref<1x1x2000xi32, #tpu.memory_space<hbm>> -> memref<2000xi32, #tpu.memory_space<hbm>>
        tpu.enqueue_dma source(%dma_start3A_147 : memref<2000xi32, #tpu.memory_space<hbm>>) target(%arg7 : memref<2000xi32, #tpu.memory_space<vmem>>) target_semaphore(%run_scoped3A : memref<!tpu.dma_semaphore, #tpu.memory_space<semaphore_mem>>)
        %dma_wait3A = arith.constant 0 : i32
        %dma_wait3A_148 = tpu.memref_slice %arg4[%arg1, %add3A_136, %dma_wait3A] : memref<16x10x2000xi32, #tpu.memory_space<hbm>> -> memref<1x1x2000xi32, #tpu.memory_space<hbm>>
        %dma_wait3A_149 = tpu.memref_squeeze %dma_wait3A_148 : memref<1x1x2000xi32, #tpu.memory_space<hbm>> -> memref<2000xi32, #tpu.memory_space<hbm>>
        %dma_wait3A_150 = arith.constant 0 : i32
        %dma_wait3A_151 = tpu.memref_slice %arg4[%arg1, %add3A_136, %dma_wait3A_150] : memref<16x10x2000xi32, #tpu.memory_space<hbm>> -> memref<1x1x2000xi32, #tpu.memory_space<hbm>>
        %dma_wait3A_152 = tpu.memref_squeeze %dma_wait3A_151 : memref<1x1x2000xi32, #tpu.memory_space<hbm>> -> memref<2000xi32, #tpu.memory_space<hbm>>
        tpu.wait_dma2 semaphore(%run_scoped3A : memref<!tpu.dma_semaphore, #tpu.memory_space<semaphore_mem>>) src(%dma_wait3A_152 : memref<2000xi32, #tpu.memory_space<hbm>>) dst(%arg7 : memref<2000xi32, #tpu.memory_space<vmem>>)
        tpu.yield
      }) : () -> ()
      %scan3A_137 = arith.constant 0 : i32
      %scan3A_138 = arith.constant 125 : i32
      %scan3A_139 = arith.addi %scan3A_137, %scan3A_138 : i32
      %scan3A_140 = arith.constant 1 : i32
      %scan3A_141 = scf.for %scan3A_143 = %scan3A_137 to %scan3A_139 step %scan3A_140 iter_args(%scan3A_144 = %scan3A_132) -> (i32)  : i32 {
        %mul3A_145 = arith.constant 1 : i32
        %mul3A_146 = arith.muli %scan3A_143, %mul3A_145 : i32
        %add3A_147 = arith.constant 0 : i32
        %add3A_148 = arith.addi %add3A_147, %mul3A_146 : i32
        %mul3A_149 = arith.constant 16 : i32
        %mul3A_150 = arith.muli %add3A_148, %mul3A_149 : i32
        %get3A = arith.index_cast %mul3A_150 : i32 to index
        %get3A_151 = tpu.vector_load %arg7[%get3A] {strides = array<i32>} : memref<2000xi32, #tpu.memory_space<vmem>>, vector<16xi32>,
        %mul3A_152 = arith.constant 16 : i32
        %mul3A_153 = arith.muli %add3A_148, %mul3A_152 : i32
        %get3A_154 = arith.index_cast %mul3A_153 : i32 to index
        %get3A_155 = tpu.vector_load %arg6[%get3A_154] {strides = array<i32>} : memref<2000xi32, #tpu.memory_space<vmem>>, vector<16xi32>,
        %sub3A_156 = vector.broadcast %mul3A_0 : i32 to vector<16xi32>
        %sub3A_157 = arith.subi %get3A_151, %sub3A_156 : vector<16xi32>
        %ge3A = arith.constant 0 : i32
        %ge3A_158 = vector.broadcast %ge3A : i32 to vector<16xi32>
        %ge3A_159 = arith.cmpi sge, %sub3A_157, %ge3A_158 : vector<16xi32>
        %lt3A = arith.constant 1250 : i32
        %lt3A_160 = vector.broadcast %lt3A : i32 to vector<16xi32>
        %lt3A_161 = arith.cmpi slt, %sub3A_157, %lt3A_160 : vector<16xi32>
        %and3A_162 = arith.andi %ge3A_159, %lt3A_161 : vector<16xi1>
        %jit3A_163 = arith.constant 1 : i32
        %jit3A_164 = arith.constant 0 : i32
        %broadcast_in_dim3A_165 = vector.broadcast %jit3A_163 : i32 to vector<16xi32>
        %broadcast_in_dim3A_166 = vector.broadcast %jit3A_164 : i32 to vector<16xi32>
        %select_n3A_167 = arith.select %and3A_162, %broadcast_in_dim3A_165, %broadcast_in_dim3A_166 : vector<16xi1>, vector<16xi32>
        %broadcast_in_dim3A_168 = arith.constant true
        %broadcast_in_dim3A_169 = vector.broadcast %broadcast_in_dim3A_168 : i1 to vector<16xi1>
        %masked_cumsum3A = tpu.scan <sum>, %select_n3A_167 masked %broadcast_in_dim3A_169 : vector<16xi32>, vector<16xi1> -> vector<16xi32>
        %add3A_170 = vector.broadcast %scan3A_144 : i32 to vector<16xi32>
        %add3A_171 = arith.addi %add3A_170, %masked_cumsum3A : vector<16xi32>
        %sub3A_172 = arith.constant 1 : i32
        %sub3A_173 = vector.broadcast %sub3A_172 : i32 to vector<16xi32>
        %sub3A_174 = arith.subi %add3A_171, %sub3A_173 : vector<16xi32>
        %mul3A_175 = arith.constant 4096 : i32
        %mul3A_176 = vector.broadcast %mul3A_175 : i32 to vector<16xi32>
        %mul3A_177 = arith.muli %get3A_155, %mul3A_176 : vector<16xi32>
        %jit3A_178 = arith.constant 0 : i32
        %broadcast_in_dim3A_179 = vector.broadcast %jit3A_178 : i32 to vector<16xi32>
        %select_n3A_180 = arith.select %and3A_162, %sub3A_157, %broadcast_in_dim3A_179 : vector<16xi1>, vector<16xi32>
        %add3A_181 = arith.addi %mul3A_177, %select_n3A_180 : vector<16xi32>
        tpu.vector_store_idx %arg8[%sub3A_174], %add3A_181 masked %and3A_162 : memref<20160xi32, #tpu.memory_space<vmem>>[vector<16xi32>], vector<16xi32>, vector<16xi1>
        %reduce_max3A = arith.constant true
        %reduce_max3A_182 = vector.broadcast %reduce_max3A : i1 to vector<16xi1>
        %reduce_max3A_183 = arith.constant -2147483648 : i32
        %reduce_max3A_184 = vector.broadcast %reduce_max3A_183 : i32 to vector<16xi32>
        %reduce_max3A_185 = arith.xori %masked_cumsum3A, %reduce_max3A_184 : vector<16xi32>
        %reduce_max3A_186 = tpu.scan <max>, %reduce_max3A_185 masked %reduce_max3A_182 : vector<16xi32>, vector<16xi1> -> vector<16xi32>
        %reduce_max3A_187 = arith.xori %reduce_max3A_186, %reduce_max3A_184 : vector<16xi32>
        %reduce_max3A_188 = vector.extract %reduce_max3A_187[15] : i32 from vector<16xi32>
        %add3A_189 = arith.addi %scan3A_144, %reduce_max3A_188 : i32
        scf.yield %add3A_189 : i32
      }
      %scan3A_142 = arith.constant 125 : i32
      scf.yield %scan3A_141 : i32
    }
    %scan3A_13 = arith.constant 10 : i32
    %add3A = arith.constant 160 : i32
    %add3A_14 = arith.addi %scan3A_12, %add3A : i32
    %sub3A = arith.constant 1 : i32
    %sub3A_15 = arith.subi %add3A_14, %sub3A : i32
    %jit3A = arith.constant 160 : i32
    %div3A = arith.divsi %sub3A_15, %jit3A : i32
    %sign3A = arith.constant 0 : i32
    %sign3A_16 = arith.cmpi sgt, %sub3A_15, %sign3A : i32
    %sign3A_17 = arith.extui %sign3A_16 : i1 to i32
    %sign3A_18 = arith.constant 0 : i32
    %sign3A_19 = arith.cmpi slt, %sub3A_15, %sign3A_18 : i32
    %sign3A_20 = arith.extui %sign3A_19 : i1 to i32
    %sign3A_21 = arith.subi %sign3A_17, %sign3A_20 : i32
    %sign3A_22 = arith.constant 0 : i32
    %sign3A_23 = arith.cmpi sgt, %jit3A, %sign3A_22 : i32
    %sign3A_24 = arith.extui %sign3A_23 : i1 to i32
    %sign3A_25 = arith.constant 0 : i32
    %sign3A_26 = arith.cmpi slt, %jit3A, %sign3A_25 : i32
    %sign3A_27 = arith.extui %sign3A_26 : i1 to i32
    %sign3A_28 = arith.subi %sign3A_24, %sign3A_27 : i32
    %ne3A = arith.cmpi ne, %sign3A_21, %sign3A_28 : i32
    %rem3A = arith.remsi %sub3A_15, %jit3A : i32
    %ne3A_29 = arith.constant 0 : i32
    %ne3A_30 = arith.cmpi ne, %rem3A, %ne3A_29 : i32
    %and3A = arith.andi %ne3A, %ne3A_30 : i1
    %sub3A_31 = arith.constant 1 : i32
    %sub3A_32 = arith.subi %div3A, %sub3A_31 : i32
    %select_n3A = arith.select %and3A, %sub3A_32, %div3A : i32
    %mul3A_33 = arith.constant 160 : i32
    %mul3A_34 = arith.muli %select_n3A, %mul3A_33 : i32
    %broadcast_in_dim3A = arith.constant true
    %broadcast_in_dim3A_35 = vector.broadcast %broadcast_in_dim3A : i1 to vector<16xi1>
    %sub3A_36 = arith.subi %mul3A_34, %scan3A_12 : i32
    %add3A_37 = arith.constant 15 : i32
    %add3A_38 = arith.addi %sub3A_36, %add3A_37 : i32
    %jit3A_39 = arith.constant 16 : i32
    %div3A_40 = arith.divsi %add3A_38, %jit3A_39 : i32
    %sign3A_41 = arith.constant 0 : i32
    %sign3A_42 = arith.cmpi sgt, %add3A_38, %sign3A_41 : i32
    %sign3A_43 = arith.extui %sign3A_42 : i1 to i32
    %sign3A_44 = arith.constant 0 : i32
    %sign3A_45 = arith.cmpi slt, %add3A_38, %sign3A_44 : i32
    %sign3A_46 = arith.extui %sign3A_45 : i1 to i32
    %sign3A_47 = arith.subi %sign3A_43, %sign3A_46 : i32
    %sign3A_48 = arith.constant 0 : i32
    %sign3A_49 = arith.cmpi sgt, %jit3A_39, %sign3A_48 : i32
    %sign3A_50 = arith.extui %sign3A_49 : i1 to i32
    %sign3A_51 = arith.constant 0 : i32
    %sign3A_52 = arith.cmpi slt, %jit3A_39, %sign3A_51 : i32
    %sign3A_53 = arith.extui %sign3A_52 : i1 to i32
    %sign3A_54 = arith.subi %sign3A_50, %sign3A_53 : i32
    %ne3A_55 = arith.cmpi ne, %sign3A_47, %sign3A_54 : i32
    %rem3A_56 = arith.remsi %add3A_38, %jit3A_39 : i32
    %ne3A_57 = arith.constant 0 : i32
    %ne3A_58 = arith.cmpi ne, %rem3A_56, %ne3A_57 : i32
    %and3A_59 = arith.andi %ne3A_55, %ne3A_58 : i1
    %sub3A_60 = arith.constant 1 : i32
    %sub3A_61 = arith.subi %div3A_40, %sub3A_60 : i32
    %select_n3A_62 = arith.select %and3A_59, %sub3A_61, %div3A_40 : i32
    %sub3A_63 = arith.constant 0 : i32
    %sub3A_64 = arith.subi %select_n3A_62, %sub3A_63 : i32
    %sub3A_65 = arith.constant 1 : i32
    %sub3A_66 = arith.constant 1 : i32
    %sub3A_67 = arith.subi %sub3A_65, %sub3A_66 : i32
    %add3A_68 = arith.addi %sub3A_64, %sub3A_67 : i32
    %div3A_69 = arith.constant 1 : i32
    %div3A_70 = arith.divsi %add3A_68, %div3A_69 : i32
    %while3A = arith.constant 1 : i32
    %while3A_71 = arith.constant 0 : i32
    %while3A_72 = arith.constant 0 : i32
    %while3A_73 = arith.subi %div3A_70, %while3A_72 : i32
    %while3A_74 = arith.addi %while3A_72, %while3A_73 : i32
    %while3A_75 = arith.constant 1 : i32
    %while3A_76 = arith.divsi %while3A_73, %while3A_75 : i32
    %while3A_77 = arith.muli %while3A_76, %while3A_75 : i32
    %while3A_78 = arith.addi %while3A_72, %while3A_77 : i32
    %while3A_79 = arith.constant 1 : i32
    scf.for %while3A_131 = %while3A_72 to %while3A_78 step %while3A_79  : i32 {
      %mul3A_132 = arith.muli %while3A_131, %while3A : i32
      %add3A_133 = arith.addi %while3A_71, %mul3A_132 : i32
      %mul3A_134 = arith.constant 16 : i32
      %mul3A_135 = arith.muli %mul3A_134, %add3A_133 : i32
      %add3A_136 = arith.addi %scan3A_12, %mul3A_135 : i32
      %iota3A = tpu.iota {dimensions = array<i32: 0>} : vector<16xi32>
      %add3A_137 = vector.broadcast %add3A_136 : i32 to vector<16xi32>
      %add3A_138 = arith.addi %add3A_137, %iota3A : vector<16xi32>
      %broadcast_in_dim3A_139 = arith.constant 1250 : i32
      %broadcast_in_dim3A_140 = vector.broadcast %broadcast_in_dim3A_139 : i32 to vector<16xi32>
      tpu.vector_store_idx %arg8[%add3A_138], %broadcast_in_dim3A_140 masked %broadcast_in_dim3A_35 : memref<20160xi32, #tpu.memory_space<vmem>>[vector<16xi32>], vector<16xi32>, vector<16xi1>
    }
    %while3A_80 = arith.constant 1 : i32
    scf.for %while3A_131 = %while3A_78 to %while3A_74 step %while3A_80  : i32 {
      %mul3A_132 = arith.muli %while3A_131, %while3A : i32
      %add3A_133 = arith.addi %while3A_71, %mul3A_132 : i32
      %mul3A_134 = arith.constant 16 : i32
      %mul3A_135 = arith.muli %mul3A_134, %add3A_133 : i32
      %add3A_136 = arith.addi %scan3A_12, %mul3A_135 : i32
      %iota3A = tpu.iota {dimensions = array<i32: 0>} : vector<16xi32>
      %add3A_137 = vector.broadcast %add3A_136 : i32 to vector<16xi32>
      %add3A_138 = arith.addi %add3A_137, %iota3A : vector<16xi32>
      %broadcast_in_dim3A_139 = arith.constant 1250 : i32
      %broadcast_in_dim3A_140 = vector.broadcast %broadcast_in_dim3A_139 : i32 to vector<16xi32>
      tpu.vector_store_idx %arg8[%add3A_138], %broadcast_in_dim3A_140 masked %broadcast_in_dim3A_35 : memref<20160xi32, #tpu.memory_space<vmem>>[vector<16xi32>], vector<16xi32>, vector<16xi1>
    }
    %jit3A_81 = arith.constant 160 : i32
    %div3A_82 = arith.divsi %mul3A_34, %jit3A_81 : i32
    %sign3A_83 = arith.constant 0 : i32
    %sign3A_84 = arith.cmpi sgt, %mul3A_34, %sign3A_83 : i32
    %sign3A_85 = arith.extui %sign3A_84 : i1 to i32
    %sign3A_86 = arith.constant 0 : i32
    %sign3A_87 = arith.cmpi slt, %mul3A_34, %sign3A_86 : i32
    %sign3A_88 = arith.extui %sign3A_87 : i1 to i32
    %sign3A_89 = arith.subi %sign3A_85, %sign3A_88 : i32
    %sign3A_90 = arith.constant 0 : i32
    %sign3A_91 = arith.cmpi sgt, %jit3A_81, %sign3A_90 : i32
    %sign3A_92 = arith.extui %sign3A_91 : i1 to i32
    %sign3A_93 = arith.constant 0 : i32
    %sign3A_94 = arith.cmpi slt, %jit3A_81, %sign3A_93 : i32
    %sign3A_95 = arith.extui %sign3A_94 : i1 to i32
    %sign3A_96 = arith.subi %sign3A_92, %sign3A_95 : i32
    %ne3A_97 = arith.cmpi ne, %sign3A_89, %sign3A_96 : i32
    %rem3A_98 = arith.remsi %mul3A_34, %jit3A_81 : i32
    %ne3A_99 = arith.constant 0 : i32
    %ne3A_100 = arith.cmpi ne, %rem3A_98, %ne3A_99 : i32
    %and3A_101 = arith.andi %ne3A_97, %ne3A_100 : i1
    %sub3A_102 = arith.constant 1 : i32
    %sub3A_103 = arith.subi %div3A_82, %sub3A_102 : i32
    %select_n3A_104 = arith.select %and3A_101, %sub3A_103, %div3A_82 : i32
    %barrier3A = arith.constant 0 : index
    tpu.barrier barrier_id(%barrier3A)
    %gt3A = arith.constant 0 : i32
    %gt3A_105 = arith.cmpi sgt, %select_n3A_104, %gt3A : i32
    %convert_element_type3A = arith.extui %gt3A_105 : i1 to i32
    %cond3A = arith.constant 0 : i32
    %cond3A_106 = arith.cmpi ne, %convert_element_type3A, %cond3A : i32
    scf.if %cond3A_106 {
      %get3A = arith.constant 0 : index
      %get3A_131 = tpu.vector_load %arg8[%get3A] {strides = array<i32>} : memref<20160xi32, #tpu.memory_space<vmem>>, vector<16xi32>,
      %shift_right_logical3A = arith.constant 12 : i32
      %shift_right_logical3A_132 = vector.broadcast %shift_right_logical3A : i32 to vector<16xi32>
      %shift_right_logical3A_133 = arith.shrui %get3A_131, %shift_right_logical3A_132 : vector<16xi32>
      %swap3A = arith.constant 0 : i32
      %swap3A_134 = arith.index_cast %swap3A : i32 to index
      %swap3A_135 = arith.constant 0 : index
      %swap3A_136 = tpu.vector_load %arg9[%swap3A_134, %swap3A_135] {strides = array<i32>} : memref<2x80xi32, #tpu.memory_space<vmem>>, vector<16xi32>,
      tpu.vector_store %arg9[%swap3A_134, %swap3A_135], %shift_right_logical3A_133 {strides = array<i32>} : memref<2x80xi32, #tpu.memory_space<vmem>>, vector<16xi32>,
      %and3A_137 = arith.constant 4095 : i32
      %and3A_138 = vector.broadcast %and3A_137 : i32 to vector<16xi32>
      %and3A_139 = arith.andi %get3A_131, %and3A_138 : vector<16xi32>
      %swap3A_140 = arith.constant 0 : i32
      %swap3A_141 = arith.index_cast %swap3A_140 : i32 to index
      %swap3A_142 = arith.constant 0 : index
      %swap3A_143 = tpu.vector_load %arg10[%swap3A_141, %swap3A_142] {strides = array<i32>} : memref<2x80xi32, #tpu.memory_space<vmem>>, vector<16xi32>,
      tpu.vector_store %arg10[%swap3A_141, %swap3A_142], %and3A_139 {strides = array<i32>} : memref<2x80xi32, #tpu.memory_space<vmem>>, vector<16xi32>,
      %get3A_144 = arith.constant 16 : index
      %get3A_145 = tpu.vector_load %arg8[%get3A_144] {strides = array<i32>} : memref<20160xi32, #tpu.memory_space<vmem>>, vector<16xi32>,
      %shift_right_logical3A_146 = arith.constant 12 : i32
      %shift_right_logical3A_147 = vector.broadcast %shift_right_logical3A_146 : i32 to vector<16xi32>
      %shift_right_logical3A_148 = arith.shrui %get3A_145, %shift_right_logical3A_147 : vector<16xi32>
      %swap3A_149 = arith.constant 0 : i32
      %swap3A_150 = arith.index_cast %swap3A_149 : i32 to index
      %swap3A_151 = arith.constant 16 : index
      %swap3A_152 = tpu.vector_load %arg9[%swap3A_150, %swap3A_151] {strides = array<i32>} : memref<2x80xi32, #tpu.memory_space<vmem>>, vector<16xi32>,
      tpu.vector_store %arg9[%swap3A_150, %swap3A_151], %shift_right_logical3A_148 {strides = array<i32>} : memref<2x80xi32, #tpu.memory_space<vmem>>, vector<16xi32>,
      %and3A_153 = arith.constant 4095 : i32
      %and3A_154 = vector.broadcast %and3A_153 : i32 to vector<16xi32>
      %and3A_155 = arith.andi %get3A_145, %and3A_154 : vector<16xi32>
      %swap3A_156 = arith.constant 0 : i32
      %swap3A_157 = arith.index_cast %swap3A_156 : i32 to index
      %swap3A_158 = arith.constant 16 : index
      %swap3A_159 = tpu.vector_load %arg10[%swap3A_157, %swap3A_158] {strides = array<i32>} : memref<2x80xi32, #tpu.memory_space<vmem>>, vector<16xi32>,
      tpu.vector_store %arg10[%swap3A_157, %swap3A_158], %and3A_155 {strides = array<i32>} : memref<2x80xi32, #tpu.memory_space<vmem>>, vector<16xi32>,
      %get3A_160 = arith.constant 32 : index
      %get3A_161 = tpu.vector_load %arg8[%get3A_160] {strides = array<i32>} : memref<20160xi32, #tpu.memory_space<vmem>>, vector<16xi32>,
      %shift_right_logical3A_162 = arith.constant 12 : i32
      %shift_right_logical3A_163 = vector.broadcast %shift_right_logical3A_162 : i32 to vector<16xi32>
      %shift_right_logical3A_164 = arith.shrui %get3A_161, %shift_right_logical3A_163 : vector<16xi32>
      %swap3A_165 = arith.constant 0 : i32
      %swap3A_166 = arith.index_cast %swap3A_165 : i32 to index
      %swap3A_167 = arith.constant 32 : index
      %swap3A_168 = tpu.vector_load %arg9[%swap3A_166, %swap3A_167] {strides = array<i32>} : memref<2x80xi32, #tpu.memory_space<vmem>>, vector<16xi32>,
      tpu.vector_store %arg9[%swap3A_166, %swap3A_167], %shift_right_logical3A_164 {strides = array<i32>} : memref<2x80xi32, #tpu.memory_space<vmem>>, vector<16xi32>,
      %and3A_169 = arith.constant 4095 : i32
      %and3A_170 = vector.broadcast %and3A_169 : i32 to vector<16xi32>
      %and3A_171 = arith.andi %get3A_161, %and3A_170 : vector<16xi32>
      %swap3A_172 = arith.constant 0 : i32
      %swap3A_173 = arith.index_cast %swap3A_172 : i32 to index
      %swap3A_174 = arith.constant 32 : index
      %swap3A_175 = tpu.vector_load %arg10[%swap3A_173, %swap3A_174] {strides = array<i32>} : memref<2x80xi32, #tpu.memory_space<vmem>>, vector<16xi32>,
      tpu.vector_store %arg10[%swap3A_173, %swap3A_174], %and3A_171 {strides = array<i32>} : memref<2x80xi32, #tpu.memory_space<vmem>>, vector<16xi32>,
      %get3A_176 = arith.constant 48 : index
      %get3A_177 = tpu.vector_load %arg8[%get3A_176] {strides = array<i32>} : memref<20160xi32, #tpu.memory_space<vmem>>, vector<16xi32>,
      %shift_right_logical3A_178 = arith.constant 12 : i32
      %shift_right_logical3A_179 = vector.broadcast %shift_right_logical3A_178 : i32 to vector<16xi32>
      %shift_right_logical3A_180 = arith.shrui %get3A_177, %shift_right_logical3A_179 : vector<16xi32>
      %swap3A_181 = arith.constant 0 : i32
      %swap3A_182 = arith.index_cast %swap3A_181 : i32 to index
      %swap3A_183 = arith.constant 48 : index
      %swap3A_184 = tpu.vector_load %arg9[%swap3A_182, %swap3A_183] {strides = array<i32>} : memref<2x80xi32, #tpu.memory_space<vmem>>, vector<16xi32>,
      tpu.vector_store %arg9[%swap3A_182, %swap3A_183], %shift_right_logical3A_180 {strides = array<i32>} : memref<2x80xi32, #tpu.memory_space<vmem>>, vector<16xi32>,
      %and3A_185 = arith.constant 4095 : i32
      %and3A_186 = vector.broadcast %and3A_185 : i32 to vector<16xi32>
      %and3A_187 = arith.andi %get3A_177, %and3A_186 : vector<16xi32>
      %swap3A_188 = arith.constant 0 : i32
      %swap3A_189 = arith.index_cast %swap3A_188 : i32 to index
      %swap3A_190 = arith.constant 48 : index
      %swap3A_191 = tpu.vector_load %arg10[%swap3A_189, %swap3A_190] {strides = array<i32>} : memref<2x80xi32, #tpu.memory_space<vmem>>, vector<16xi32>,
      tpu.vector_store %arg10[%swap3A_189, %swap3A_190], %and3A_187 {strides = array<i32>} : memref<2x80xi32, #tpu.memory_space<vmem>>, vector<16xi32>,
      %get3A_192 = arith.constant 64 : index
      %get3A_193 = tpu.vector_load %arg8[%get3A_192] {strides = array<i32>} : memref<20160xi32, #tpu.memory_space<vmem>>, vector<16xi32>,
      %shift_right_logical3A_194 = arith.constant 12 : i32
      %shift_right_logical3A_195 = vector.broadcast %shift_right_logical3A_194 : i32 to vector<16xi32>
      %shift_right_logical3A_196 = arith.shrui %get3A_193, %shift_right_logical3A_195 : vector<16xi32>
      %swap3A_197 = arith.constant 0 : i32
      %swap3A_198 = arith.index_cast %swap3A_197 : i32 to index
      %swap3A_199 = arith.constant 64 : index
      %swap3A_200 = tpu.vector_load %arg9[%swap3A_198, %swap3A_199] {strides = array<i32>} : memref<2x80xi32, #tpu.memory_space<vmem>>, vector<16xi32>,
      tpu.vector_store %arg9[%swap3A_198, %swap3A_199], %shift_right_logical3A_196 {strides = array<i32>} : memref<2x80xi32, #tpu.memory_space<vmem>>, vector<16xi32>,
      %and3A_201 = arith.constant 4095 : i32
      %and3A_202 = vector.broadcast %and3A_201 : i32 to vector<16xi32>
      %and3A_203 = arith.andi %get3A_193, %and3A_202 : vector<16xi32>
      %swap3A_204 = arith.constant 0 : i32
      %swap3A_205 = arith.index_cast %swap3A_204 : i32 to index
      %swap3A_206 = arith.constant 64 : index
      %swap3A_207 = tpu.vector_load %arg10[%swap3A_205, %swap3A_206] {strides = array<i32>} : memref<2x80xi32, #tpu.memory_space<vmem>>, vector<16xi32>,
      tpu.vector_store %arg10[%swap3A_205, %swap3A_206], %and3A_203 {strides = array<i32>} : memref<2x80xi32, #tpu.memory_space<vmem>>, vector<16xi32>,
      %dma_start3A = arith.constant 0 : i32
      %dma_start3A_208 = arith.constant 0 : i32
      %dma_start3A_209 = tpu.memref_slice %arg9[%dma_start3A, %dma_start3A_208] : memref<2x80xi32, #tpu.memory_space<vmem>> -> memref<1x80xi32, #tpu.memory_space<vmem>>
      %dma_start3A_210 = tpu.memref_squeeze %dma_start3A_209 : memref<1x80xi32, #tpu.memory_space<vmem>> -> memref<80xi32, #tpu.memory_space<vmem>>
      %dma_start3A_211 = arith.constant 0 : i32
      %dma_start3A_212 = arith.constant 0 : i32
      %dma_start3A_213 = tpu.memref_slice %arg2[%dma_start3A_211, %dma_start3A_212] : memref<10000x128xf32, #tpu.memory_space<hbm>> -> memref<10000x128xf32, #tpu.memory_space<hbm>>
      tpu.enqueue_indirect_dma source(%dma_start3A_213 : memref<10000x128xf32, #tpu.memory_space<hbm>>) target(%arg11 : memref<80x128xf32, #tpu.memory_space<vmem>>) offsets(%dma_start3A_210 : memref<80xi32, #tpu.memory_space<vmem>>) semaphore(%arg14 : memref<!tpu.dma_semaphore, #tpu.memory_space<semaphore_mem>>)
    } else {
    }
    %sub3A_107 = arith.constant 0 : i32
    %sub3A_108 = arith.subi %select_n3A_104, %sub3A_107 : i32
    %sub3A_109 = arith.constant 1 : i32
    %sub3A_110 = arith.constant 1 : i32
    %sub3A_111 = arith.subi %sub3A_109, %sub3A_110 : i32
    %add3A_112 = arith.addi %sub3A_108, %sub3A_111 : i32
    %div3A_113 = arith.constant 1 : i32
    %div3A_114 = arith.divsi %add3A_112, %div3A_113 : i32
    %while3A_115 = arith.constant 1 : i32
    %while3A_116 = arith.constant 0 : i32
    %while3A_117 = arith.constant 0 : i32
    %while3A_118 = arith.subi %div3A_114, %while3A_117 : i32
    %while3A_119 = arith.addi %while3A_117, %while3A_118 : i32
    %while3A_120 = arith.constant 1 : i32
    %while3A_121 = arith.divsi %while3A_118, %while3A_120 : i32
    %while3A_122 = arith.muli %while3A_121, %while3A_120 : i32
    %while3A_123 = arith.addi %while3A_117, %while3A_122 : i32
    %while3A_124 = arith.constant 1 : i32
    scf.for %while3A_131 = %while3A_117 to %while3A_123 step %while3A_124  : i32 {
      %mul3A_132 = arith.muli %while3A_131, %while3A_115 : i32
      %add3A_133 = arith.addi %while3A_116, %mul3A_132 : i32
      %mul3A_134 = arith.constant 2 : i32
      %mul3A_135 = arith.muli %mul3A_134, %add3A_133 : i32
      %mul3A_136 = arith.constant 2 : i32
      %mul3A_137 = arith.muli %mul3A_136, %add3A_133 : i32
      %add3A_138 = arith.constant 1 : i32
      %add3A_139 = arith.addi %mul3A_137, %add3A_138 : i32
      %mul3A_140 = arith.constant 80 : i32
      %mul3A_141 = arith.muli %add3A_139, %mul3A_140 : i32
      %add3A_142 = arith.constant 0 : i32
      %add3A_143 = arith.addi %mul3A_141, %add3A_142 : i32
      %get3A = arith.index_cast %add3A_143 : i32 to index
      %get3A_144 = tpu.vector_load %arg8[%get3A] {strides = array<i32>} : memref<20160xi32, #tpu.memory_space<vmem>>, vector<16xi32>,
      %shift_right_logical3A = arith.constant 12 : i32
      %shift_right_logical3A_145 = vector.broadcast %shift_right_logical3A : i32 to vector<16xi32>
      %shift_right_logical3A_146 = arith.shrui %get3A_144, %shift_right_logical3A_145 : vector<16xi32>
      %swap3A = arith.constant 1 : i32
      %swap3A_147 = arith.index_cast %swap3A : i32 to index
      %swap3A_148 = arith.constant 0 : index
      %swap3A_149 = tpu.vector_load %arg9[%swap3A_147, %swap3A_148] {strides = array<i32>} : memref<2x80xi32, #tpu.memory_space<vmem>>, vector<16xi32>,
      tpu.vector_store %arg9[%swap3A_147, %swap3A_148], %shift_right_logical3A_146 {strides = array<i32>} : memref<2x80xi32, #tpu.memory_space<vmem>>, vector<16xi32>,
      %and3A_150 = arith.constant 4095 : i32
      %and3A_151 = vector.broadcast %and3A_150 : i32 to vector<16xi32>
      %and3A_152 = arith.andi %get3A_144, %and3A_151 : vector<16xi32>
      %swap3A_153 = arith.constant 1 : i32
      %swap3A_154 = arith.index_cast %swap3A_153 : i32 to index
      %swap3A_155 = arith.constant 0 : index
      %swap3A_156 = tpu.vector_load %arg10[%swap3A_154, %swap3A_155] {strides = array<i32>} : memref<2x80xi32, #tpu.memory_space<vmem>>, vector<16xi32>,
      tpu.vector_store %arg10[%swap3A_154, %swap3A_155], %and3A_152 {strides = array<i32>} : memref<2x80xi32, #tpu.memory_space<vmem>>, vector<16xi32>,
      %mul3A_157 = arith.constant 80 : i32
      %mul3A_158 = arith.muli %add3A_139, %mul3A_157 : i32
      %add3A_159 = arith.constant 16 : i32
      %add3A_160 = arith.addi %mul3A_158, %add3A_159 : i32
      %get3A_161 = arith.index_cast %add3A_160 : i32 to index
      %get3A_162 = tpu.vector_load %arg8[%get3A_161] {strides = array<i32>} : memref<20160xi32, #tpu.memory_space<vmem>>, vector<16xi32>,
      %shift_right_logical3A_163 = arith.constant 12 : i32
      %shift_right_logical3A_164 = vector.broadcast %shift_right_logical3A_163 : i32 to vector<16xi32>
      %shift_right_logical3A_165 = arith.shrui %get3A_162, %shift_right_logical3A_164 : vector<16xi32>
      %swap3A_166 = arith.constant 1 : i32
      %swap3A_167 = arith.index_cast %swap3A_166 : i32 to index
      %swap3A_168 = arith.constant 16 : index
      %swap3A_169 = tpu.vector_load %arg9[%swap3A_167, %swap3A_168] {strides = array<i32>} : memref<2x80xi32, #tpu.memory_space<vmem>>, vector<16xi32>,
      tpu.vector_store %arg9[%swap3A_167, %swap3A_168], %shift_right_logical3A_165 {strides = array<i32>} : memref<2x80xi32, #tpu.memory_space<vmem>>, vector<16xi32>,
      %and3A_170 = arith.constant 4095 : i32
      %and3A_171 = vector.broadcast %and3A_170 : i32 to vector<16xi32>
      %and3A_172 = arith.andi %get3A_162, %and3A_171 : vector<16xi32>
      %swap3A_173 = arith.constant 1 : i32
      %swap3A_174 = arith.index_cast %swap3A_173 : i32 to index
      %swap3A_175 = arith.constant 16 : index
      %swap3A_176 = tpu.vector_load %arg10[%swap3A_174, %swap3A_175] {strides = array<i32>} : memref<2x80xi32, #tpu.memory_space<vmem>>, vector<16xi32>,
      tpu.vector_store %arg10[%swap3A_174, %swap3A_175], %and3A_172 {strides = array<i32>} : memref<2x80xi32, #tpu.memory_space<vmem>>, vector<16xi32>,
      %mul3A_177 = arith.constant 80 : i32
      %mul3A_178 = arith.muli %add3A_139, %mul3A_177 : i32
      %add3A_179 = arith.constant 32 : i32
      %add3A_180 = arith.addi %mul3A_178, %add3A_179 : i32
      %get3A_181 = arith.index_cast %add3A_180 : i32 to index
      %get3A_182 = tpu.vector_load %arg8[%get3A_181] {strides = array<i32>} : memref<20160xi32, #tpu.memory_space<vmem>>, vector<16xi32>,
      %shift_right_logical3A_183 = arith.constant 12 : i32
      %shift_right_logical3A_184 = vector.broadcast %shift_right_logical3A_183 : i32 to vector<16xi32>
      %shift_right_logical3A_185 = arith.shrui %get3A_182, %shift_right_logical3A_184 : vector<16xi32>
      %swap3A_186 = arith.constant 1 : i32
      %swap3A_187 = arith.index_cast %swap3A_186 : i32 to index
      %swap3A_188 = arith.constant 32 : index
      %swap3A_189 = tpu.vector_load %arg9[%swap3A_187, %swap3A_188] {strides = array<i32>} : memref<2x80xi32, #tpu.memory_space<vmem>>, vector<16xi32>,
      tpu.vector_store %arg9[%swap3A_187, %swap3A_188], %shift_right_logical3A_185 {strides = array<i32>} : memref<2x80xi32, #tpu.memory_space<vmem>>, vector<16xi32>,
      %and3A_190 = arith.constant 4095 : i32
      %and3A_191 = vector.broadcast %and3A_190 : i32 to vector<16xi32>
      %and3A_192 = arith.andi %get3A_182, %and3A_191 : vector<16xi32>
      %swap3A_193 = arith.constant 1 : i32
      %swap3A_194 = arith.index_cast %swap3A_193 : i32 to index
      %swap3A_195 = arith.constant 32 : index
      %swap3A_196 = tpu.vector_load %arg10[%swap3A_194, %swap3A_195] {strides = array<i32>} : memref<2x80xi32, #tpu.memory_space<vmem>>, vector<16xi32>,
      tpu.vector_store %arg10[%swap3A_194, %swap3A_195], %and3A_192 {strides = array<i32>} : memref<2x80xi32, #tpu.memory_space<vmem>>, vector<16xi32>,
      %mul3A_197 = arith.constant 80 : i32
      %mul3A_198 = arith.muli %add3A_139, %mul3A_197 : i32
      %add3A_199 = arith.constant 48 : i32
      %add3A_200 = arith.addi %mul3A_198, %add3A_199 : i32
      %get3A_201 = arith.index_cast %add3A_200 : i32 to index
      %get3A_202 = tpu.vector_load %arg8[%get3A_201] {strides = array<i32>} : memref<20160xi32, #tpu.memory_space<vmem>>, vector<16xi32>,
      %shift_right_logical3A_203 = arith.constant 12 : i32
      %shift_right_logical3A_204 = vector.broadcast %shift_right_logical3A_203 : i32 to vector<16xi32>
      %shift_right_logical3A_205 = arith.shrui %get3A_202, %shift_right_logical3A_204 : vector<16xi32>
      %swap3A_206 = arith.constant 1 : i32
      %swap3A_207 = arith.index_cast %swap3A_206 : i32 to index
      %swap3A_208 = arith.constant 48 : index
      %swap3A_209 = tpu.vector_load %arg9[%swap3A_207, %swap3A_208] {strides = array<i32>} : memref<2x80xi32, #tpu.memory_space<vmem>>, vector<16xi32>,
      tpu.vector_store %arg9[%swap3A_207, %swap3A_208], %shift_right_logical3A_205 {strides = array<i32>} : memref<2x80xi32, #tpu.memory_space<vmem>>, vector<16xi32>,
      %and3A_210 = arith.constant 4095 : i32
      %and3A_211 = vector.broadcast %and3A_210 : i32 to vector<16xi32>
      %and3A_212 = arith.andi %get3A_202, %and3A_211 : vector<16xi32>
      %swap3A_213 = arith.constant 1 : i32
      %swap3A_214 = arith.index_cast %swap3A_213 : i32 to index
      %swap3A_215 = arith.constant 48 : index
      %swap3A_216 = tpu.vector_load %arg10[%swap3A_214, %swap3A_215] {strides = array<i32>} : memref<2x80xi32, #tpu.memory_space<vmem>>, vector<16xi32>,
      tpu.vector_store %arg10[%swap3A_214, %swap3A_215], %and3A_212 {strides = array<i32>} : memref<2x80xi32, #tpu.memory_space<vmem>>, vector<16xi32>,
      %mul3A_217 = arith.constant 80 : i32
      %mul3A_218 = arith.muli %add3A_139, %mul3A_217 : i32
      %add3A_219 = arith.constant 64 : i32
      %add3A_220 = arith.addi %mul3A_218, %add3A_219 : i32
      %get3A_221 = arith.index_cast %add3A_220 : i32 to index
      %get3A_222 = tpu.vector_load %arg8[%get3A_221] {strides = array<i32>} : memref<20160xi32, #tpu.memory_space<vmem>>, vector<16xi32>,
      %shift_right_logical3A_223 = arith.constant 12 : i32
      %shift_right_logical3A_224 = vector.broadcast %shift_right_logical3A_223 : i32 to vector<16xi32>
      %shift_right_logical3A_225 = arith.shrui %get3A_222, %shift_right_logical3A_224 : vector<16xi32>
      %swap3A_226 = arith.constant 1 : i32
      %swap3A_227 = arith.index_cast %swap3A_226 : i32 to index
      %swap3A_228 = arith.constant 64 : index
      %swap3A_229 = tpu.vector_load %arg9[%swap3A_227, %swap3A_228] {strides = array<i32>} : memref<2x80xi32, #tpu.memory_space<vmem>>, vector<16xi32>,
      tpu.vector_store %arg9[%swap3A_227, %swap3A_228], %shift_right_logical3A_225 {strides = array<i32>} : memref<2x80xi32, #tpu.memory_space<vmem>>, vector<16xi32>,
      %and3A_230 = arith.constant 4095 : i32
      %and3A_231 = vector.broadcast %and3A_230 : i32 to vector<16xi32>
      %and3A_232 = arith.andi %get3A_222, %and3A_231 : vector<16xi32>
      %swap3A_233 = arith.constant 1 : i32
      %swap3A_234 = arith.index_cast %swap3A_233 : i32 to index
      %swap3A_235 = arith.constant 64 : index
      %swap3A_236 = tpu.vector_load %arg10[%swap3A_234, %swap3A_235] {strides = array<i32>} : memref<2x80xi32, #tpu.memory_space<vmem>>, vector<16xi32>,
      tpu.vector_store %arg10[%swap3A_234, %swap3A_235], %and3A_232 {strides = array<i32>} : memref<2x80xi32, #tpu.memory_space<vmem>>, vector<16xi32>,
      %dma_start3A = arith.constant 1 : i32
      %dma_start3A_237 = arith.constant 0 : i32
      %dma_start3A_238 = tpu.memref_slice %arg9[%dma_start3A, %dma_start3A_237] : memref<2x80xi32, #tpu.memory_space<vmem>> -> memref<1x80xi32, #tpu.memory_space<vmem>>
      %dma_start3A_239 = tpu.memref_squeeze %dma_start3A_238 : memref<1x80xi32, #tpu.memory_space<vmem>> -> memref<80xi32, #tpu.memory_space<vmem>>
      %dma_start3A_240 = arith.constant 0 : i32
      %dma_start3A_241 = arith.constant 0 : i32
      %dma_start3A_242 = tpu.memref_slice %arg2[%dma_start3A_240, %dma_start3A_241] : memref<10000x128xf32, #tpu.memory_space<hbm>> -> memref<10000x128xf32, #tpu.memory_space<hbm>>
      tpu.enqueue_indirect_dma source(%dma_start3A_242 : memref<10000x128xf32, #tpu.memory_space<hbm>>) target(%arg12 : memref<80x128xf32, #tpu.memory_space<vmem>>) offsets(%dma_start3A_239 : memref<80xi32, #tpu.memory_space<vmem>>) semaphore(%arg15 : memref<!tpu.dma_semaphore, #tpu.memory_space<semaphore_mem>>)
      %dma_wait3A = arith.constant 0 : i32
      %dma_wait3A_243 = arith.constant 0 : i32
      %dma_wait3A_244 = tpu.memref_slice %arg9[%dma_wait3A, %dma_wait3A_243] : memref<2x80xi32, #tpu.memory_space<vmem>> -> memref<1x80xi32, #tpu.memory_space<vmem>>
      %dma_wait3A_245 = tpu.memref_squeeze %dma_wait3A_244 : memref<1x80xi32, #tpu.memory_space<vmem>> -> memref<80xi32, #tpu.memory_space<vmem>>
      %dma_wait3A_246 = arith.constant 0 : i32
      %dma_wait3A_247 = arith.constant 0 : i32
      %dma_wait3A_248 = tpu.memref_slice %arg2[%dma_wait3A_246, %dma_wait3A_247] : memref<10000x128xf32, #tpu.memory_space<hbm>> -> memref<10000x128xf32, #tpu.memory_space<hbm>>
      tpu.wait_indirect_dma semaphore(%arg14 : memref<!tpu.dma_semaphore, #tpu.memory_space<semaphore_mem>>) src(%dma_wait3A_248 : memref<10000x128xf32, #tpu.memory_space<hbm>>) dst(%arg11 : memref<80x128xf32, #tpu.memory_space<vmem>>)
      %run_scoped3A = arith.constant 0 : i32
      "tpu.region"() ({
        %run_scoped3A_262 = tpu.sem_alloc : memref<!tpu.dma_semaphore, #tpu.memory_space<semaphore_mem>>
        %dma_start3A_263 = arith.constant 0 : i32
        %dma_start3A_264 = tpu.memref_slice %arg10[%run_scoped3A, %dma_start3A_263] : memref<2x80xi32, #tpu.memory_space<vmem>> -> memref<1x80xi32, #tpu.memory_space<vmem>>
        %dma_start3A_265 = tpu.memref_squeeze %dma_start3A_264 : memref<1x80xi32, #tpu.memory_space<vmem>> -> memref<80xi32, #tpu.memory_space<vmem>>
        %dma_start3A_266 = arith.constant 0 : i32
        %dma_start3A_267 = arith.constant 0 : i32
        %dma_start3A_268 = tpu.memref_slice %arg13[%dma_start3A_266, %dma_start3A_267] : memref<1280x128xf32, #tpu.memory_space<vmem_shared>> -> memref<1280x128xf32, #tpu.memory_space<vmem_shared>>
        tpu.enqueue_indirect_dma source(%arg11 : memref<80x128xf32, #tpu.memory_space<vmem>>) target(%dma_start3A_268 : memref<1280x128xf32, #tpu.memory_space<vmem_shared>>) offsets(%dma_start3A_265 : memref<80xi32, #tpu.memory_space<vmem>>) semaphore(%run_scoped3A_262 : memref<!tpu.dma_semaphore, #tpu.memory_space<semaphore_mem>>) {add = true}
        %dma_wait3A_269 = arith.constant 0 : i32
        %dma_wait3A_270 = tpu.memref_slice %arg10[%run_scoped3A, %dma_wait3A_269] : memref<2x80xi32, #tpu.memory_space<vmem>> -> memref<1x80xi32, #tpu.memory_space<vmem>>
        %dma_wait3A_271 = tpu.memref_squeeze %dma_wait3A_270 : memref<1x80xi32, #tpu.memory_space<vmem>> -> memref<80xi32, #tpu.memory_space<vmem>>
        %dma_wait3A_272 = arith.constant 0 : i32
        %dma_wait3A_273 = arith.constant 0 : i32
        %dma_wait3A_274 = tpu.memref_slice %arg13[%dma_wait3A_272, %dma_wait3A_273] : memref<1280x128xf32, #tpu.memory_space<vmem_shared>> -> memref<1280x128xf32, #tpu.memory_space<vmem_shared>>
        tpu.wait_indirect_dma semaphore(%run_scoped3A_262 : memref<!tpu.dma_semaphore, #tpu.memory_space<semaphore_mem>>) src(%arg11 : memref<80x128xf32, #tpu.memory_space<vmem>>) dst(%dma_wait3A_274 : memref<1280x128xf32, #tpu.memory_space<vmem_shared>>)
        tpu.yield
      }) : () -> ()
      %sub3A_249 = arith.constant 1 : i32
      %sub3A_250 = arith.subi %select_n3A_104, %sub3A_249 : i32
      %lt3A = arith.cmpi slt, %add3A_133, %sub3A_250 : i32
      %convert_element_type3A_251 = arith.extui %lt3A : i1 to i32
      %cond3A_252 = arith.constant 0 : i32
      %cond3A_253 = arith.cmpi ne, %convert_element_type3A_251, %cond3A_252 : i32
      scf.if %cond3A_253 {
        %add3A_262 = arith.constant 2 : i32
        %add3A_263 = arith.addi %mul3A_135, %add3A_262 : i32
        %mul3A_264 = arith.constant 80 : i32
        %mul3A_265 = arith.muli %add3A_263, %mul3A_264 : i32
        %add3A_266 = arith.constant 0 : i32
        %add3A_267 = arith.addi %mul3A_265, %add3A_266 : i32
        %get3A_268 = arith.index_cast %add3A_267 : i32 to index
        %get3A_269 = tpu.vector_load %arg8[%get3A_268] {strides = array<i32>} : memref<20160xi32, #tpu.memory_space<vmem>>, vector<16xi32>,
        %shift_right_logical3A_270 = arith.constant 12 : i32
        %shift_right_logical3A_271 = vector.broadcast %shift_right_logical3A_270 : i32 to vector<16xi32>
        %shift_right_logical3A_272 = arith.shrui %get3A_269, %shift_right_logical3A_271 : vector<16xi32>
        %swap3A_273 = arith.constant 0 : i32
        %swap3A_274 = arith.index_cast %swap3A_273 : i32 to index
        %swap3A_275 = arith.constant 0 : index
        %swap3A_276 = tpu.vector_load %arg9[%swap3A_274, %swap3A_275] {strides = array<i32>} : memref<2x80xi32, #tpu.memory_space<vmem>>, vector<16xi32>,
        tpu.vector_store %arg9[%swap3A_274, %swap3A_275], %shift_right_logical3A_272 {strides = array<i32>} : memref<2x80xi32, #tpu.memory_space<vmem>>, vector<16xi32>,
        %and3A_277 = arith.constant 4095 : i32
        %and3A_278 = vector.broadcast %and3A_277 : i32 to vector<16xi32>
        %and3A_279 = arith.andi %get3A_269, %and3A_278 : vector<16xi32>
        %swap3A_280 = arith.constant 0 : i32
        %swap3A_281 = arith.index_cast %swap3A_280 : i32 to index
        %swap3A_282 = arith.constant 0 : index
        %swap3A_283 = tpu.vector_load %arg10[%swap3A_281, %swap3A_282] {strides = array<i32>} : memref<2x80xi32, #tpu.memory_space<vmem>>, vector<16xi32>,
        tpu.vector_store %arg10[%swap3A_281, %swap3A_282], %and3A_279 {strides = array<i32>} : memref<2x80xi32, #tpu.memory_space<vmem>>, vector<16xi32>,
        %mul3A_284 = arith.constant 80 : i32
        %mul3A_285 = arith.muli %add3A_263, %mul3A_284 : i32
        %add3A_286 = arith.constant 16 : i32
        %add3A_287 = arith.addi %mul3A_285, %add3A_286 : i32
        %get3A_288 = arith.index_cast %add3A_287 : i32 to index
        %get3A_289 = tpu.vector_load %arg8[%get3A_288] {strides = array<i32>} : memref<20160xi32, #tpu.memory_space<vmem>>, vector<16xi32>,
        %shift_right_logical3A_290 = arith.constant 12 : i32
        %shift_right_logical3A_291 = vector.broadcast %shift_right_logical3A_290 : i32 to vector<16xi32>
        %shift_right_logical3A_292 = arith.shrui %get3A_289, %shift_right_logical3A_291 : vector<16xi32>
        %swap3A_293 = arith.constant 0 : i32
        %swap3A_294 = arith.index_cast %swap3A_293 : i32 to index
        %swap3A_295 = arith.constant 16 : index
        %swap3A_296 = tpu.vector_load %arg9[%swap3A_294, %swap3A_295] {strides = array<i32>} : memref<2x80xi32, #tpu.memory_space<vmem>>, vector<16xi32>,
        tpu.vector_store %arg9[%swap3A_294, %swap3A_295], %shift_right_logical3A_292 {strides = array<i32>} : memref<2x80xi32, #tpu.memory_space<vmem>>, vector<16xi32>,
        %and3A_297 = arith.constant 4095 : i32
        %and3A_298 = vector.broadcast %and3A_297 : i32 to vector<16xi32>
        %and3A_299 = arith.andi %get3A_289, %and3A_298 : vector<16xi32>
        %swap3A_300 = arith.constant 0 : i32
        %swap3A_301 = arith.index_cast %swap3A_300 : i32 to index
        %swap3A_302 = arith.constant 16 : index
        %swap3A_303 = tpu.vector_load %arg10[%swap3A_301, %swap3A_302] {strides = array<i32>} : memref<2x80xi32, #tpu.memory_space<vmem>>, vector<16xi32>,
        tpu.vector_store %arg10[%swap3A_301, %swap3A_302], %and3A_299 {strides = array<i32>} : memref<2x80xi32, #tpu.memory_space<vmem>>, vector<16xi32>,
        %mul3A_304 = arith.constant 80 : i32
        %mul3A_305 = arith.muli %add3A_263, %mul3A_304 : i32
        %add3A_306 = arith.constant 32 : i32
        %add3A_307 = arith.addi %mul3A_305, %add3A_306 : i32
        %get3A_308 = arith.index_cast %add3A_307 : i32 to index
        %get3A_309 = tpu.vector_load %arg8[%get3A_308] {strides = array<i32>} : memref<20160xi32, #tpu.memory_space<vmem>>, vector<16xi32>,
        %shift_right_logical3A_310 = arith.constant 12 : i32
        %shift_right_logical3A_311 = vector.broadcast %shift_right_logical3A_310 : i32 to vector<16xi32>
        %shift_right_logical3A_312 = arith.shrui %get3A_309, %shift_right_logical3A_311 : vector<16xi32>
        %swap3A_313 = arith.constant 0 : i32
        %swap3A_314 = arith.index_cast %swap3A_313 : i32 to index
        %swap3A_315 = arith.constant 32 : index
        %swap3A_316 = tpu.vector_load %arg9[%swap3A_314, %swap3A_315] {strides = array<i32>} : memref<2x80xi32, #tpu.memory_space<vmem>>, vector<16xi32>,
        tpu.vector_store %arg9[%swap3A_314, %swap3A_315], %shift_right_logical3A_312 {strides = array<i32>} : memref<2x80xi32, #tpu.memory_space<vmem>>, vector<16xi32>,
        %and3A_317 = arith.constant 4095 : i32
        %and3A_318 = vector.broadcast %and3A_317 : i32 to vector<16xi32>
        %and3A_319 = arith.andi %get3A_309, %and3A_318 : vector<16xi32>
        %swap3A_320 = arith.constant 0 : i32
        %swap3A_321 = arith.index_cast %swap3A_320 : i32 to index
        %swap3A_322 = arith.constant 32 : index
        %swap3A_323 = tpu.vector_load %arg10[%swap3A_321, %swap3A_322] {strides = array<i32>} : memref<2x80xi32, #tpu.memory_space<vmem>>, vector<16xi32>,
        tpu.vector_store %arg10[%swap3A_321, %swap3A_322], %and3A_319 {strides = array<i32>} : memref<2x80xi32, #tpu.memory_space<vmem>>, vector<16xi32>,
        %mul3A_324 = arith.constant 80 : i32
        %mul3A_325 = arith.muli %add3A_263, %mul3A_324 : i32
        %add3A_326 = arith.constant 48 : i32
        %add3A_327 = arith.addi %mul3A_325, %add3A_326 : i32
        %get3A_328 = arith.index_cast %add3A_327 : i32 to index
        %get3A_329 = tpu.vector_load %arg8[%get3A_328] {strides = array<i32>} : memref<20160xi32, #tpu.memory_space<vmem>>, vector<16xi32>,
        %shift_right_logical3A_330 = arith.constant 12 : i32
        %shift_right_logical3A_331 = vector.broadcast %shift_right_logical3A_330 : i32 to vector<16xi32>
        %shift_right_logical3A_332 = arith.shrui %get3A_329, %shift_right_logical3A_331 : vector<16xi32>
        %swap3A_333 = arith.constant 0 : i32
        %swap3A_334 = arith.index_cast %swap3A_333 : i32 to index
        %swap3A_335 = arith.constant 48 : index
        %swap3A_336 = tpu.vector_load %arg9[%swap3A_334, %swap3A_335] {strides = array<i32>} : memref<2x80xi32, #tpu.memory_space<vmem>>, vector<16xi32>,
        tpu.vector_store %arg9[%swap3A_334, %swap3A_335], %shift_right_logical3A_332 {strides = array<i32>} : memref<2x80xi32, #tpu.memory_space<vmem>>, vector<16xi32>,
        %and3A_337 = arith.constant 4095 : i32
        %and3A_338 = vector.broadcast %and3A_337 : i32 to vector<16xi32>
        %and3A_339 = arith.andi %get3A_329, %and3A_338 : vector<16xi32>
        %swap3A_340 = arith.constant 0 : i32
        %swap3A_341 = arith.index_cast %swap3A_340 : i32 to index
        %swap3A_342 = arith.constant 48 : index
        %swap3A_343 = tpu.vector_load %arg10[%swap3A_341, %swap3A_342] {strides = array<i32>} : memref<2x80xi32, #tpu.memory_space<vmem>>, vector<16xi32>,
        tpu.vector_store %arg10[%swap3A_341, %swap3A_342], %and3A_339 {strides = array<i32>} : memref<2x80xi32, #tpu.memory_space<vmem>>, vector<16xi32>,
        %mul3A_344 = arith.constant 80 : i32
        %mul3A_345 = arith.muli %add3A_263, %mul3A_344 : i32
        %add3A_346 = arith.constant 64 : i32
        %add3A_347 = arith.addi %mul3A_345, %add3A_346 : i32
        %get3A_348 = arith.index_cast %add3A_347 : i32 to index
        %get3A_349 = tpu.vector_load %arg8[%get3A_348] {strides = array<i32>} : memref<20160xi32, #tpu.memory_space<vmem>>, vector<16xi32>,
        %shift_right_logical3A_350 = arith.constant 12 : i32
        %shift_right_logical3A_351 = vector.broadcast %shift_right_logical3A_350 : i32 to vector<16xi32>
        %shift_right_logical3A_352 = arith.shrui %get3A_349, %shift_right_logical3A_351 : vector<16xi32>
        %swap3A_353 = arith.constant 0 : i32
        %swap3A_354 = arith.index_cast %swap3A_353 : i32 to index
        %swap3A_355 = arith.constant 64 : index
        %swap3A_356 = tpu.vector_load %arg9[%swap3A_354, %swap3A_355] {strides = array<i32>} : memref<2x80xi32, #tpu.memory_space<vmem>>, vector<16xi32>,
        tpu.vector_store %arg9[%swap3A_354, %swap3A_355], %shift_right_logical3A_352 {strides = array<i32>} : memref<2x80xi32, #tpu.memory_space<vmem>>, vector<16xi32>,
        %and3A_357 = arith.constant 4095 : i32
        %and3A_358 = vector.broadcast %and3A_357 : i32 to vector<16xi32>
        %and3A_359 = arith.andi %get3A_349, %and3A_358 : vector<16xi32>
        %swap3A_360 = arith.constant 0 : i32
        %swap3A_361 = arith.index_cast %swap3A_360 : i32 to index
        %swap3A_362 = arith.constant 64 : index
        %swap3A_363 = tpu.vector_load %arg10[%swap3A_361, %swap3A_362] {strides = array<i32>} : memref<2x80xi32, #tpu.memory_space<vmem>>, vector<16xi32>,
        tpu.vector_store %arg10[%swap3A_361, %swap3A_362], %and3A_359 {strides = array<i32>} : memref<2x80xi32, #tpu.memory_space<vmem>>, vector<16xi32>,
        %dma_start3A_364 = arith.constant 0 : i32
        %dma_start3A_365 = arith.constant 0 : i32
        %dma_start3A_366 = tpu.memref_slice %arg9[%dma_start3A_364, %dma_start3A_365] : memref<2x80xi32, #tpu.memory_space<vmem>> -> memref<1x80xi32, #tpu.memory_space<vmem>>
        %dma_start3A_367 = tpu.memref_squeeze %dma_start3A_366 : memref<1x80xi32, #tpu.memory_space<vmem>> -> memref<80xi32, #tpu.memory_space<vmem>>
        %dma_start3A_368 = arith.constant 0 : i32
        %dma_start3A_369 = arith.constant 0 : i32
        %dma_start3A_370 = tpu.memref_slice %arg2[%dma_start3A_368, %dma_start3A_369] : memref<10000x128xf32, #tpu.memory_space<hbm>> -> memref<10000x128xf32, #tpu.memory_space<hbm>>
        tpu.enqueue_indirect_dma source(%dma_start3A_370 : memref<10000x128xf32, #tpu.memory_space<hbm>>) target(%arg11 : memref<80x128xf32, #tpu.memory_space<vmem>>) offsets(%dma_start3A_367 : memref<80xi32, #tpu.memory_space<vmem>>) semaphore(%arg14 : memref<!tpu.dma_semaphore, #tpu.memory_space<semaphore_mem>>)
      } else {
      }
      %dma_wait3A_254 = arith.constant 1 : i32
      %dma_wait3A_255 = arith.constant 0 : i32
      %dma_wait3A_256 = tpu.memref_slice %arg9[%dma_wait3A_254, %dma_wait3A_255] : memref<2x80xi32, #tpu.memory_space<vmem>> -> memref<1x80xi32, #tpu.memory_space<vmem>>
      %dma_wait3A_257 = tpu.memref_squeeze %dma_wait3A_256 : memref<1x80xi32, #tpu.memory_space<vmem>> -> memref<80xi32, #tpu.memory_space<vmem>>
      %dma_wait3A_258 = arith.constant 0 : i32
      %dma_wait3A_259 = arith.constant 0 : i32
      %dma_wait3A_260 = tpu.memref_slice %arg2[%dma_wait3A_258, %dma_wait3A_259] : memref<10000x128xf32, #tpu.memory_space<hbm>> -> memref<10000x128xf32, #tpu.memory_space<hbm>>
      tpu.wait_indirect_dma semaphore(%arg15 : memref<!tpu.dma_semaphore, #tpu.memory_space<semaphore_mem>>) src(%dma_wait3A_260 : memref<10000x128xf32, #tpu.memory_space<hbm>>) dst(%arg12 : memref<80x128xf32, #tpu.memory_space<vmem>>)
      %run_scoped3A_261 = arith.constant 1 : i32
      "tpu.region"() ({
        %run_scoped3A_262 = tpu.sem_alloc : memref<!tpu.dma_semaphore, #tpu.memory_space<semaphore_mem>>
        %dma_start3A_263 = arith.constant 0 : i32
        %dma_start3A_264 = tpu.memref_slice %arg10[%run_scoped3A_261, %dma_start3A_263] : memref<2x80xi32, #tpu.memory_space<vmem>> -> memref<1x80xi32, #tpu.memory_space<vmem>>
        %dma_start3A_265 = tpu.memref_squeeze %dma_start3A_264 : memref<1x80xi32, #tpu.memory_space<vmem>> -> memref<80xi32, #tpu.memory_space<vmem>>
        %dma_start3A_266 = arith.constant 0 : i32
        %dma_start3A_267 = arith.constant 0 : i32
        %dma_start3A_268 = tpu.memref_slice %arg13[%dma_start3A_266, %dma_start3A_267] : memref<1280x128xf32, #tpu.memory_space<vmem_shared>> -> memref<1280x128xf32, #tpu.memory_space<vmem_shared>>
        tpu.enqueue_indirect_dma source(%arg12 : memref<80x128xf32, #tpu.memory_space<vmem>>) target(%dma_start3A_268 : memref<1280x128xf32, #tpu.memory_space<vmem_shared>>) offsets(%dma_start3A_265 : memref<80xi32, #tpu.memory_space<vmem>>) semaphore(%run_scoped3A_262 : memref<!tpu.dma_semaphore, #tpu.memory_space<semaphore_mem>>) {add = true}
        %dma_wait3A_269 = arith.constant 0 : i32
        %dma_wait3A_270 = tpu.memref_slice %arg10[%run_scoped3A_261, %dma_wait3A_269] : memref<2x80xi32, #tpu.memory_space<vmem>> -> memref<1x80xi32, #tpu.memory_space<vmem>>
        %dma_wait3A_271 = tpu.memref_squeeze %dma_wait3A_270 : memref<1x80xi32, #tpu.memory_space<vmem>> -> memref<80xi32, #tpu.memory_space<vmem>>
        %dma_wait3A_272 = arith.constant 0 : i32
        %dma_wait3A_273 = arith.constant 0 : i32
        %dma_wait3A_274 = tpu.memref_slice %arg13[%dma_wait3A_272, %dma_wait3A_273] : memref<1280x128xf32, #tpu.memory_space<vmem_shared>> -> memref<1280x128xf32, #tpu.memory_space<vmem_shared>>
        tpu.wait_indirect_dma semaphore(%run_scoped3A_262 : memref<!tpu.dma_semaphore, #tpu.memory_space<semaphore_mem>>) src(%arg12 : memref<80x128xf32, #tpu.memory_space<vmem>>) dst(%dma_wait3A_274 : memref<1280x128xf32, #tpu.memory_space<vmem_shared>>)
        tpu.yield
      }) : () -> ()
    }
    %while3A_125 = arith.constant 1 : i32
    scf.for %while3A_131 = %while3A_123 to %while3A_119 step %while3A_125  : i32 {
      %mul3A_132 = arith.muli %while3A_131, %while3A_115 : i32
      %add3A_133 = arith.addi %while3A_116, %mul3A_132 : i32
      %mul3A_134 = arith.constant 2 : i32
      %mul3A_135 = arith.muli %mul3A_134, %add3A_133 : i32
      %mul3A_136 = arith.constant 2 : i32
      %mul3A_137 = arith.muli %mul3A_136, %add3A_133 : i32
      %add3A_138 = arith.constant 1 : i32
      %add3A_139 = arith.addi %mul3A_137, %add3A_138 : i32
      %mul3A_140 = arith.constant 80 : i32
      %mul3A_141 = arith.muli %add3A_139, %mul3A_140 : i32
      %add3A_142 = arith.constant 0 : i32
      %add3A_143 = arith.addi %mul3A_141, %add3A_142 : i32
      %get3A = arith.index_cast %add3A_143 : i32 to index
      %get3A_144 = tpu.vector_load %arg8[%get3A] {strides = array<i32>} : memref<20160xi32, #tpu.memory_space<vmem>>, vector<16xi32>,
      %shift_right_logical3A = arith.constant 12 : i32
      %shift_right_logical3A_145 = vector.broadcast %shift_right_logical3A : i32 to vector<16xi32>
      %shift_right_logical3A_146 = arith.shrui %get3A_144, %shift_right_logical3A_145 : vector<16xi32>
      %swap3A = arith.constant 1 : i32
      %swap3A_147 = arith.index_cast %swap3A : i32 to index
      %swap3A_148 = arith.constant 0 : index
      %swap3A_149 = tpu.vector_load %arg9[%swap3A_147, %swap3A_148] {strides = array<i32>} : memref<2x80xi32, #tpu.memory_space<vmem>>, vector<16xi32>,
      tpu.vector_store %arg9[%swap3A_147, %swap3A_148], %shift_right_logical3A_146 {strides = array<i32>} : memref<2x80xi32, #tpu.memory_space<vmem>>, vector<16xi32>,
      %and3A_150 = arith.constant 4095 : i32
      %and3A_151 = vector.broadcast %and3A_150 : i32 to vector<16xi32>
      %and3A_152 = arith.andi %get3A_144, %and3A_151 : vector<16xi32>
      %swap3A_153 = arith.constant 1 : i32
      %swap3A_154 = arith.index_cast %swap3A_153 : i32 to index
      %swap3A_155 = arith.constant 0 : index
      %swap3A_156 = tpu.vector_load %arg10[%swap3A_154, %swap3A_155] {strides = array<i32>} : memref<2x80xi32, #tpu.memory_space<vmem>>, vector<16xi32>,
      tpu.vector_store %arg10[%swap3A_154, %swap3A_155], %and3A_152 {strides = array<i32>} : memref<2x80xi32, #tpu.memory_space<vmem>>, vector<16xi32>,
      %mul3A_157 = arith.constant 80 : i32
      %mul3A_158 = arith.muli %add3A_139, %mul3A_157 : i32
      %add3A_159 = arith.constant 16 : i32
      %add3A_160 = arith.addi %mul3A_158, %add3A_159 : i32
      %get3A_161 = arith.index_cast %add3A_160 : i32 to index
      %get3A_162 = tpu.vector_load %arg8[%get3A_161] {strides = array<i32>} : memref<20160xi32, #tpu.memory_space<vmem>>, vector<16xi32>,
      %shift_right_logical3A_163 = arith.constant 12 : i32
      %shift_right_logical3A_164 = vector.broadcast %shift_right_logical3A_163 : i32 to vector<16xi32>
      %shift_right_logical3A_165 = arith.shrui %get3A_162, %shift_right_logical3A_164 : vector<16xi32>
      %swap3A_166 = arith.constant 1 : i32
      %swap3A_167 = arith.index_cast %swap3A_166 : i32 to index
      %swap3A_168 = arith.constant 16 : index
      %swap3A_169 = tpu.vector_load %arg9[%swap3A_167, %swap3A_168] {strides = array<i32>} : memref<2x80xi32, #tpu.memory_space<vmem>>, vector<16xi32>,
      tpu.vector_store %arg9[%swap3A_167, %swap3A_168], %shift_right_logical3A_165 {strides = array<i32>} : memref<2x80xi32, #tpu.memory_space<vmem>>, vector<16xi32>,
      %and3A_170 = arith.constant 4095 : i32
      %and3A_171 = vector.broadcast %and3A_170 : i32 to vector<16xi32>
      %and3A_172 = arith.andi %get3A_162, %and3A_171 : vector<16xi32>
      %swap3A_173 = arith.constant 1 : i32
      %swap3A_174 = arith.index_cast %swap3A_173 : i32 to index
      %swap3A_175 = arith.constant 16 : index
      %swap3A_176 = tpu.vector_load %arg10[%swap3A_174, %swap3A_175] {strides = array<i32>} : memref<2x80xi32, #tpu.memory_space<vmem>>, vector<16xi32>,
      tpu.vector_store %arg10[%swap3A_174, %swap3A_175], %and3A_172 {strides = array<i32>} : memref<2x80xi32, #tpu.memory_space<vmem>>, vector<16xi32>,
      %mul3A_177 = arith.constant 80 : i32
      %mul3A_178 = arith.muli %add3A_139, %mul3A_177 : i32
      %add3A_179 = arith.constant 32 : i32
      %add3A_180 = arith.addi %mul3A_178, %add3A_179 : i32
      %get3A_181 = arith.index_cast %add3A_180 : i32 to index
      %get3A_182 = tpu.vector_load %arg8[%get3A_181] {strides = array<i32>} : memref<20160xi32, #tpu.memory_space<vmem>>, vector<16xi32>,
      %shift_right_logical3A_183 = arith.constant 12 : i32
      %shift_right_logical3A_184 = vector.broadcast %shift_right_logical3A_183 : i32 to vector<16xi32>
      %shift_right_logical3A_185 = arith.shrui %get3A_182, %shift_right_logical3A_184 : vector<16xi32>
      %swap3A_186 = arith.constant 1 : i32
      %swap3A_187 = arith.index_cast %swap3A_186 : i32 to index
      %swap3A_188 = arith.constant 32 : index
      %swap3A_189 = tpu.vector_load %arg9[%swap3A_187, %swap3A_188] {strides = array<i32>} : memref<2x80xi32, #tpu.memory_space<vmem>>, vector<16xi32>,
      tpu.vector_store %arg9[%swap3A_187, %swap3A_188], %shift_right_logical3A_185 {strides = array<i32>} : memref<2x80xi32, #tpu.memory_space<vmem>>, vector<16xi32>,
      %and3A_190 = arith.constant 4095 : i32
      %and3A_191 = vector.broadcast %and3A_190 : i32 to vector<16xi32>
      %and3A_192 = arith.andi %get3A_182, %and3A_191 : vector<16xi32>
      %swap3A_193 = arith.constant 1 : i32
      %swap3A_194 = arith.index_cast %swap3A_193 : i32 to index
      %swap3A_195 = arith.constant 32 : index
      %swap3A_196 = tpu.vector_load %arg10[%swap3A_194, %swap3A_195] {strides = array<i32>} : memref<2x80xi32, #tpu.memory_space<vmem>>, vector<16xi32>,
      tpu.vector_store %arg10[%swap3A_194, %swap3A_195], %and3A_192 {strides = array<i32>} : memref<2x80xi32, #tpu.memory_space<vmem>>, vector<16xi32>,
      %mul3A_197 = arith.constant 80 : i32
      %mul3A_198 = arith.muli %add3A_139, %mul3A_197 : i32
      %add3A_199 = arith.constant 48 : i32
      %add3A_200 = arith.addi %mul3A_198, %add3A_199 : i32
      %get3A_201 = arith.index_cast %add3A_200 : i32 to index
      %get3A_202 = tpu.vector_load %arg8[%get3A_201] {strides = array<i32>} : memref<20160xi32, #tpu.memory_space<vmem>>, vector<16xi32>,
      %shift_right_logical3A_203 = arith.constant 12 : i32
      %shift_right_logical3A_204 = vector.broadcast %shift_right_logical3A_203 : i32 to vector<16xi32>
      %shift_right_logical3A_205 = arith.shrui %get3A_202, %shift_right_logical3A_204 : vector<16xi32>
      %swap3A_206 = arith.constant 1 : i32
      %swap3A_207 = arith.index_cast %swap3A_206 : i32 to index
      %swap3A_208 = arith.constant 48 : index
      %swap3A_209 = tpu.vector_load %arg9[%swap3A_207, %swap3A_208] {strides = array<i32>} : memref<2x80xi32, #tpu.memory_space<vmem>>, vector<16xi32>,
      tpu.vector_store %arg9[%swap3A_207, %swap3A_208], %shift_right_logical3A_205 {strides = array<i32>} : memref<2x80xi32, #tpu.memory_space<vmem>>, vector<16xi32>,
      %and3A_210 = arith.constant 4095 : i32
      %and3A_211 = vector.broadcast %and3A_210 : i32 to vector<16xi32>
      %and3A_212 = arith.andi %get3A_202, %and3A_211 : vector<16xi32>
      %swap3A_213 = arith.constant 1 : i32
      %swap3A_214 = arith.index_cast %swap3A_213 : i32 to index
      %swap3A_215 = arith.constant 48 : index
      %swap3A_216 = tpu.vector_load %arg10[%swap3A_214, %swap3A_215] {strides = array<i32>} : memref<2x80xi32, #tpu.memory_space<vmem>>, vector<16xi32>,
      tpu.vector_store %arg10[%swap3A_214, %swap3A_215], %and3A_212 {strides = array<i32>} : memref<2x80xi32, #tpu.memory_space<vmem>>, vector<16xi32>,
      %mul3A_217 = arith.constant 80 : i32
      %mul3A_218 = arith.muli %add3A_139, %mul3A_217 : i32
      %add3A_219 = arith.constant 64 : i32
      %add3A_220 = arith.addi %mul3A_218, %add3A_219 : i32
      %get3A_221 = arith.index_cast %add3A_220 : i32 to index
      %get3A_222 = tpu.vector_load %arg8[%get3A_221] {strides = array<i32>} : memref<20160xi32, #tpu.memory_space<vmem>>, vector<16xi32>,
      %shift_right_logical3A_223 = arith.constant 12 : i32
      %shift_right_logical3A_224 = vector.broadcast %shift_right_logical3A_223 : i32 to vector<16xi32>
      %shift_right_logical3A_225 = arith.shrui %get3A_222, %shift_right_logical3A_224 : vector<16xi32>
      %swap3A_226 = arith.constant 1 : i32
      %swap3A_227 = arith.index_cast %swap3A_226 : i32 to index
      %swap3A_228 = arith.constant 64 : index
      %swap3A_229 = tpu.vector_load %arg9[%swap3A_227, %swap3A_228] {strides = array<i32>} : memref<2x80xi32, #tpu.memory_space<vmem>>, vector<16xi32>,
      tpu.vector_store %arg9[%swap3A_227, %swap3A_228], %shift_right_logical3A_225 {strides = array<i32>} : memref<2x80xi32, #tpu.memory_space<vmem>>, vector<16xi32>,
      %and3A_230 = arith.constant 4095 : i32
      %and3A_231 = vector.broadcast %and3A_230 : i32 to vector<16xi32>
      %and3A_232 = arith.andi %get3A_222, %and3A_231 : vector<16xi32>
      %swap3A_233 = arith.constant 1 : i32
      %swap3A_234 = arith.index_cast %swap3A_233 : i32 to index
      %swap3A_235 = arith.constant 64 : index
      %swap3A_236 = tpu.vector_load %arg10[%swap3A_234, %swap3A_235] {strides = array<i32>} : memref<2x80xi32, #tpu.memory_space<vmem>>, vector<16xi32>,
      tpu.vector_store %arg10[%swap3A_234, %swap3A_235], %and3A_232 {strides = array<i32>} : memref<2x80xi32, #tpu.memory_space<vmem>>, vector<16xi32>,
      %dma_start3A = arith.constant 1 : i32
      %dma_start3A_237 = arith.constant 0 : i32
      %dma_start3A_238 = tpu.memref_slice %arg9[%dma_start3A, %dma_start3A_237] : memref<2x80xi32, #tpu.memory_space<vmem>> -> memref<1x80xi32, #tpu.memory_space<vmem>>
      %dma_start3A_239 = tpu.memref_squeeze %dma_start3A_238 : memref<1x80xi32, #tpu.memory_space<vmem>> -> memref<80xi32, #tpu.memory_space<vmem>>
      %dma_start3A_240 = arith.constant 0 : i32
      %dma_start3A_241 = arith.constant 0 : i32
      %dma_start3A_242 = tpu.memref_slice %arg2[%dma_start3A_240, %dma_start3A_241] : memref<10000x128xf32, #tpu.memory_space<hbm>> -> memref<10000x128xf32, #tpu.memory_space<hbm>>
      tpu.enqueue_indirect_dma source(%dma_start3A_242 : memref<10000x128xf32, #tpu.memory_space<hbm>>) target(%arg12 : memref<80x128xf32, #tpu.memory_space<vmem>>) offsets(%dma_start3A_239 : memref<80xi32, #tpu.memory_space<vmem>>) semaphore(%arg15 : memref<!tpu.dma_semaphore, #tpu.memory_space<semaphore_mem>>)
      %dma_wait3A = arith.constant 0 : i32
      %dma_wait3A_243 = arith.constant 0 : i32
      %dma_wait3A_244 = tpu.memref_slice %arg9[%dma_wait3A, %dma_wait3A_243] : memref<2x80xi32, #tpu.memory_space<vmem>> -> memref<1x80xi32, #tpu.memory_space<vmem>>
      %dma_wait3A_245 = tpu.memref_squeeze %dma_wait3A_244 : memref<1x80xi32, #tpu.memory_space<vmem>> -> memref<80xi32, #tpu.memory_space<vmem>>
      %dma_wait3A_246 = arith.constant 0 : i32
      %dma_wait3A_247 = arith.constant 0 : i32
      %dma_wait3A_248 = tpu.memref_slice %arg2[%dma_wait3A_246, %dma_wait3A_247] : memref<10000x128xf32, #tpu.memory_space<hbm>> -> memref<10000x128xf32, #tpu.memory_space<hbm>>
      tpu.wait_indirect_dma semaphore(%arg14 : memref<!tpu.dma_semaphore, #tpu.memory_space<semaphore_mem>>) src(%dma_wait3A_248 : memref<10000x128xf32, #tpu.memory_space<hbm>>) dst(%arg11 : memref<80x128xf32, #tpu.memory_space<vmem>>)
      %run_scoped3A = arith.constant 0 : i32
      "tpu.region"() ({
        %run_scoped3A_262 = tpu.sem_alloc : memref<!tpu.dma_semaphore, #tpu.memory_space<semaphore_mem>>
        %dma_start3A_263 = arith.constant 0 : i32
        %dma_start3A_264 = tpu.memref_slice %arg10[%run_scoped3A, %dma_start3A_263] : memref<2x80xi32, #tpu.memory_space<vmem>> -> memref<1x80xi32, #tpu.memory_space<vmem>>
        %dma_start3A_265 = tpu.memref_squeeze %dma_start3A_264 : memref<1x80xi32, #tpu.memory_space<vmem>> -> memref<80xi32, #tpu.memory_space<vmem>>
        %dma_start3A_266 = arith.constant 0 : i32
        %dma_start3A_267 = arith.constant 0 : i32
        %dma_start3A_268 = tpu.memref_slice %arg13[%dma_start3A_266, %dma_start3A_267] : memref<1280x128xf32, #tpu.memory_space<vmem_shared>> -> memref<1280x128xf32, #tpu.memory_space<vmem_shared>>
        tpu.enqueue_indirect_dma source(%arg11 : memref<80x128xf32, #tpu.memory_space<vmem>>) target(%dma_start3A_268 : memref<1280x128xf32, #tpu.memory_space<vmem_shared>>) offsets(%dma_start3A_265 : memref<80xi32, #tpu.memory_space<vmem>>) semaphore(%run_scoped3A_262 : memref<!tpu.dma_semaphore, #tpu.memory_space<semaphore_mem>>) {add = true}
        %dma_wait3A_269 = arith.constant 0 : i32
        %dma_wait3A_270 = tpu.memref_slice %arg10[%run_scoped3A, %dma_wait3A_269] : memref<2x80xi32, #tpu.memory_space<vmem>> -> memref<1x80xi32, #tpu.memory_space<vmem>>
        %dma_wait3A_271 = tpu.memref_squeeze %dma_wait3A_270 : memref<1x80xi32, #tpu.memory_space<vmem>> -> memref<80xi32, #tpu.memory_space<vmem>>
        %dma_wait3A_272 = arith.constant 0 : i32
        %dma_wait3A_273 = arith.constant 0 : i32
        %dma_wait3A_274 = tpu.memref_slice %arg13[%dma_wait3A_272, %dma_wait3A_273] : memref<1280x128xf32, #tpu.memory_space<vmem_shared>> -> memref<1280x128xf32, #tpu.memory_space<vmem_shared>>
        tpu.wait_indirect_dma semaphore(%run_scoped3A_262 : memref<!tpu.dma_semaphore, #tpu.memory_space<semaphore_mem>>) src(%arg11 : memref<80x128xf32, #tpu.memory_space<vmem>>) dst(%dma_wait3A_274 : memref<1280x128xf32, #tpu.memory_space<vmem_shared>>)
        tpu.yield
      }) : () -> ()
      %sub3A_249 = arith.constant 1 : i32
      %sub3A_250 = arith.subi %select_n3A_104, %sub3A_249 : i32
      %lt3A = arith.cmpi slt, %add3A_133, %sub3A_250 : i32
      %convert_element_type3A_251 = arith.extui %lt3A : i1 to i32
      %cond3A_252 = arith.constant 0 : i32
      %cond3A_253 = arith.cmpi ne, %convert_element_type3A_251, %cond3A_252 : i32
      scf.if %cond3A_253 {
        %add3A_262 = arith.constant 2 : i32
        %add3A_263 = arith.addi %mul3A_135, %add3A_262 : i32
        %mul3A_264 = arith.constant 80 : i32
        %mul3A_265 = arith.muli %add3A_263, %mul3A_264 : i32
        %add3A_266 = arith.constant 0 : i32
        %add3A_267 = arith.addi %mul3A_265, %add3A_266 : i32
        %get3A_268 = arith.index_cast %add3A_267 : i32 to index
        %get3A_269 = tpu.vector_load %arg8[%get3A_268] {strides = array<i32>} : memref<20160xi32, #tpu.memory_space<vmem>>, vector<16xi32>,
        %shift_right_logical3A_270 = arith.constant 12 : i32
        %shift_right_logical3A_271 = vector.broadcast %shift_right_logical3A_270 : i32 to vector<16xi32>
        %shift_right_logical3A_272 = arith.shrui %get3A_269, %shift_right_logical3A_271 : vector<16xi32>
        %swap3A_273 = arith.constant 0 : i32
        %swap3A_274 = arith.index_cast %swap3A_273 : i32 to index
        %swap3A_275 = arith.constant 0 : index
        %swap3A_276 = tpu.vector_load %arg9[%swap3A_274, %swap3A_275] {strides = array<i32>} : memref<2x80xi32, #tpu.memory_space<vmem>>, vector<16xi32>,
        tpu.vector_store %arg9[%swap3A_274, %swap3A_275], %shift_right_logical3A_272 {strides = array<i32>} : memref<2x80xi32, #tpu.memory_space<vmem>>, vector<16xi32>,
        %and3A_277 = arith.constant 4095 : i32
        %and3A_278 = vector.broadcast %and3A_277 : i32 to vector<16xi32>
        %and3A_279 = arith.andi %get3A_269, %and3A_278 : vector<16xi32>
        %swap3A_280 = arith.constant 0 : i32
        %swap3A_281 = arith.index_cast %swap3A_280 : i32 to index
        %swap3A_282 = arith.constant 0 : index
        %swap3A_283 = tpu.vector_load %arg10[%swap3A_281, %swap3A_282] {strides = array<i32>} : memref<2x80xi32, #tpu.memory_space<vmem>>, vector<16xi32>,
        tpu.vector_store %arg10[%swap3A_281, %swap3A_282], %and3A_279 {strides = array<i32>} : memref<2x80xi32, #tpu.memory_space<vmem>>, vector<16xi32>,
        %mul3A_284 = arith.constant 80 : i32
        %mul3A_285 = arith.muli %add3A_263, %mul3A_284 : i32
        %add3A_286 = arith.constant 16 : i32
        %add3A_287 = arith.addi %mul3A_285, %add3A_286 : i32
        %get3A_288 = arith.index_cast %add3A_287 : i32 to index
        %get3A_289 = tpu.vector_load %arg8[%get3A_288] {strides = array<i32>} : memref<20160xi32, #tpu.memory_space<vmem>>, vector<16xi32>,
        %shift_right_logical3A_290 = arith.constant 12 : i32
        %shift_right_logical3A_291 = vector.broadcast %shift_right_logical3A_290 : i32 to vector<16xi32>
        %shift_right_logical3A_292 = arith.shrui %get3A_289, %shift_right_logical3A_291 : vector<16xi32>
        %swap3A_293 = arith.constant 0 : i32
        %swap3A_294 = arith.index_cast %swap3A_293 : i32 to index
        %swap3A_295 = arith.constant 16 : index
        %swap3A_296 = tpu.vector_load %arg9[%swap3A_294, %swap3A_295] {strides = array<i32>} : memref<2x80xi32, #tpu.memory_space<vmem>>, vector<16xi32>,
        tpu.vector_store %arg9[%swap3A_294, %swap3A_295], %shift_right_logical3A_292 {strides = array<i32>} : memref<2x80xi32, #tpu.memory_space<vmem>>, vector<16xi32>,
        %and3A_297 = arith.constant 4095 : i32
        %and3A_298 = vector.broadcast %and3A_297 : i32 to vector<16xi32>
        %and3A_299 = arith.andi %get3A_289, %and3A_298 : vector<16xi32>
        %swap3A_300 = arith.constant 0 : i32
        %swap3A_301 = arith.index_cast %swap3A_300 : i32 to index
        %swap3A_302 = arith.constant 16 : index
        %swap3A_303 = tpu.vector_load %arg10[%swap3A_301, %swap3A_302] {strides = array<i32>} : memref<2x80xi32, #tpu.memory_space<vmem>>, vector<16xi32>,
        tpu.vector_store %arg10[%swap3A_301, %swap3A_302], %and3A_299 {strides = array<i32>} : memref<2x80xi32, #tpu.memory_space<vmem>>, vector<16xi32>,
        %mul3A_304 = arith.constant 80 : i32
        %mul3A_305 = arith.muli %add3A_263, %mul3A_304 : i32
        %add3A_306 = arith.constant 32 : i32
        %add3A_307 = arith.addi %mul3A_305, %add3A_306 : i32
        %get3A_308 = arith.index_cast %add3A_307 : i32 to index
        %get3A_309 = tpu.vector_load %arg8[%get3A_308] {strides = array<i32>} : memref<20160xi32, #tpu.memory_space<vmem>>, vector<16xi32>,
        %shift_right_logical3A_310 = arith.constant 12 : i32
        %shift_right_logical3A_311 = vector.broadcast %shift_right_logical3A_310 : i32 to vector<16xi32>
        %shift_right_logical3A_312 = arith.shrui %get3A_309, %shift_right_logical3A_311 : vector<16xi32>
        %swap3A_313 = arith.constant 0 : i32
        %swap3A_314 = arith.index_cast %swap3A_313 : i32 to index
        %swap3A_315 = arith.constant 32 : index
        %swap3A_316 = tpu.vector_load %arg9[%swap3A_314, %swap3A_315] {strides = array<i32>} : memref<2x80xi32, #tpu.memory_space<vmem>>, vector<16xi32>,
        tpu.vector_store %arg9[%swap3A_314, %swap3A_315], %shift_right_logical3A_312 {strides = array<i32>} : memref<2x80xi32, #tpu.memory_space<vmem>>, vector<16xi32>,
        %and3A_317 = arith.constant 4095 : i32
        %and3A_318 = vector.broadcast %and3A_317 : i32 to vector<16xi32>
        %and3A_319 = arith.andi %get3A_309, %and3A_318 : vector<16xi32>
        %swap3A_320 = arith.constant 0 : i32
        %swap3A_321 = arith.index_cast %swap3A_320 : i32 to index
        %swap3A_322 = arith.constant 32 : index
        %swap3A_323 = tpu.vector_load %arg10[%swap3A_321, %swap3A_322] {strides = array<i32>} : memref<2x80xi32, #tpu.memory_space<vmem>>, vector<16xi32>,
        tpu.vector_store %arg10[%swap3A_321, %swap3A_322], %and3A_319 {strides = array<i32>} : memref<2x80xi32, #tpu.memory_space<vmem>>, vector<16xi32>,
        %mul3A_324 = arith.constant 80 : i32
        %mul3A_325 = arith.muli %add3A_263, %mul3A_324 : i32
        %add3A_326 = arith.constant 48 : i32
        %add3A_327 = arith.addi %mul3A_325, %add3A_326 : i32
        %get3A_328 = arith.index_cast %add3A_327 : i32 to index
        %get3A_329 = tpu.vector_load %arg8[%get3A_328] {strides = array<i32>} : memref<20160xi32, #tpu.memory_space<vmem>>, vector<16xi32>,
        %shift_right_logical3A_330 = arith.constant 12 : i32
        %shift_right_logical3A_331 = vector.broadcast %shift_right_logical3A_330 : i32 to vector<16xi32>
        %shift_right_logical3A_332 = arith.shrui %get3A_329, %shift_right_logical3A_331 : vector<16xi32>
        %swap3A_333 = arith.constant 0 : i32
        %swap3A_334 = arith.index_cast %swap3A_333 : i32 to index
        %swap3A_335 = arith.constant 48 : index
        %swap3A_336 = tpu.vector_load %arg9[%swap3A_334, %swap3A_335] {strides = array<i32>} : memref<2x80xi32, #tpu.memory_space<vmem>>, vector<16xi32>,
        tpu.vector_store %arg9[%swap3A_334, %swap3A_335], %shift_right_logical3A_332 {strides = array<i32>} : memref<2x80xi32, #tpu.memory_space<vmem>>, vector<16xi32>,
        %and3A_337 = arith.constant 4095 : i32
        %and3A_338 = vector.broadcast %and3A_337 : i32 to vector<16xi32>
        %and3A_339 = arith.andi %get3A_329, %and3A_338 : vector<16xi32>
        %swap3A_340 = arith.constant 0 : i32
        %swap3A_341 = arith.index_cast %swap3A_340 : i32 to index
        %swap3A_342 = arith.constant 48 : index
        %swap3A_343 = tpu.vector_load %arg10[%swap3A_341, %swap3A_342] {strides = array<i32>} : memref<2x80xi32, #tpu.memory_space<vmem>>, vector<16xi32>,
        tpu.vector_store %arg10[%swap3A_341, %swap3A_342], %and3A_339 {strides = array<i32>} : memref<2x80xi32, #tpu.memory_space<vmem>>, vector<16xi32>,
        %mul3A_344 = arith.constant 80 : i32
        %mul3A_345 = arith.muli %add3A_263, %mul3A_344 : i32
        %add3A_346 = arith.constant 64 : i32
        %add3A_347 = arith.addi %mul3A_345, %add3A_346 : i32
        %get3A_348 = arith.index_cast %add3A_347 : i32 to index
        %get3A_349 = tpu.vector_load %arg8[%get3A_348] {strides = array<i32>} : memref<20160xi32, #tpu.memory_space<vmem>>, vector<16xi32>,
        %shift_right_logical3A_350 = arith.constant 12 : i32
        %shift_right_logical3A_351 = vector.broadcast %shift_right_logical3A_350 : i32 to vector<16xi32>
        %shift_right_logical3A_352 = arith.shrui %get3A_349, %shift_right_logical3A_351 : vector<16xi32>
        %swap3A_353 = arith.constant 0 : i32
        %swap3A_354 = arith.index_cast %swap3A_353 : i32 to index
        %swap3A_355 = arith.constant 64 : index
        %swap3A_356 = tpu.vector_load %arg9[%swap3A_354, %swap3A_355] {strides = array<i32>} : memref<2x80xi32, #tpu.memory_space<vmem>>, vector<16xi32>,
        tpu.vector_store %arg9[%swap3A_354, %swap3A_355], %shift_right_logical3A_352 {strides = array<i32>} : memref<2x80xi32, #tpu.memory_space<vmem>>, vector<16xi32>,
        %and3A_357 = arith.constant 4095 : i32
        %and3A_358 = vector.broadcast %and3A_357 : i32 to vector<16xi32>
        %and3A_359 = arith.andi %get3A_349, %and3A_358 : vector<16xi32>
        %swap3A_360 = arith.constant 0 : i32
        %swap3A_361 = arith.index_cast %swap3A_360 : i32 to index
        %swap3A_362 = arith.constant 64 : index
        %swap3A_363 = tpu.vector_load %arg10[%swap3A_361, %swap3A_362] {strides = array<i32>} : memref<2x80xi32, #tpu.memory_space<vmem>>, vector<16xi32>,
        tpu.vector_store %arg10[%swap3A_361, %swap3A_362], %and3A_359 {strides = array<i32>} : memref<2x80xi32, #tpu.memory_space<vmem>>, vector<16xi32>,
        %dma_start3A_364 = arith.constant 0 : i32
        %dma_start3A_365 = arith.constant 0 : i32
        %dma_start3A_366 = tpu.memref_slice %arg9[%dma_start3A_364, %dma_start3A_365] : memref<2x80xi32, #tpu.memory_space<vmem>> -> memref<1x80xi32, #tpu.memory_space<vmem>>
        %dma_start3A_367 = tpu.memref_squeeze %dma_start3A_366 : memref<1x80xi32, #tpu.memory_space<vmem>> -> memref<80xi32, #tpu.memory_space<vmem>>
        %dma_start3A_368 = arith.constant 0 : i32
        %dma_start3A_369 = arith.constant 0 : i32
        %dma_start3A_370 = tpu.memref_slice %arg2[%dma_start3A_368, %dma_start3A_369] : memref<10000x128xf32, #tpu.memory_space<hbm>> -> memref<10000x128xf32, #tpu.memory_space<hbm>>
        tpu.enqueue_indirect_dma source(%dma_start3A_370 : memref<10000x128xf32, #tpu.memory_space<hbm>>) target(%arg11 : memref<80x128xf32, #tpu.memory_space<vmem>>) offsets(%dma_start3A_367 : memref<80xi32, #tpu.memory_space<vmem>>) semaphore(%arg14 : memref<!tpu.dma_semaphore, #tpu.memory_space<semaphore_mem>>)
      } else {
      }
      %dma_wait3A_254 = arith.constant 1 : i32
      %dma_wait3A_255 = arith.constant 0 : i32
      %dma_wait3A_256 = tpu.memref_slice %arg9[%dma_wait3A_254, %dma_wait3A_255] : memref<2x80xi32, #tpu.memory_space<vmem>> -> memref<1x80xi32, #tpu.memory_space<vmem>>
      %dma_wait3A_257 = tpu.memref_squeeze %dma_wait3A_256 : memref<1x80xi32, #tpu.memory_space<vmem>> -> memref<80xi32, #tpu.memory_space<vmem>>
      %dma_wait3A_258 = arith.constant 0 : i32
      %dma_wait3A_259 = arith.constant 0 : i32
      %dma_wait3A_260 = tpu.memref_slice %arg2[%dma_wait3A_258, %dma_wait3A_259] : memref<10000x128xf32, #tpu.memory_space<hbm>> -> memref<10000x128xf32, #tpu.memory_space<hbm>>
      tpu.wait_indirect_dma semaphore(%arg15 : memref<!tpu.dma_semaphore, #tpu.memory_space<semaphore_mem>>) src(%dma_wait3A_260 : memref<10000x128xf32, #tpu.memory_space<hbm>>) dst(%arg12 : memref<80x128xf32, #tpu.memory_space<vmem>>)
      %run_scoped3A_261 = arith.constant 1 : i32
      "tpu.region"() ({
        %run_scoped3A_262 = tpu.sem_alloc : memref<!tpu.dma_semaphore, #tpu.memory_space<semaphore_mem>>
        %dma_start3A_263 = arith.constant 0 : i32
        %dma_start3A_264 = tpu.memref_slice %arg10[%run_scoped3A_261, %dma_start3A_263] : memref<2x80xi32, #tpu.memory_space<vmem>> -> memref<1x80xi32, #tpu.memory_space<vmem>>
        %dma_start3A_265 = tpu.memref_squeeze %dma_start3A_264 : memref<1x80xi32, #tpu.memory_space<vmem>> -> memref<80xi32, #tpu.memory_space<vmem>>
        %dma_start3A_266 = arith.constant 0 : i32
        %dma_start3A_267 = arith.constant 0 : i32
        %dma_start3A_268 = tpu.memref_slice %arg13[%dma_start3A_266, %dma_start3A_267] : memref<1280x128xf32, #tpu.memory_space<vmem_shared>> -> memref<1280x128xf32, #tpu.memory_space<vmem_shared>>
        tpu.enqueue_indirect_dma source(%arg12 : memref<80x128xf32, #tpu.memory_space<vmem>>) target(%dma_start3A_268 : memref<1280x128xf32, #tpu.memory_space<vmem_shared>>) offsets(%dma_start3A_265 : memref<80xi32, #tpu.memory_space<vmem>>) semaphore(%run_scoped3A_262 : memref<!tpu.dma_semaphore, #tpu.memory_space<semaphore_mem>>) {add = true}
        %dma_wait3A_269 = arith.constant 0 : i32
        %dma_wait3A_270 = tpu.memref_slice %arg10[%run_scoped3A_261, %dma_wait3A_269] : memref<2x80xi32, #tpu.memory_space<vmem>> -> memref<1x80xi32, #tpu.memory_space<vmem>>
        %dma_wait3A_271 = tpu.memref_squeeze %dma_wait3A_270 : memref<1x80xi32, #tpu.memory_space<vmem>> -> memref<80xi32, #tpu.memory_space<vmem>>
        %dma_wait3A_272 = arith.constant 0 : i32
        %dma_wait3A_273 = arith.constant 0 : i32
        %dma_wait3A_274 = tpu.memref_slice %arg13[%dma_wait3A_272, %dma_wait3A_273] : memref<1280x128xf32, #tpu.memory_space<vmem_shared>> -> memref<1280x128xf32, #tpu.memory_space<vmem_shared>>
        tpu.wait_indirect_dma semaphore(%run_scoped3A_262 : memref<!tpu.dma_semaphore, #tpu.memory_space<semaphore_mem>>) src(%arg12 : memref<80x128xf32, #tpu.memory_space<vmem>>) dst(%dma_wait3A_274 : memref<1280x128xf32, #tpu.memory_space<vmem_shared>>)
        tpu.yield
      }) : () -> ()
    }
    %barrier3A_126 = arith.constant 0 : index
    tpu.barrier barrier_id(%barrier3A_126)
    %mul3A_127 = arith.constant 80 : i32
    %mul3A_128 = arith.muli %arg1, %mul3A_127 : i32
    %mul3A_129 = arith.constant 80 : i32
    %mul3A_130 = arith.muli %arg1, %mul3A_129 : i32
    "tpu.region"() ({
      %run_scoped3A = tpu.sem_alloc : memref<!tpu.dma_semaphore, #tpu.memory_space<semaphore_mem>>
      %dma_start3A = arith.constant 0 : i32
      %dma_start3A_131 = tpu.memref_slice %arg5[%arg0, %mul3A_130, %dma_start3A] : memref<2x1280x128xf32, #tpu.memory_space<hbm>> -> memref<1x80x128xf32, #tpu.memory_space<hbm>>
      %dma_start3A_132 = tpu.memref_squeeze %dma_start3A_131 : memref<1x80x128xf32, #tpu.memory_space<hbm>> -> memref<80x128xf32, #tpu.memory_space<hbm>>
      %dma_start3A_133 = arith.constant 0 : i32
      %dma_start3A_134 = tpu.memref_slice %arg13[%mul3A_128, %dma_start3A_133] : memref<1280x128xf32, #tpu.memory_space<vmem_shared>> -> memref<80x128xf32, #tpu.memory_space<vmem_shared>>
      tpu.enqueue_dma source(%dma_start3A_134 : memref<80x128xf32, #tpu.memory_space<vmem_shared>>) target(%dma_start3A_132 : memref<80x128xf32, #tpu.memory_space<hbm>>) target_semaphore(%run_scoped3A : memref<!tpu.dma_semaphore, #tpu.memory_space<semaphore_mem>>)
      %dma_wait3A = arith.constant 0 : i32
      %dma_wait3A_135 = tpu.memref_slice %arg5[%arg0, %mul3A_130, %dma_wait3A] : memref<2x1280x128xf32, #tpu.memory_space<hbm>> -> memref<1x80x128xf32, #tpu.memory_space<hbm>>
      %dma_wait3A_136 = tpu.memref_squeeze %dma_wait3A_135 : memref<1x80x128xf32, #tpu.memory_space<hbm>> -> memref<80x128xf32, #tpu.memory_space<hbm>>
      %dma_wait3A_137 = arith.constant 0 : i32
      %dma_wait3A_138 = tpu.memref_slice %arg13[%mul3A_128, %dma_wait3A_137] : memref<1280x128xf32, #tpu.memory_space<vmem_shared>> -> memref<80x128xf32, #tpu.memory_space<vmem_shared>>
      tpu.wait_dma2 semaphore(%run_scoped3A : memref<!tpu.dma_semaphore, #tpu.memory_space<semaphore_mem>>) src(%dma_wait3A_138 : memref<80x128xf32, #tpu.memory_space<vmem_shared>>) dst(%dma_wait3A_136 : memref<80x128xf32, #tpu.memory_space<hbm>>)
      tpu.yield
    }) : () -> ()
    return
  }
}

module attributes {stable_mosaic.version = 14 : i64} {
  func.func @_mm_body(%arg0: i32, %arg1: memref<1000x128xf32, #tpu.memory_space<vmem>>, %arg2: memref<128x128xf32, #tpu.memory_space<vmem>>, %arg3: memref<1000x128xf32, #tpu.memory_space<vmem>>) attributes {dimension_semantics = [#tpu.dimension_semantics<arbitrary>], iteration_bounds = array<i64: 10>, scalar_prefetch = 0 : i64, scratch_operands = 0 : i64, tpu.core_type = #tpu.core_type<tc>, window_params = [{transform_indices = @transform_0, window_bounds = array<i64: 1000, 128>}, {pipeline_mode = #tpu.pipeline_mode<synchronous>, transform_indices = @transform_1, window_bounds = array<i64: 128, 128>}, {transform_indices = @transform_2, window_bounds = array<i64: 1000, 128>}]} {
    %get3A = arith.constant 0 : index
    %get3A_0 = arith.constant 0 : index
    %get3A_1 = vector.load %arg1[%get3A, %get3A_0] : memref<1000x128xf32, #tpu.memory_space<vmem>>, vector<1000x128xf32>
    %get3A_2 = arith.constant 0 : index
    %get3A_3 = arith.constant 0 : index
    %get3A_4 = vector.load %arg2[%get3A_2, %get3A_3] : memref<128x128xf32, #tpu.memory_space<vmem>>, vector<128x128xf32>
    %dot_general3A = arith.constant dense<0.000000e+00> : vector<1000x128xf32>
    %dot_general3A_5 = tpu.matmul %get3A_1, %get3A_4, %dot_general3A {dimension_numbers = #tpu.dot_dimension_numbers<[1], [0], [0], [1], [0, 0, 1, 1], [], []>, precision = #tpu.contract_precision<fp32>, transpose_lhs_hint = false} : vector<1000x128xf32>, vector<128x128xf32>, vector<1000x128xf32> -> vector<1000x128xf32>
    %swap3A = arith.constant 0 : index
    %swap3A_6 = arith.constant 0 : index
    %swap3A_7 = vector.load %arg3[%swap3A, %swap3A_6] : memref<1000x128xf32, #tpu.memory_space<vmem>>, vector<1000x128xf32>
    tpu.vector_store %arg3[%swap3A, %swap3A_6], %dot_general3A_5 {strides = array<i32>} : memref<1000x128xf32, #tpu.memory_space<vmem>>, vector<1000x128xf32>,
    return
  }
  func.func @transform_0(%arg0: i32) -> (i32, i32) {
    %c0_i32 = arith.constant 0 : i32
    %c0_i32_0 = arith.constant 0 : i32
    return %arg0, %c0_i32 : i32, i32
  }
  func.func @transform_1(%arg0: i32) -> (i32, i32) {
    %c0_i32 = arith.constant 0 : i32
    %c0_i32_0 = arith.constant 0 : i32
    %c0_i32_1 = arith.constant 0 : i32
    return %c0_i32, %c0_i32_0 : i32, i32
  }
  func.func @transform_2(%arg0: i32) -> (i32, i32) {
    %c0_i32 = arith.constant 0 : i32
    %c0_i32_0 = arith.constant 0 : i32
    return %arg0, %c0_i32 : i32, i32
  }
}

module attributes {stable_mosaic.version = 14 : i64} {
  func.func @_scale_body(%arg0: i32, %arg1: memref<1000x16xf32, #tpu.memory_space<vmem>>, %arg2: memref<1000x128xf32, #tpu.memory_space<vmem>>, %arg3: memref<1000x1xf32, #tpu.memory_space<vmem>>, %arg4: memref<1000x128xf32, #tpu.memory_space<vmem>>) attributes {dimension_semantics = [#tpu.dimension_semantics<arbitrary>], iteration_bounds = array<i64: 10>, scalar_prefetch = 0 : i64, scratch_operands = 0 : i64, tpu.core_type = #tpu.core_type<tc>, window_params = [{transform_indices = @transform_0, window_bounds = array<i64: 1000, 16>}, {transform_indices = @transform_1, window_bounds = array<i64: 1000, 128>}, {transform_indices = @transform_2, window_bounds = array<i64: 1000, 1>}, {transform_indices = @transform_3, window_bounds = array<i64: 1000, 128>}]} {
    %get3A = arith.constant 0 : index
    %get3A_0 = arith.constant 0 : index
    %get3A_1 = vector.load %arg1[%get3A, %get3A_0] : memref<1000x16xf32, #tpu.memory_space<vmem>>, vector<1000x1xf32>
    %add3A = arith.constant 1.000000e+00 : f32
    %add3A_2 = vector.broadcast %add3A : f32 to vector<1000x1xf32>
    %add3A_3 = arith.addf %get3A_1, %add3A_2 : vector<1000x1xf32>
    %rsqrt3A = math.rsqrt %add3A_3 : vector<1000x1xf32>
    %swap3A = arith.constant 0 : index
    %swap3A_4 = arith.constant 0 : index
    %swap3A_5 = vector.load %arg3[%swap3A, %swap3A_4] : memref<1000x1xf32, #tpu.memory_space<vmem>>, vector<1000x1xf32>
    tpu.vector_store %arg3[%swap3A, %swap3A_4], %rsqrt3A {strides = array<i32>} : memref<1000x1xf32, #tpu.memory_space<vmem>>, vector<1000x1xf32>,
    %get3A_6 = arith.constant 0 : index
    %get3A_7 = arith.constant 0 : index
    %get3A_8 = vector.load %arg2[%get3A_6, %get3A_7] : memref<1000x128xf32, #tpu.memory_space<vmem>>, vector<1000x128xf32>
    %mul3A = vector.broadcast %rsqrt3A : vector<1000x1xf32> to vector<1000x128xf32>
    %mul3A_9 = arith.mulf %get3A_8, %mul3A : vector<1000x128xf32>
    %swap3A_10 = arith.constant 0 : index
    %swap3A_11 = arith.constant 0 : index
    %swap3A_12 = vector.load %arg4[%swap3A_10, %swap3A_11] : memref<1000x128xf32, #tpu.memory_space<vmem>>, vector<1000x128xf32>
    tpu.vector_store %arg4[%swap3A_10, %swap3A_11], %mul3A_9 {strides = array<i32>} : memref<1000x128xf32, #tpu.memory_space<vmem>>, vector<1000x128xf32>,
    return
  }
  func.func @transform_0(%arg0: i32) -> (i32, i32) {
    %c0_i32 = arith.constant 0 : i32
    %c0_i32_0 = arith.constant 0 : i32
    return %arg0, %c0_i32 : i32, i32
  }
  func.func @transform_1(%arg0: i32) -> (i32, i32) {
    %c0_i32 = arith.constant 0 : i32
    %c0_i32_0 = arith.constant 0 : i32
    return %arg0, %c0_i32 : i32, i32
  }
  func.func @transform_2(%arg0: i32) -> (i32, i32) {
    %c0_i32 = arith.constant 0 : i32
    %c0_i32_0 = arith.constant 0 : i32
    return %arg0, %c0_i32 : i32, i32
  }
  func.func @transform_3(%arg0: i32) -> (i32, i32) {
    %c0_i32 = arith.constant 0 : i32
    %c0_i32_0 = arith.constant 0 : i32
    return %arg0, %c0_i32 : i32, i32
  }
}

module attributes {stable_mosaic.version = 14 : i64} {
  func.func @_stage_body(%arg0: i32, %arg1: memref<1000x1xf32, #tpu.memory_space<vmem>>, %arg2: memref<1000x128xf32, #tpu.memory_space<vmem>>, %arg3: memref<1000x128xf32, #tpu.memory_space<vmem>>, %arg4: memref<1x128xf32, #tpu.memory_space<vmem>>, %arg5: memref<1x128xf32, #tpu.memory_space<vmem>>, %arg6: memref<128x128xf32, #tpu.memory_space<vmem>>, %arg7: memref<1000x128xf32, #tpu.memory_space<vmem>>, %arg8: memref<1000x128xf32, #tpu.memory_space<vmem>>) attributes {dimension_semantics = [#tpu.dimension_semantics<arbitrary>], iteration_bounds = array<i64: 10>, scalar_prefetch = 0 : i64, scratch_operands = 0 : i64, tpu.core_type = #tpu.core_type<tc>, window_params = [{transform_indices = @transform_0, window_bounds = array<i64: 1000, 1>}, {transform_indices = @transform_1, window_bounds = array<i64: 1000, 128>}, {transform_indices = @transform_2, window_bounds = array<i64: 1000, 128>}, {pipeline_mode = #tpu.pipeline_mode<synchronous>, transform_indices = @transform_3, window_bounds = array<i64: 1, 128>}, {pipeline_mode = #tpu.pipeline_mode<synchronous>, transform_indices = @transform_4, window_bounds = array<i64: 1, 128>}, {pipeline_mode = #tpu.pipeline_mode<synchronous>, transform_indices = @transform_5, window_bounds = array<i64: 128, 128>}, {transform_indices = @transform_6, window_bounds = array<i64: 1000, 128>}, {transform_indices = @transform_7, window_bounds = array<i64: 1000, 128>}]} {
    %get3A = arith.constant 0 : index
    %get3A_0 = arith.constant 0 : index
    %get3A_1 = vector.load %arg1[%get3A, %get3A_0] : memref<1000x1xf32, #tpu.memory_space<vmem>>, vector<1000x1xf32>
    %get3A_2 = arith.constant 0 : index
    %get3A_3 = arith.constant 0 : index
    %get3A_4 = vector.load %arg2[%get3A_2, %get3A_3] : memref<1000x128xf32, #tpu.memory_space<vmem>>, vector<1000x128xf32>
    %get3A_5 = arith.constant 0 : index
    %get3A_6 = arith.constant 0 : index
    %get3A_7 = vector.load %arg3[%get3A_5, %get3A_6] : memref<1000x128xf32, #tpu.memory_space<vmem>>, vector<1000x128xf32>
    %add3A = arith.addf %get3A_4, %get3A_7 : vector<1000x128xf32>
    %mul3A = vector.broadcast %get3A_1 : vector<1000x1xf32> to vector<1000x128xf32>
    %mul3A_8 = arith.mulf %add3A, %mul3A : vector<1000x128xf32>
    %get3A_9 = arith.constant 0 : index
    %get3A_10 = arith.constant 0 : index
    %get3A_11 = vector.load %arg4[%get3A_9, %get3A_10] : memref<1x128xf32, #tpu.memory_space<vmem>>, vector<1x128xf32>
    %add3A_12 = vector.broadcast %get3A_11 : vector<1x128xf32> to vector<1000x128xf32>
    %add3A_13 = arith.addf %mul3A_8, %add3A_12 : vector<1000x128xf32>
    %max3A = arith.constant 0.000000e+00 : f32
    %max3A_14 = vector.broadcast %max3A : f32 to vector<1000x128xf32>
    %max3A_15 = arith.maximumf %add3A_13, %max3A_14 : vector<1000x128xf32>
    %get3A_16 = arith.constant 0 : index
    %get3A_17 = arith.constant 0 : index
    %get3A_18 = vector.load %arg6[%get3A_16, %get3A_17] : memref<128x128xf32, #tpu.memory_space<vmem>>, vector<128x128xf32>
    %dot_general3A = arith.constant dense<0.000000e+00> : vector<1000x128xf32>
    %dot_general3A_19 = tpu.matmul %max3A_15, %get3A_18, %dot_general3A {dimension_numbers = #tpu.dot_dimension_numbers<[1], [0], [0], [1], [0, 0, 1, 1], [], []>, precision = #tpu.contract_precision<fp32>, transpose_lhs_hint = false} : vector<1000x128xf32>, vector<128x128xf32>, vector<1000x128xf32> -> vector<1000x128xf32>
    %mul3A_20 = vector.broadcast %get3A_1 : vector<1000x1xf32> to vector<1000x128xf32>
    %mul3A_21 = arith.mulf %dot_general3A_19, %mul3A_20 : vector<1000x128xf32>
    %swap3A = arith.constant 0 : index
    %swap3A_22 = arith.constant 0 : index
    %swap3A_23 = vector.load %arg7[%swap3A, %swap3A_22] : memref<1000x128xf32, #tpu.memory_space<vmem>>, vector<1000x128xf32>
    tpu.vector_store %arg7[%swap3A, %swap3A_22], %mul3A_21 {strides = array<i32>} : memref<1000x128xf32, #tpu.memory_space<vmem>>, vector<1000x128xf32>,
    %get3A_24 = arith.constant 0 : index
    %get3A_25 = arith.constant 0 : index
    %get3A_26 = vector.load %arg5[%get3A_24, %get3A_25] : memref<1x128xf32, #tpu.memory_space<vmem>>, vector<1x128xf32>
    %add3A_27 = vector.broadcast %get3A_26 : vector<1x128xf32> to vector<1000x128xf32>
    %add3A_28 = arith.addf %mul3A_8, %add3A_27 : vector<1000x128xf32>
    %swap3A_29 = arith.constant 0 : index
    %swap3A_30 = arith.constant 0 : index
    %swap3A_31 = vector.load %arg8[%swap3A_29, %swap3A_30] : memref<1000x128xf32, #tpu.memory_space<vmem>>, vector<1000x128xf32>
    tpu.vector_store %arg8[%swap3A_29, %swap3A_30], %add3A_28 {strides = array<i32>} : memref<1000x128xf32, #tpu.memory_space<vmem>>, vector<1000x128xf32>,
    return
  }
  func.func @transform_0(%arg0: i32) -> (i32, i32) {
    %c0_i32 = arith.constant 0 : i32
    %c0_i32_0 = arith.constant 0 : i32
    return %arg0, %c0_i32 : i32, i32
  }
  func.func @transform_1(%arg0: i32) -> (i32, i32) {
    %c0_i32 = arith.constant 0 : i32
    %c0_i32_0 = arith.constant 0 : i32
    return %arg0, %c0_i32 : i32, i32
  }
  func.func @transform_2(%arg0: i32) -> (i32, i32) {
    %c0_i32 = arith.constant 0 : i32
    %c0_i32_0 = arith.constant 0 : i32
    return %arg0, %c0_i32 : i32, i32
  }
  func.func @transform_3(%arg0: i32) -> (i32, i32) {
    %c0_i32 = arith.constant 0 : i32
    %c0_i32_0 = arith.constant 0 : i32
    %c0_i32_1 = arith.constant 0 : i32
    return %c0_i32, %c0_i32_0 : i32, i32
  }
  func.func @transform_4(%arg0: i32) -> (i32, i32) {
    %c0_i32 = arith.constant 0 : i32
    %c0_i32_0 = arith.constant 0 : i32
    %c0_i32_1 = arith.constant 0 : i32
    return %c0_i32, %c0_i32_0 : i32, i32
  }
  func.func @transform_5(%arg0: i32) -> (i32, i32) {
    %c0_i32 = arith.constant 0 : i32
    %c0_i32_0 = arith.constant 0 : i32
    %c0_i32_1 = arith.constant 0 : i32
    return %c0_i32, %c0_i32_0 : i32, i32
  }
  func.func @transform_6(%arg0: i32) -> (i32, i32) {
    %c0_i32 = arith.constant 0 : i32
    %c0_i32_0 = arith.constant 0 : i32
    return %arg0, %c0_i32 : i32, i32
  }
  func.func @transform_7(%arg0: i32) -> (i32, i32) {
    %c0_i32 = arith.constant 0 : i32
    %c0_i32_0 = arith.constant 0 : i32
    return %arg0, %c0_i32 : i32, i32
  }
}

</mosaic_0001>

<sc_bundles>
// kernel: body.5.cloned.1.call-start
scs
__scs_entry_jumppad:
0x0: {  	(pc) =	sbr.rel $0x88, $3  }
0x1: {  	(tag) =	ssettag $0x0;
	lr =	simm.s32 $0x1  }
0x2: {  	[smem:$0x3F9B] =	sst lr;
	_ =	strace $0xD0000000  }
0x3: {  	_ = 	snop  }
0x4: {  	_ = 	snop  }
0x5: {  	_ = 	snop  }
0x6: {  	_ = 	snop  }
0x7: {  	_ = 	snop  }
__scs_overlays_trampoline_lowered:
0x8: {  	[smem:$0x3FAA] =	sst s0  }
0x9: {  	[smem:$0x3FAB] =	sst s1  }
0xa: {  	[smem:$0x3FAC] =	sst s2  }
0xb: {  	[smem:$0x3FAD] =	sst s3  }
0xc: {  	[smem:$0x3FAE] =	sst s4  }
0xd: {  	[smem:$0x3FAF] =	sst s5  }
0xe: {  	[smem:$0x3FB0] =	sst s6  }
0xf: {  	[smem:$0x3FB1] =	sst s7  }
0x10: {  	[smem:$0x3FB2] =	sst s8  }
0x11: {  	[smem:$0x3FB3] =	sst s9;
	s0 =	simm.s32 @!p0 $0x0  }
0x12: {  	s1 =	sld [smem:$0x3F99];
	s0 =	simm.s32 @p0 $0x1  }
0x13: {  	[smem:$0x3FB4] =	sst s0;
	s0 =	simm.s32 @!p1 $0x0  }
0x14: {  	s2 =	sld [smem:$0x3F98];
	s0 =	simm.s32 @p1 $0x1  }
0x15: {  	[smem:$0x3FB5] =	sst s0;
	s0 =	simm.s32 @!p2 $0x0  }
0x16: {  	s3 =	sld [smem:$0x3FDB];
	s0 =	simm.s32 @p2 $0x1  }
0x17: {  	s4 =	simm.s32 $0x1BF5;
	[smem:$0x3FB7] =	sst s0  }
0x18: {  	s0 =	sld [smem:$0x3F9A];
	_ =	swait.ge [sflag:s4], $0x0  }
0x19: {  	s7 =	sld [smem:$0x3F9B]  }
0x1a: {  	s8 =	sadd.s32 $0xFFFFE003, lr  }
0x1b: {  	s9 =	sadd.s32 $0xFFFFFEF7, lr;
	s5 =	simm.s32 $0xFFFFFFFF;
	p2 =	slt.u32 s8, $0xFFFFF086  }
0x1c: {  	p1 =	slt.u32 s9, $0xF7A;
	s5 =	simm.s32 @!p2 $0x0  }
0x1d: {  	s5 =	simm.s32 @p1 $0x1;
	p0 =	seq.s32 s7, s2  }
0x1e: {  	s7 =	smul.u32 @!p0 $0xF7A, s2;
	p2 =	seq.s32 @!p0 s5, $0x0  }
0x1f: {  	s9 =	smul.u32 $0xF7A, s1;
	s8 =	simm.s32 @!p0 $0x1BF5;
	p2 =	por !p2, p0  }
0x20: {  	[sflag:s8] =	ssyncset.s32 @!p0 $0xFFFFF086;
	s6 =	sadd.s32 @!p0 s3, s7;
	s7 =	simm.s32 @!p0 $0x108  }
0x21: {  	s3 =	sadd.s32 s3, s9;
	s6 =	sadd.s32 @!p0 $0x88, s6;
	s7 =	simm.s32 @p2 $0x1082  }
0x22: {  	[simem:s7], [sflag:s8] =	dma.local @!p0 [hbm:s6], $0xF7A  }
0x23: {  	s9 =	sor.u32 $0xD0000000, s2;
	s6 =	simm.s32 $0x108;
	_ =	swait.ge @!p0 [sflag:s8], $0x0  }
0x24: {  	s3 =	sadd.s32 $0x88, s3;
	s6 =	simm.s32 @!p1 $0x1082;
	[sflag:s4] =	ssyncset.s32 $0xFFFFF086  }
0x25: {  	[simem:s6], [sflag:s4] =	dma.local [hbm:s3], $0xF7A  }
0x26: {  	[smem:$0x3F9B] =	sst s1;
	(tag) =	ssettag s2;
	_ =	strace s9  }
0x27: {  	s1 =	sld [smem:$0x3FAB]  }
0x28: {  	s2 =	sld [smem:$0x3FAC]  }
0x29: {  	s4 =	sld [smem:$0x3FAE]  }
0x2a: {  	p0 =	seq.s32 s5, $0x0;
	s5 =	sld [smem:$0x3FAF]  }
0x2b: {  	s6 =	sld [smem:$0x3FB0]  }
0x2c: {  	s7 =	sld [smem:$0x3FB1]  }
0x2d: {  	s3 =	simm.s32 $0x108;
	s8 =	sld [smem:$0x3FB2]  }
0x2e: {  	s3 =	simm.s32 @!p0 $0x1082;
	s9 =	sld [smem:$0x3FB3]  }
0x2f: {  	lr =	sadd.s32 s0, s3;
	s0 =	sld [smem:$0x3FAA]  }
0x30: {  	s3 =	sld [smem:$0x3FAD]  }
0x31: {  	[smem:$0x3FB6] =	sst s10  }
0x32: {  	s10 =	sld [smem:$0x3FB4];
	_ =	sdelay $0x3  }
0x33: {  	p0 =	seq.s32 s10, $0x1;
	s10 =	sld [smem:$0x3FB6];
	_ =	sdelay $0x3  }
0x34: {  	[smem:$0x3FB6] =	sst s10  }
0x35: {  	s10 =	sld [smem:$0x3FB5];
	_ =	sdelay $0x3  }
0x36: {  	p1 =	seq.s32 s10, $0x1;
	s10 =	sld [smem:$0x3FB6];
	_ =	sdelay $0x3  }
0x37: {  	[smem:$0x3FB6] =	sst s10  }
0x38: {  	s10 =	sld [smem:$0x3FB7]  }
0x39: {  	_ = 	snop;
	(pc) =	sbr.ind lr, $3  }
0x3a: {  	_ = 	snop  }
0x3b: {  	_ = 	snop  }
0x3c: {  	p2 =	seq.s32 s10, $0x1;
	s10 =	sld [smem:$0x3FB6]  }
0x3d: {  	_ =	shalt  }
0x3e: {  	_ =	shalt  }
0x3f: {  	_ =	shalt  }
0x40: {  	_ =	shalt  }
0x41: {  	_ =	shalt  }
0x42: {  	_ =	shalt  }
0x43: {  	_ =	shalt  }
0x44: {  	_ =	shalt  }
0x45: {  	_ =	shalt  }
0x46: {  	_ =	shalt  }
0x47: {  	_ =	shalt  }
0x48: {  	_ =	shalt  }
0x49: {  	_ =	shalt  }
0x4a: {  	_ =	shalt  }
0x4b: {  	_ =	shalt  }
0x4c: {  	_ =	shalt  }
0x4d: {  	_ =	shalt  }
0x4e: {  	_ =	shalt  }
0x4f: {  	_ =	shalt  }
0x50: {  	_ =	shalt  }
0x51: {  	_ =	shalt  }
0x52: {  	_ =	shalt  }
0x53: {  	_ =	shalt  }
0x54: {  	_ =	shalt  }
0x55: {  	_ =	shalt  }
0x56: {  	_ =	shalt  }
0x57: {  	_ =	shalt  }
0x58: {  	_ =	shalt  }
0x59: {  	_ =	shalt  }
0x5a: {  	_ =	shalt  }
0x5b: {  	_ =	shalt  }
0x5c: {  	_ =	shalt  }
0x5d: {  	_ =	shalt  }
0x5e: {  	_ =	shalt  }
0x5f: {  	_ =	shalt  }
0x60: {  	_ =	shalt  }
0x61: {  	_ =	shalt  }
0x62: {  	_ =	shalt  }
0x63: {  	_ =	shalt  }
0x64: {  	_ =	shalt  }
0x65: {  	_ =	shalt  }
0x66: {  	_ =	shalt  }
0x67: {  	_ =	shalt  }
0x68: {  	_ =	shalt  }
0x69: {  	_ =	shalt  }
0x6a: {  	_ =	shalt  }
0x6b: {  	_ =	shalt  }
0x6c: {  	_ =	shalt  }
0x6d: {  	_ =	shalt  }
0x6e: {  	_ =	shalt  }
0x6f: {  	_ =	shalt  }
0x70: {  	_ =	shalt  }
0x71: {  	_ =	shalt  }
0x72: {  	_ =	shalt  }
0x73: {  	_ =	shalt  }
0x74: {  	_ =	shalt  }
0x75: {  	_ =	shalt  }
0x76: {  	_ =	shalt  }
0x77: {  	_ =	shalt  }
0x78: {  	_ =	shalt  }
0x79: {  	_ =	shalt  }
0x7a: {  	_ =	shalt  }
0x7b: {  	_ =	shalt  }
0x7c: {  	_ =	shalt  }
0x7d: {  	_ =	shalt  }
0x7e: {  	_ =	shalt  }
0x7f: {  	_ =	shalt  }
0x80: {  	_ =	shalt  }
0x81: {  	_ =	shalt  }
0x82: {  	_ =	shalt  }
0x83: {  	_ =	shalt  }
0x84: {  	_ =	shalt  }
0x85: {  	_ =	shalt  }
0x86: {  	_ =	shalt  }
0x87: {  	_ =	shalt  }
.Lfunc_end0:
.L_simem_size_0:
called_computation_lowered:
.L_overlay_start_0:
0x88: {  	s2 =	sld [smem:$0x3FD9]  }
0x89: {  	s3 =	sld [smem:$0x3FFE];
	_ =	sdelay $0x1  }
0x8a: {  	s1 =	srdreg.scid  }
0x8b: {  	s0 =	sand.u32 $0x1, s1  }
0x8c: {  	s16 =	sshll.u32 s0, $0xA;
	s2 =	sadd.s32 s3, s2  }
0x8d: {  	s2 =	sadd.s32 s2, s16  }
0x8e: {  	[smem:$0x3FC2] =	sst s2  }
0x8f: {  	_ = 	snop  }
0x90: {  	(tm) =	ssettm $0x1  }
0x91: {  	s17 =	sld [smem:$0x3FFB];
	_ =	sdelay $0x3  }
0x92: {  	_ =	strace s17  }
0x93: {  	s2 =	sld [smem:$0x3FFC];
	_ =	sdelay $0x3  }
0x94: {  	_ =	strace s2  }
0x95: {  	s2 =	sld [smem:$0x3FFD];
	_ =	sdelay $0x3  }
0x96: {  	_ =	strace s2  }
0x97: {  	_ =	strace $0x8FFFFFFF  }
0x98: {  	s18 =	sld [smem:$0x3FDB];
	_ =	sdelay $0x1  }
0x99: {  	s19 =	simm.s32 $_scs_section_size  }
0x9a: {  	s4 =	simm.s32 $_size__tile_overlayer_lowered;
	s5 =	simm.s32 $_tile_overlayer_lowered  }
0x9b: {  	s22 =	simm.s32 $0x1BFF;
	s21 =	sshll.u32 s5, $0x1;
	s2 =	sadd.s32 s19, s18  }
0x9c: {  	s6 =	simm.s32 $0x0;
	s20 =	sshll.u32 s4, $0x1;
	s4 =	sadd.s32 s21, s2  }
0x9d: {  	[timem:s6], [sflag:s22] =	dma.local [hbm:s4], s20  }
0x9e: {  	_ =	swait.ge [sflag:s22], s20  }
0x9f: {  	s3 =	ssub.s32 $0x0, s20;
	[sflag:s22] =	ssyncset.done $0x0  }
0xa0: {  	[sflag:s22] =	ssyncadd.s32 s3;
	_ =	sdelay $0x1  }
0xa1: {  	s23 =	simm.s32 $0x1B8B  }
0xa2: {  	_ =	swait.ge [sflag:s23], $0x1  }
0xa3: {  	[sflag:s23] =	ssyncset.done $0x0  }
0xa4: {  	s25 =	simm.s32 $0x1B8E;
	s24 =	sld [smem:$0x3FFE];
	[sflag:s23] =	ssyncadd.s32 $0xFFFFFFFF  }
0xa5: {  	s26 =	simm.s32 $execute0_lowered;
	[smem:$0x3FD2] =	sst s25  }
0xa6: {  	s4 =	sshll.u32 s26, $0x1;
	_ =	strace $0x80000049;
	[dreg:$0x1] =	wrdreg $0xFFFFFFFF  }
0xa7: {  	s28 =	simm.s32 $_size_execute0_lowered;
	s2 =	sadd.s32 s2, s4;
	[dreg:$0x0] =	wrdreg $0x0  }
0xa8: {  	s4 =	sshll.u32 s28, $0x1;
	[dreg:$0x2] =	wrdreg s2  }
0xa9: {  	[dreg:$0x3] =	wrdreg s4  }
0xaa: {  	[dreg:$0x4] =	wrdreg $0xC0  }
0xab: {  	_ =	task [dreg:s6], $0x5FFFF  }
0xac: {  	[dreg:$0x1] =	wrdreg $0xFFFFFFFF  }
0xad: {  	[dreg:$0x0] =	wrdreg $0x60  }
0xae: {  	[dreg:$0x2] =	wrdreg s24  }
0xaf: {  	[dreg:$0x3] =	wrdreg $0xB1000  }
0xb0: {  	[dreg:$0x4] =	wrdreg $0x9  }
0xb1: {  	_ =	task.clear_ibuf [dreg:s6], $0x5FFFF;
	_ =	strace $0x90000049  }
0xb2: {  	s29 =	simm.s32 $0x9;
	_ =	strace $0x8000004B  }
0xb3: {  	_ =	swait.ge [sflag:s29], $0x1  }
0xb4: {  	[sflag:s29] =	ssyncadd.s32 $0xFFFFFFFF  }
0xb5: {  	_ =	strace $0x9000004B  }
0xb6: {  	_ =	sfence  }
0xb7: {  	s30 =	sld [smem:$0x0];
	_ =	sdelay $0x2  }
0xb8: {  	s31 =	sshll.u32 s1, $0xD;
	s1 =	sshrl.u32 s1, $0x2  }
0xb9: {  	s3 =	sand.u32 $0x4000, s31;
	s1 =	sadd.s32 s1, s30  }
0xba: {  	s0 =	sor.u32 s3, s0;
	s1 =	sshll.u32 s1, $0x11  }
0xbb: {  	s0 =	sor.u32 s1, s0  }
0xbc: {  	s0 =	sadd.s32 $0x8F2B, s0  }
0xbd: {  	[sflag:s0] =	ssyncadd.remote.s32 $0x1  }
0xbe: {  	_ =	sfence.sel $0xFFFF  }
0xbf: {  	[dreg:$0x0] =	wrdreg $0xFFFFFFFF;
	(pc) =	sbr.abs _section_cstart, $3  }
0xc0: {  	[dreg:$0x1] =	wrdreg $0xFFFFFFFF  }
0xc1: {  	_ =	task.clear_ibuf [dreg:s6], $0x2FFFF;
	_ =	strace $0x9FFFFFFF  }
0xc2: {  	(tm) =	ssettm $0x7FFFFFFF  }
0xc3: {  	_ =	shalt  }
tec
execute0_lowered:
.L_overlay_start_1:
0x0: {  	(tag) =	ssettag $0x1  }
0x1: {  	s0 =	rddreg [dreg:$0x0]  }
0x2: {  	s1 =	rddreg [dreg:$0x1];
	s2 =	srdreg.scid;
	s3 =	simm.s32 $0x0  }
0x3: {  	s11 =	stileid.u32;
	s12 =	simm.s32 $0x3;
	s13 =	simm.s32 $0x80  }
0x4: {  	s14 =	simm.s32 $0x400;
	s15 =	simm.s32 $0x800;
	s16 =	simm.s32 $0x1000  }
0x5: {  	s17 =	simm.s32 $0x1;
	s18 =	simm.s32 $0x50;
	s20 =	simm.s32 $0x5F80  }
0x6: {  	s21 =	simm.s32 $0x8900;
	s22 =	simm.s32 $0x6000;
	s7 =	smul.u32 $0x2800, s11  }
0x7: {  	s23 =	simm.s32 $0x2;
	s2 =	sand.u32 $0x1, s2;
	s9 =	smul.u32 $0xA000, s11  }
0x8: {  	s24 =	simm.s32 $0x6080;
	[smem:$0x7FF] =	sst s3;
	s6 =	smul.u32 $0x28000, s2  }
0x9: {  	s4 =	sadd.s32 $0x1A00, s0;
	s8 =	ssub.s32 $0x2, s2;
	s2 =	smul.u32 $0xFFFFEC78, s2  }
.Ltmp0:
0xa: {  	s5 =	sadd.s32 $0x78200, s0;
	_ =	strace $0x8000004A;
	(pc) =	sbr.rel .LBB2_1-.Ltmp0, $4  }
0xb: {  	s30 =	sshrl.u32 s8, $0x1;
	s31 =	sshrl.u32 s9, $0x2;
	s6 =	sadd.s32 s7, s6  }
0xc: {  	s10 =	ssub.s32 s8, s30;
	s8 =	sshll.u32 s11, $0xC;
	s7 =	sshrl.u32 s6, $0x3  }
0xd: {  	v1 =	vimm.f32 $0.0e+00;
	v2 =	vimm.s32 $0x0;
	s11 =	simm.s32 $0x6100;
	s6 =	sadd.s32 $0x88200, s0;
	s0 =	sadd.s32 s7, s0  }
0xe: {  	v3 =	vlaneseq.u32;
	v4 =	vimm.s32 $0x4E2;
	v0 =	vmov s2;
	s10 =	smax.u32 s10, $0x1;
	s7 =	sadd.s32 s31, s1;
	s9 =	sadd.s32 $0x98200, s0  }
.LBB2_14:
0xf: {  	v6 =	vshrl.u32 @!p1 v5, $0xC  }
0x10: {  	v5 =	vand.u32 @!p1 $0xFFF, v5;
	[tilespmem:$0x5F40] =	vst @!p1 v6  }
0x11: {  	[tilespmem:$0x6040] =	vst @!p1 v5  }
0x12: {  	[tilespmem:s2], [sflag:$0x1] =	stream.indirect.gather @!p1 [hbm4b:s4+s0], $0x80, s19, s0, $0xb8;
	[tilespmem:$0xD900] =	vst v63  }
0x13: {  	_ =	swait.ge [sflag:s23], $0x2800  }
0x14: {  	[sflag:s23] =	ssyncset.done $0x0  }
0x15: {  	[sflag:s23] =	ssyncadd.s32 $0xFFFFD800  }
0x16: {  	[spmem:s1] =	stream.indirect.scatter.add.f32 [tilespmem:s21], [sflag:$0x3], $0x80, s24, s18, $0xb8;
	[tilespmem:$0xD900] =	vst v63  }
0x17: {  	_ =	swait.ge [sflag:s12], $0x2800  }
0x18: {  	[sflag:s12] =	ssyncset.done $0x0  }
0x19: {  	[sflag:s12] =	ssyncadd.s32 $0xFFFFD800  }
.LBB2_15:
0x1a: {  	s0 =	stileid.u32;
	s3 =	sadd.s32 $0x1, s3  }
0x1b: {  	[bflag:$0x0] =	sbarrier.arrive $0xFFFF;
	s0 =	sshll.u32 s0, $0x6;
	p0 =	sne.s32 s3, s10  }
.Ltmp1:
0x1c: {  	s2 =	sshrl.u32 s7, $0x3;
	s0 =	sor.u32 $0x1C03, s0;
	(pc) =	sbr.rel @!p0 .LBB2_16-.Ltmp1, $4  }
0x1d: {  	[hbm:s9], [sflag:s0] =	dma.local [spmem:s2], $0x500  }
0x1e: {  	_ =	swait.ge [sflag:s12], $0x500  }
0x1f: {  	[sflag:s12] =	ssyncset.done $0x0  }
0x20: {  	[sflag:s12] =	ssyncadd.s32 $0xFFFFFB00  }
.LBB2_1:
0x21: {  	s0 =	simm.s32 $0x0;
	s2 =	simm.s32 $0x200  }
.LBB2_2:
0x22: {  	p0 =	sne.s32 s2, $0x9E00;
	[tilespmem:s0+$0x6170] =	vst v1  }
0x23: {  	[tilespmem:s0+$0x6100] =	vst v1  }
0x24: {  	[tilespmem:s0+$0x6110] =	vst v1  }
.Ltmp2:
0x25: {  	[tilespmem:s0+$0x6120] =	vst v1;
	(pc) =	sbr.rel @p0 .LBB2_2-.Ltmp2, $4  }
0x26: {  	[tilespmem:s0+$0x6130] =	vst v1  }
0x27: {  	[tilespmem:s0+$0x6140] =	vst v1  }
0x28: {  	[tilespmem:s0+$0x6150] =	vst v1  }
0x29: {  	[tilespmem:s0+$0x6160] =	vst v1;
	s0 =	sshra.s32 s2, $0x2;
	s2 =	sadd.s32 $0x200, s2  }
0x2a: {  	[tilespmem:s0+$0x6170] =	vst v1  }
0x2b: {  	[tilespmem:s0+$0x6100] =	vst v1  }
0x2c: {  	[tilespmem:s0+$0x6110] =	vst v1  }
0x2d: {  	[tilespmem:s0+$0x6120] =	vst v1  }
0x2e: {  	[tilespmem:s0+$0x6130] =	vst v1  }
0x2f: {  	[tilespmem:s0+$0x6140] =	vst v1  }
0x30: {  	[tilespmem:s0+$0x6150] =	vst v1  }
0x31: {  	[tilespmem:s0+$0x6160] =	vst v1  }
0x32: {  	[spmem:s7] =	stream.linear.scatter [tilespmem:s11], [sflag:$0x3], $0x2800, $0x38;
	[tilespmem:$0xD900] =	vst v63  }
0x33: {  	_ =	swait.ge [sflag:s12], $0x2800  }
0x34: {  	s26 =	simm.s32 $0x0;
	[sflag:s12] =	ssyncset.done $0x0  }
0x35: {  	s25 =	simm.s32 $0x0;
	s28 =	simm.s32 $0x0;
	[sflag:s12] =	ssyncadd.s32 $0xFFFFD800  }
.LBB2_4:
0x36: {  	s0 =	sshll.u32 s28, $0x8  }
0x37: {  	s2 =	sshll.u32 s28, $0x4;
	s0 =	sand.u32 $0x800, s0  }
0x38: {  	s2 =	sand.u32 $0x70, s2;
	s0 =	sor.u32 s8, s0  }
0x39: {  	s0 =	sor.u32 s2, s0  }
0x3a: {  	s2 =	sadd.s32 s5, s0  }
0x3b: {  	[tilespmem:s26], [sflag:$0x3] =	stream.strided.gather [hbm4b:s2+s13], $0x800, s14, s13, $0x38;
	[tilespmem:$0xD900] =	vst v63  }
0x3c: {  	_ =	swait.ge [sflag:s12], $0x800  }
0x3d: {  	[sflag:s12] =	ssyncset.done $0x0  }
0x3e: {  	s0 =	sadd.s32 s6, s0;
	[sflag:s12] =	ssyncadd.s32 $0xFFFFF800  }
0x3f: {  	[tilespmem:s15], [sflag:$0x3] =	stream.strided.gather [hbm4b:s0+s13], $0x800, s14, s13, $0x38;
	[tilespmem:$0xD900] =	vst v63  }
0x40: {  	_ =	swait.ge [sflag:s12], $0x800  }
0x41: {  	[sflag:s12] =	ssyncset.done $0x0  }
0x42: {  	s31 =	simm.s32 $0x0;
	[sflag:s12] =	ssyncadd.s32 $0xFFFFF800  }
0x43: {  	v5 =	vld [tilespmem:s31+$0x800];
	_ =	sdelay $0x4  }
0x44: {  	v5 =	vadd.s32 v0, v5  }
0x45: {  	vm0 =	vlt.u32 v5, $0x4E2  }
0x46: {  	v6 =	vsel vm0, $0x1, v2  }
0x47: {  	(xrf0) =	vadd.scan.msk.s32 $0xffff, v6;
	_ =	sdelay $0x5  }
0x48: {  	v6, _, _ =	vpop (xrf0)  }
0x49: {  	v8 =	vxor.u32 $0x80000000, v6  }
0x4a: {  	v7 =	vmov s25;
	(xrf0) =	vmax.scan.msk.u32 $0xffff, v8  }
0x4b: {  	v7 =	vadd.s32 $0xFFFFFFFF, v7  }
0x4c: {  	v7 =	vbroadcast v7, $0x0;
	v62 =	vld [tilespmem:s31+$0x0];
	_ =	sdelay $0x1  }
0x4d: {  	v6 =	vadd.s32 v6, v7;
	_ =	sdelay $0x1  }
0x4e: {  	v63, _, _ =	vpop (xrf0)  }
0x4f: {  	v5 =	vnsel vm0, $0x0, v5;
	v7 =	vshll.u32 v62, $0xC;
	(v2sf) =	vpush v63, $0xF  }
0x50: {  	v5 =	vadd.s32 v7, v5  }
0x51: {  	s29 =	simm.s32 $0x10;
	s30 =	simm.s32 $0x80;
	[tilespmem:v6+s16+$0x0] =	vst.idx.msk vm0, v5  }
.LBB2_5:
0x52: {  	p0 =	sne.s32 s30, $0x1F00;
	v5 =	vld [tilespmem:s29+$0x800];
	_ =	sdelay $0x4  }
0x53: {  	v5 =	vadd.s32 v0, v5  }
0x54: {  	vm0 =	vlt.u32 v5, $0x4E2  }
0x55: {  	v6 =	vsel vm0, $0x1, v2;
	v5 =	vnsel vm0, $0x0, v5  }
0x56: {  	(xrf0) =	vadd.scan.msk.s32 $0xffff, v6;
	_ =	sdelay $0x3  }
0x57: {  	s0 =	spop (v2sf)  }
0x58: {  	s0 =	sadd.s32 s0, s25  }
0x59: {  	v6, _, _ =	vpop (xrf0);
	s25 =	sadd.s32 $0x80000000, s0  }
0x5a: {  	v7 =	vmov s25;
	v8 =	vxor.u32 $0x80000000, v6  }
0x5b: {  	v7 =	vadd.s32 $0xFFFFFFFF, v7;
	(xrf0) =	vmax.scan.msk.u32 $0xffff, v8  }
0x5c: {  	v8 =	vld [tilespmem:s29+$0x0];
	v7 =	vbroadcast v7, $0x0;
	_ =	sdelay $0x1  }
0x5d: {  	v6 =	vadd.s32 v6, v7;
	_ =	sdelay $0x1  }
.Ltmp3:
0x5e: {  	(pc) =	sbr.rel @p0 .LBB2_5-.Ltmp3, $4  }
0x5f: {  	v7 =	vshll.u32 v8, $0xC;
	v8, _, _ =	vpop (xrf0)  }
0x60: {  	v5 =	vadd.s32 v7, v5;
	(v2sf) =	vpush v8, $0xF  }
0x61: {  	[tilespmem:v6+s16+$0x0] =	vst.idx.msk vm0, v5  }
0x62: {  	s29 =	sshra.s32 s30, $0x2;
	s30 =	sadd.s32 $0x40, s30  }
0x63: {  	v5 =	vld [tilespmem:s29+$0x800];
	_ =	sdelay $0x4  }
0x64: {  	v5 =	vadd.s32 v0, v5  }
0x65: {  	vm0 =	vlt.u32 v5, $0x4E2  }
0x66: {  	v6 =	vsel vm0, $0x1, v2  }
0x67: {  	(xrf0) =	vadd.scan.msk.s32 $0xffff, v6;
	_ =	sdelay $0x5  }
0x68: {  	v6, _, _ =	vpop (xrf0)  }
0x69: {  	v7 =	vxor.u32 $0x80000000, v6  }
0x6a: {  	(xrf0) =	vmax.scan.msk.u32 $0xffff, v7;
	_ =	sdelay $0x5  }
0x6b: {  	v7, _, _ =	vpop (xrf0)  }
0x6c: {  	(v2sf) =	vpush v7, $0xF;
	_ =	sdelay $0x4  }
0x6d: {  	s0 =	spop (v2sf)  }
0x6e: {  	s0 =	sadd.s32 s0, s25  }
0x6f: {  	s30 =	sadd.s32 $0x80000000, s0  }
0x70: {  	v7 =	vmov s30  }
0x71: {  	v7 =	vadd.s32 $0xFFFFFFFF, v7  }
0x72: {  	v8 =	vld [tilespmem:s29+$0x0];
	v7 =	vbroadcast v7, $0x0  }
0x73: {  	s28 =	sadd.s32 $0x1, s28  }
0x74: {  	p0 =	sne.s32 s28, $0xA;
	v6 =	vadd.s32 v6, v7  }
.Ltmp4:
0x75: {  	_ = 	snop;
	(pc) =	sbr.rel @p0 .LBB2_4-.Ltmp4, $4  }
0x76: {  	_ = 	snop  }
0x77: {  	v5 =	vnsel vm0, $0x0, v5;
	v7 =	vshll.u32 v8, $0xC;
	s29 =	spop (v2sf)  }
0x78: {  	v5 =	vadd.s32 v7, v5;
	s0 =	sadd.s32 s29, s30  }
0x79: {  	[tilespmem:v6+s16+$0x0] =	vst.idx.msk vm0, v5;
	s25 =	sadd.s32 $0x80000000, s0  }
0x7a: {  	s0 =	sadd.s32 $0x9F, s25  }
0x7b: {  	s2 =	smulhi.u32 $0x66666667, s0;
	s19 =	sshra.s32 s0, $0x1F  }
0x7c: {  	s19 =	smul.u32 $0x66666667, s19;
	_ =	sdelay $0x1  }
0x7d: {  	s2 =	sadd.s32 s19, s2  }
0x7e: {  	s19 =	sshrl.u32 s2, $0x1F;
	s2 =	sshra.s32 s2, $0x6  }
0x7f: {  	s2 =	sadd.s32 s19, s2  }
0x80: {  	s19 =	smul.u32 $0xFFFFFF60, s2  }
0x81: {  	s26 =	ssub.s32 $0xFFFFFF61, s25  }
0x82: {  	p0 =	slt.s32 s0, $0x1;
	p1 =	sne.s32 s19, s26  }
0x83: {  	p0 =	por !p0, !p1  }
0x84: {  	s0 =	simm.s32 $0x1;
	p0 =	por !p0, !p0  }
0x85: {  	s0 =	simm.s32 @!p0 $0x0  }
0x86: {  	s0 =	ssub.s32 s2, s0  }
0x87: {  	s26 =	smul.u32 $0xA0, s0;
	_ =	sdelay $0x1  }
0x88: {  	s0 =	ssub.s32 s26, s25  }
0x89: {  	s0 =	sadd.s32 $0xF, s0  }
0x8a: {  	s25 =	sand.u32 $0xF, s0  }
0x8b: {  	s28 =	sshra.s32 s0, $0x1F;
	p5 =	slt.s32 s0, $0x1;
	p6 =	sne.s32 s25, $0x0  }
0x8c: {  	s31 =	sshrl.u32 s28, $0x1C;
	p0 =	por !p5, !p6  }
0x8d: {  	s2 =	simm.s32 $0x1;
	s0 =	sadd.s32 s31, s0;
	p0 =	por !p0, !p0  }
0x8e: {  	s0 =	sshra.s32 s0, $0x4;
	s2 =	simm.s32 @!p0 $0x0  }
0x8f: {  	s2 =	ssub.s32 s0, s2  }
0x90: {  	p0 =	slt.s32 s2, $0x1  }
.Ltmp5:
0x91: {  	_ = 	snop;
	(pc) =	sbr.rel @p0 .LBB2_11-.Ltmp5, $1  }
0x92: {  	_ =	sdelay $0x3  }
0x93: {  	p0 =	sne.s32 s2, $0x1  }
.Ltmp6:
0x94: {  	_ = 	snop;
	(pc) =	sbr.rel @!p0 .LBB2_10-.Ltmp6, $4  }
0x95: {  	_ = 	snop  }
0x96: {  	s0 =	sadd.s32 s30, s29  }
0x97: {  	s0 =	sadd.s32 $0x80000000, s0  }
0x98: {  	s2 =	sadd.s32 $0xFFFFFFFF, s2;
	v5 =	vadd.s32 s0, v3  }
.LBB2_9:
0x99: {  	p0 =	sne.s32 s2, $0x1  }
.Ltmp7:
0x9a: {  	_ = 	snop;
	(pc) =	sbr.rel @p0 .LBB2_9-.Ltmp7, $3  }
0x9b: {  	_ =	sdelay $0x1  }
0x9c: {  	s2 =	sadd.s32 $0xFFFFFFFF, s2;
	[tilespmem:v5+s16+$0x0] =	vst.idx.msk $0xffff, v4;
	s0 =	sadd.s32 $0x10, s0  }
0x9d: {  	v5 =	vadd.s32 s0, v3  }
.LBB2_10:
0x9e: {  	_ =	sdelay $0x3  }
0x9f: {  	[tilespmem:v5+s16+$0x0] =	vst.idx.msk $0xffff, v4  }
.LBB2_11:
0xa0: {  	s0 =	smulhi.u32 $0x66666667, s26;
	s2 =	sshra.s32 s26, $0x1F  }
0xa1: {  	s2 =	smul.u32 $0x66666667, s2;
	_ =	sdelay $0x1  }
0xa2: {  	s0 =	sadd.s32 s2, s0  }
0xa3: {  	s2 =	sshrl.u32 s0, $0x1F;
	s0 =	sshra.s32 s0, $0x6  }
0xa4: {  	s0 =	sadd.s32 s2, s0  }
0xa5: {  	s2 =	smul.u32 $0xFFFFFF60, s0  }
0xa6: {  	s19 =	ssub.s32 $0x0, s26  }
0xa7: {  	p0 =	slt.s32 s26, $0x1;
	p1 =	sne.s32 s2, s19  }
0xa8: {  	p0 =	por !p0, !p1  }
0xa9: {  	s2 =	simm.s32 $0x1;
	p0 =	por !p0, !p0  }
0xaa: {  	s2 =	simm.s32 @!p0 $0x0  }
0xab: {  	s25 =	ssub.s32 s0, s2  }
0xac: {  	p0 =	slt.s32 s25, $0x1  }
.Ltmp8:
0xad: {  	_ = 	snop;
	(pc) =	sbr.rel @p0 .LBB2_15-.Ltmp8, $2  }
0xae: {  	_ =	sdelay $0x1  }
0xaf: {  	[bflag:$0x0] =	sbarrier.arrive $0xFFFF;
	_ =	sdelay $0x1  }
0xb0: {  	v5 =	vld [tilespmem:$0x1000];
	_ =	sdelay $0x1  }
0xb1: {  	v6 =	vld [tilespmem:$0x1010];
	_ =	sdelay $0x1  }
0xb2: {  	v7 =	vld [tilespmem:$0x1020]  }
0xb3: {  	v8 =	vshrl.u32 v5, $0xC  }
0xb4: {  	v63 =	vld [tilespmem:$0x1030];
	v5 =	vand.u32 $0xFFF, v5;
	[tilespmem:$0x5F00] =	vst v8  }
0xb5: {  	[tilespmem:$0x6000] =	vst v5;
	v5 =	vshrl.u32 v6, $0xC  }
0xb6: {  	[tilespmem:$0x5F10] =	vst v5;
	v5 =	vand.u32 $0xFFF, v6;
	v6 =	vld [tilespmem:$0x1040]  }
0xb7: {  	[tilespmem:$0x6010] =	vst v5;
	v5 =	vshrl.u32 v7, $0xC  }
0xb8: {  	[tilespmem:$0x5F20] =	vst v5;
	v5 =	vand.u32 $0xFFF, v7  }
0xb9: {  	[tilespmem:$0x6020] =	vst v5;
	v5 =	vshrl.u32 v63, $0xC  }
0xba: {  	[tilespmem:$0x5F30] =	vst v5;
	v5 =	vand.u32 $0xFFF, v63  }
0xbb: {  	[tilespmem:$0x6030] =	vst v5;
	v5 =	vshrl.u32 v6, $0xC  }
0xbc: {  	[tilespmem:$0x5F40] =	vst v5;
	v5 =	vand.u32 $0xFFF, v6  }
0xbd: {  	s0 =	simm.s32 $0x5F00;
	s26 =	simm.s32 $0x1070;
	[tilespmem:$0x6040] =	vst v5  }
0xbe: {  	[tilespmem:s11], [sflag:$0x1] =	stream.indirect.gather [hbm4b:s4+s18], $0x80, s0, s18, $0xb8;
	[tilespmem:$0xD900] =	vst v63  }
0xbf: {  	v5 =	vld [tilespmem:s26+$0xFFFFFFE0];
	_ =	sdelay $0x4  }
0xc0: {  	v6 =	vshrl.u32 v5, $0xC  }
0xc1: {  	v5 =	vand.u32 $0xFFF, v5;
	[tilespmem:$0x5F80] =	vst v6  }
0xc2: {  	[tilespmem:$0x6080] =	vst v5  }
0xc3: {  	v5 =	vld [tilespmem:s26+$0xFFFFFFF0];
	_ =	sdelay $0x4  }
0xc4: {  	v6 =	vshrl.u32 v5, $0xC  }
0xc5: {  	v5 =	vand.u32 $0xFFF, v5;
	[tilespmem:$0x5F90] =	vst v6  }
0xc6: {  	[tilespmem:$0x6090] =	vst v5  }
0xc7: {  	v5 =	vld [tilespmem:s26+$0x0];
	_ =	sdelay $0x4  }
0xc8: {  	v6 =	vshrl.u32 v5, $0xC  }
0xc9: {  	s28 =	simm.s32 $0x0;
	v5 =	vand.u32 $0xFFF, v5;
	[tilespmem:$0x5FA0] =	vst v6  }
0xca: {  	s31 =	sand.u32 $0xFFFFFFE0, s28;
	[tilespmem:$0x60A0] =	vst v5  }
0xcb: {  	v5 =	vld [tilespmem:s31+$0x1080];
	_ =	sdelay $0x4  }
0xcc: {  	v6 =	vshrl.u32 v5, $0xC  }
0xcd: {  	v5 =	vand.u32 $0xFFF, v5;
	[tilespmem:$0x5FB0] =	vst v6  }
0xce: {  	[tilespmem:$0x60B0] =	vst v5  }
0xcf: {  	v5 =	vld [tilespmem:s26+$0x20];
	_ =	sdelay $0x4  }
0xd0: {  	v6 =	vshrl.u32 v5, $0xC  }
0xd1: {  	v5 =	vand.u32 $0xFFF, v5;
	[tilespmem:$0x5FC0] =	vst v6  }
0xd2: {  	[tilespmem:$0x60C0] =	vst v5  }
0xd3: {  	[tilespmem:s21], [sflag:$0x2] =	stream.indirect.gather [hbm4b:s4+s18], $0x80, s20, s18, $0xb8;
	[tilespmem:$0xD900] =	vst v63  }
0xd4: {  	_ =	swait.ge [sflag:s17], $0x2800  }
0xd5: {  	[sflag:s17] =	ssyncset.done $0x0  }
0xd6: {  	[sflag:s17] =	ssyncadd.s32 $0xFFFFD800  }
0xd7: {  	[spmem:s1] =	stream.indirect.scatter.add.f32 [tilespmem:s11], [sflag:$0x3], $0x80, s22, s18, $0xb8;
	[tilespmem:$0xD900] =	vst v63  }
0xd8: {  	_ =	swait.ge [sflag:s12], $0x2800  }
0xd9: {  	s29 =	sadd.s32 $0xFFFFFFFF, s25;
	[sflag:s12] =	ssyncset.done $0x0  }
0xda: {  	p1 =	sle.s32 s29, $0x0;
	[sflag:s12] =	ssyncadd.s32 $0xFFFFD800  }
0xdb: {  	v5 =	vld @!p1 [tilespmem:s26+$0x30];
	_ =	sdelay $0x4  }
0xdc: {  	v6 =	vshrl.u32 @!p1 v5, $0xC  }
0xdd: {  	v5 =	vand.u32 @!p1 $0xFFF, v5;
	[tilespmem:$0x5F00] =	vst @!p1 v6  }
0xde: {  	[tilespmem:$0x6000] =	vst @!p1 v5  }
0xdf: {  	v5 =	vld @!p1 [tilespmem:s26+$0x40];
	_ =	sdelay $0x4  }
0xe0: {  	v6 =	vshrl.u32 @!p1 v5, $0xC  }
0xe1: {  	v5 =	vand.u32 @!p1 $0xFFF, v5;
	[tilespmem:$0x5F10] =	vst @!p1 v6  }
0xe2: {  	[tilespmem:$0x6010] =	vst @!p1 v5  }
0xe3: {  	v5 =	vld @!p1 [tilespmem:s26+$0x50];
	_ =	sdelay $0x4  }
0xe4: {  	v6 =	vshrl.u32 @!p1 v5, $0xC  }
0xe5: {  	v5 =	vand.u32 @!p1 $0xFFF, v5;
	[tilespmem:$0x5F20] =	vst @!p1 v6  }
0xe6: {  	[tilespmem:$0x6020] =	vst @!p1 v5  }
0xe7: {  	v5 =	vld @!p1 [tilespmem:s26+$0x60];
	_ =	sdelay $0x4  }
0xe8: {  	v6 =	vshrl.u32 @!p1 v5, $0xC  }
0xe9: {  	v5 =	vand.u32 @!p1 $0xFFF, v5;
	[tilespmem:$0x5F30] =	vst @!p1 v6  }
0xea: {  	p0 =	sne.s32 s25, $0x1;
	[tilespmem:$0x6030] =	vst @!p1 v5  }
.Ltmp9:
0xeb: {  	v5 =	vld @!p1 [tilespmem:s26+$0x70];
	(pc) =	sbr.rel @!p0 .LBB2_14-.Ltmp9, $3  }
0xec: {  	_ =	sdelay $0x1  }
0xed: {  	s30 =	simm.s32 $0x1  }
0xee: {  	s19 =	simm.s32 @!p1 $0x5F00;
	s2 =	simm.s32 @!p1 $0x6100;
	s0 =	simm.s32 @!p1 $0x50  }
.LBB2_13:
0xef: {  	s28 =	sadd.s32 $0xA0, s28  }
0xf0: {  	v6 =	vshrl.u32 @!p1 v5, $0xC;
	v5 =	vand.u32 @!p1 $0xFFF, v5;
	s26 =	sadd.s32 $0xA0, s26;
	s31 =	smov.u32 s30;
	s30 =	sadd.s32 $0x1, s30  }
0xf1: {  	p0 =	sne.s32 s25, s30;
	[tilespmem:$0x5F40] =	vst @!p1 v6  }
0xf2: {  	[tilespmem:$0x6040] =	vst @!p1 v5  }
0xf3: {  	[tilespmem:s2], [sflag:$0x1] =	stream.indirect.gather @!p1 [hbm4b:s4+s0], $0x80, s19, s0, $0xb8;
	[tilespmem:$0xD900] =	vst v63  }
0xf4: {  	_ =	swait.ge [sflag:s23], $0x2800  }
0xf5: {  	[sflag:s23] =	ssyncset.done $0x0  }
0xf6: {  	[sflag:s23] =	ssyncadd.s32 $0xFFFFD800  }
0xf7: {  	[spmem:s1] =	stream.indirect.scatter.add.f32 [tilespmem:s21], [sflag:$0x3], $0x80, s24, s18, $0xb8;
	[tilespmem:$0xD900] =	vst v63  }
0xf8: {  	_ =	swait.ge [sflag:s12], $0x2800  }
0xf9: {  	[sflag:s12] =	ssyncset.done $0x0  }
0xfa: {  	[sflag:s12] =	ssyncadd.s32 $0xFFFFD800  }
0xfb: {  	v5 =	vld [tilespmem:s26+$0xFFFFFFE0];
	_ =	sdelay $0x4  }
0xfc: {  	v6 =	vshrl.u32 v5, $0xC;
	v5 =	vand.u32 $0xFFF, v5  }
0xfd: {  	[tilespmem:$0x5F80] =	vst v6  }
0xfe: {  	[tilespmem:$0x6080] =	vst v5  }
0xff: {  	v5 =	vld [tilespmem:s26+$0xFFFFFFF0];
	_ =	sdelay $0x4  }
0x100: {  	v6 =	vshrl.u32 v5, $0xC;
	v5 =	vand.u32 $0xFFF, v5  }
0x101: {  	[tilespmem:$0x5F90] =	vst v6  }
0x102: {  	[tilespmem:$0x6090] =	vst v5  }
0x103: {  	v5 =	vld [tilespmem:s26+$0x0];
	_ =	sdelay $0x3  }
0x104: {  	s0 =	sand.u32 $0xFFFFFFE0, s28  }
0x105: {  	v6 =	vshrl.u32 v5, $0xC;
	v5 =	vand.u32 $0xFFF, v5  }
0x106: {  	[tilespmem:$0x5FA0] =	vst v6  }
0x107: {  	[tilespmem:$0x60A0] =	vst v5  }
0x108: {  	v5 =	vld [tilespmem:s0+$0x1080];
	_ =	sdelay $0x4  }
0x109: {  	v6 =	vshrl.u32 v5, $0xC;
	v5 =	vand.u32 $0xFFF, v5  }
0x10a: {  	[tilespmem:$0x5FB0] =	vst v6  }
0x10b: {  	[tilespmem:$0x60B0] =	vst v5  }
0x10c: {  	v5 =	vld [tilespmem:s26+$0x20];
	_ =	sdelay $0x4  }
0x10d: {  	v6 =	vshrl.u32 v5, $0xC;
	v5 =	vand.u32 $0xFFF, v5  }
0x10e: {  	[tilespmem:$0x5FC0] =	vst v6  }
0x10f: {  	[tilespmem:$0x60C0] =	vst v5  }
0x110: {  	[tilespmem:s21], [sflag:$0x2] =	stream.indirect.gather [hbm4b:s4+s18], $0x80, s20, s18, $0xb8;
	[tilespmem:$0xD900] =	vst v63  }
0x111: {  	_ =	swait.ge [sflag:s17], $0x2800  }
0x112: {  	[sflag:s17] =	ssyncset.done $0x0  }
0x113: {  	[sflag:s17] =	ssyncadd.s32 $0xFFFFD800  }
0x114: {  	[spmem:s1] =	stream.indirect.scatter.add.f32 [tilespmem:s11], [sflag:$0x3], $0x80, s22, s18, $0xb8;
	[tilespmem:$0xD900] =	vst v63  }
0x115: {  	_ =	swait.ge [sflag:s12], $0x2800  }
0x116: {  	[sflag:s12] =	ssyncset.done $0x0  }
0x117: {  	p1 =	sge.s32 s31, s29;
	[sflag:s12] =	ssyncadd.s32 $0xFFFFD800  }
0x118: {  	v5 =	vld @!p1 [tilespmem:s26+$0x30];
	_ =	sdelay $0x4  }
0x119: {  	v6 =	vshrl.u32 @!p1 v5, $0xC;
	v5 =	vand.u32 @!p1 $0xFFF, v5  }
0x11a: {  	[tilespmem:$0x5F00] =	vst @!p1 v6  }
0x11b: {  	[tilespmem:$0x6000] =	vst @!p1 v5  }
0x11c: {  	v5 =	vld @!p1 [tilespmem:s26+$0x40];
	_ =	sdelay $0x4  }
0x11d: {  	v6 =	vshrl.u32 @!p1 v5, $0xC;
	v5 =	vand.u32 @!p1 $0xFFF, v5  }
0x11e: {  	[tilespmem:$0x5F10] =	vst @!p1 v6  }
0x11f: {  	[tilespmem:$0x6010] =	vst @!p1 v5  }
0x120: {  	v5 =	vld @!p1 [tilespmem:s26+$0x50];
	_ =	sdelay $0x4  }
0x121: {  	v6 =	vshrl.u32 @!p1 v5, $0xC;
	v5 =	vand.u32 @!p1 $0xFFF, v5  }
0x122: {  	[tilespmem:$0x5F20] =	vst @!p1 v6  }
0x123: {  	[tilespmem:$0x6020] =	vst @!p1 v5  }
0x124: {  	v5 =	vld @!p1 [tilespmem:s26+$0x60];
	_ =	sdelay $0x3  }
.Ltmp10:
0x125: {  	(pc) =	sbr.rel @p0 .LBB2_13-.Ltmp10, $4  }
0x126: {  	s19 =	simm.s32 @!p1 $0x5F00;
	s2 =	simm.s32 @!p1 $0x6100;
	s0 =	simm.s32 @!p1 $0x50;
	v6 =	vshrl.u32 @!p1 v5, $0xC;
	v5 =	vand.u32 @!p1 $0xFFF, v5  }
0x127: {  	[tilespmem:$0x5F30] =	vst @!p1 v6  }
0x128: {  	[tilespmem:$0x6030] =	vst @!p1 v5  }
0x129: {  	v5 =	vld @!p1 [tilespmem:s26+$0x70]  }
.Ltmp11:
0x12a: {  	_ = 	snop;
	(pc) =	sbr.rel .LBB2_14-.Ltmp11, $1  }
0x12b: {  	_ =	sdelay $0x3  }
.LBB2_16:
0x12c: {  	_ =	sfence.sel $0x180000  }
0x12d: {  	[bflag:$0x0] =	sbarrier.arrive $0xFFFF  }
0x12e: {  	_ =	strace $0x9000004A  }
0x12f: {  	s0 =	stileid.u32;
	[bflag:$0x2] =	sbarrier.arrive $0xFFFF  }
0x130: {  	p0 =	sne.s32 s0, $0x0;
	s0 =	rddreg [dreg:$0x2]  }
0x131: {  	s0 =	sadd.s32 @!p0 $0x100000, s0  }
0x132: {  	[sflag:s0] =	ssyncadd.tile.s32 @!p0 $0x1;
	_ =	shalt  }
.Lfunc_end2:
_tile_overlayer_lowered:
.L_overlay_start_2:
0x133: {  	(tag) =	ssettag $0x2  }
0x134: {  	s0 =	rddreg [dreg:$0x0];
	s2 =	stileid.u32  }
0x135: {  	s1 =	rddreg [dreg:$0x1];
	p0 =	sne.s32 s2, $0x0  }
0x136: {  	s3 =	rddreg [dreg:$0x2];
	[bflag:$0x3] =	sbarrier.arrive $0xFFFF;
	s2 =	simm.s32 @!p0 $0x1C03  }
0x137: {  	[timem:s3], [sflag:s2] =	dma.local @!p0 [hbm:s0], s1  }
0x138: {  	s0 =	simm.s32 @!p0 $0x3  }
0x139: {  	_ =	swait.ge @!p0 [sflag:s0], s1  }
0x13a: {  	s1 =	ssub.s32 @!p0 $0x0, s1;
	[sflag:s0] =	ssyncset.done @!p0 $0x0  }
0x13b: {  	[sflag:s0] =	ssyncadd.s32 @!p0 s1  }
0x13c: {  	[bflag:$0x3] =	sbarrier.arrive $0xFFFF  }
0x13d: {  	_ =	shalt  }

// kernel: kernel.5.cloned.1.call-start
scs
__scs_entry_jumppad:
0x0: {  	(pc) =	sbr.rel $0x88, $3  }
0x1: {  	(tag) =	ssettag $0x0;
	lr =	simm.s32 $0x1  }
0x2: {  	[smem:$0x3F9B] =	sst lr;
	_ =	strace $0xD0000000  }
0x3: {  	_ = 	snop  }
0x4: {  	_ = 	snop  }
0x5: {  	_ = 	snop  }
0x6: {  	_ = 	snop  }
0x7: {  	_ = 	snop  }
__scs_overlays_trampoline_lowered:
0x8: {  	[smem:$0x3FAA] =	sst s0  }
0x9: {  	[smem:$0x3FAB] =	sst s1  }
0xa: {  	[smem:$0x3FAC] =	sst s2  }
0xb: {  	[smem:$0x3FAD] =	sst s3  }
0xc: {  	[smem:$0x3FAE] =	sst s4  }
0xd: {  	[smem:$0x3FAF] =	sst s5  }
0xe: {  	[smem:$0x3FB0] =	sst s6  }
0xf: {  	[smem:$0x3FB1] =	sst s7  }
0x10: {  	[smem:$0x3FB2] =	sst s8  }
0x11: {  	[smem:$0x3FB3] =	sst s9;
	s0 =	simm.s32 @!p0 $0x0  }
0x12: {  	s1 =	sld [smem:$0x3F99];
	s0 =	simm.s32 @p0 $0x1  }
0x13: {  	[smem:$0x3FB4] =	sst s0;
	s0 =	simm.s32 @!p1 $0x0  }
0x14: {  	s2 =	sld [smem:$0x3F98];
	s0 =	simm.s32 @p1 $0x1  }
0x15: {  	[smem:$0x3FB5] =	sst s0;
	s0 =	simm.s32 @!p2 $0x0  }
0x16: {  	s3 =	sld [smem:$0x3FDB];
	s0 =	simm.s32 @p2 $0x1  }
0x17: {  	s4 =	simm.s32 $0x1BF5;
	[smem:$0x3FB7] =	sst s0  }
0x18: {  	s0 =	sld [smem:$0x3F9A];
	_ =	swait.ge [sflag:s4], $0x0  }
0x19: {  	s7 =	sld [smem:$0x3F9B]  }
0x1a: {  	s8 =	sadd.s32 $0xFFFFE003, lr  }
0x1b: {  	s9 =	sadd.s32 $0xFFFFFEF7, lr;
	s5 =	simm.s32 $0xFFFFFFFF;
	p2 =	slt.u32 s8, $0xFFFFF086  }
0x1c: {  	p1 =	slt.u32 s9, $0xF7A;
	s5 =	simm.s32 @!p2 $0x0  }
0x1d: {  	s5 =	simm.s32 @p1 $0x1;
	p0 =	seq.s32 s7, s2  }
0x1e: {  	s7 =	smul.u32 @!p0 $0xF7A, s2;
	p2 =	seq.s32 @!p0 s5, $0x0  }
0x1f: {  	s9 =	smul.u32 $0xF7A, s1;
	s8 =	simm.s32 @!p0 $0x1BF5;
	p2 =	por !p2, p0  }
0x20: {  	[sflag:s8] =	ssyncset.s32 @!p0 $0xFFFFF086;
	s6 =	sadd.s32 @!p0 s3, s7;
	s7 =	simm.s32 @!p0 $0x108  }
0x21: {  	s3 =	sadd.s32 s3, s9;
	s6 =	sadd.s32 @!p0 $0x88, s6;
	s7 =	simm.s32 @p2 $0x1082  }
0x22: {  	[simem:s7], [sflag:s8] =	dma.local @!p0 [hbm:s6], $0xF7A  }
0x23: {  	s9 =	sor.u32 $0xD0000000, s2;
	s6 =	simm.s32 $0x108;
	_ =	swait.ge @!p0 [sflag:s8], $0x0  }
0x24: {  	s3 =	sadd.s32 $0x88, s3;
	s6 =	simm.s32 @!p1 $0x1082;
	[sflag:s4] =	ssyncset.s32 $0xFFFFF086  }
0x25: {  	[simem:s6], [sflag:s4] =	dma.local [hbm:s3], $0xF7A  }
0x26: {  	[smem:$0x3F9B] =	sst s1;
	(tag) =	ssettag s2;
	_ =	strace s9  }
0x27: {  	s1 =	sld [smem:$0x3FAB]  }
0x28: {  	s2 =	sld [smem:$0x3FAC]  }
0x29: {  	s4 =	sld [smem:$0x3FAE]  }
0x2a: {  	p0 =	seq.s32 s5, $0x0;
	s5 =	sld [smem:$0x3FAF]  }
0x2b: {  	s6 =	sld [smem:$0x3FB0]  }
0x2c: {  	s7 =	sld [smem:$0x3FB1]  }
0x2d: {  	s3 =	simm.s32 $0x108;
	s8 =	sld [smem:$0x3FB2]  }
0x2e: {  	s3 =	simm.s32 @!p0 $0x1082;
	s9 =	sld [smem:$0x3FB3]  }
0x2f: {  	lr =	sadd.s32 s0, s3;
	s0 =	sld [smem:$0x3FAA]  }
0x30: {  	s3 =	sld [smem:$0x3FAD]  }
0x31: {  	[smem:$0x3FB6] =	sst s10  }
0x32: {  	s10 =	sld [smem:$0x3FB4];
	_ =	sdelay $0x3  }
0x33: {  	p0 =	seq.s32 s10, $0x1;
	s10 =	sld [smem:$0x3FB6];
	_ =	sdelay $0x3  }
0x34: {  	[smem:$0x3FB6] =	sst s10  }
0x35: {  	s10 =	sld [smem:$0x3FB5];
	_ =	sdelay $0x3  }
0x36: {  	p1 =	seq.s32 s10, $0x1;
	s10 =	sld [smem:$0x3FB6];
	_ =	sdelay $0x3  }
0x37: {  	[smem:$0x3FB6] =	sst s10  }
0x38: {  	s10 =	sld [smem:$0x3FB7]  }
0x39: {  	_ = 	snop;
	(pc) =	sbr.ind lr, $3  }
0x3a: {  	_ = 	snop  }
0x3b: {  	_ = 	snop  }
0x3c: {  	p2 =	seq.s32 s10, $0x1;
	s10 =	sld [smem:$0x3FB6]  }
0x3d: {  	_ =	shalt  }
0x3e: {  	_ =	shalt  }
0x3f: {  	_ =	shalt  }
0x40: {  	_ =	shalt  }
0x41: {  	_ =	shalt  }
0x42: {  	_ =	shalt  }
0x43: {  	_ =	shalt  }
0x44: {  	_ =	shalt  }
0x45: {  	_ =	shalt  }
0x46: {  	_ =	shalt  }
0x47: {  	_ =	shalt  }
0x48: {  	_ =	shalt  }
0x49: {  	_ =	shalt  }
0x4a: {  	_ =	shalt  }
0x4b: {  	_ =	shalt  }
0x4c: {  	_ =	shalt  }
0x4d: {  	_ =	shalt  }
0x4e: {  	_ =	shalt  }
0x4f: {  	_ =	shalt  }
0x50: {  	_ =	shalt  }
0x51: {  	_ =	shalt  }
0x52: {  	_ =	shalt  }
0x53: {  	_ =	shalt  }
0x54: {  	_ =	shalt  }
0x55: {  	_ =	shalt  }
0x56: {  	_ =	shalt  }
0x57: {  	_ =	shalt  }
0x58: {  	_ =	shalt  }
0x59: {  	_ =	shalt  }
0x5a: {  	_ =	shalt  }
0x5b: {  	_ =	shalt  }
0x5c: {  	_ =	shalt  }
0x5d: {  	_ =	shalt  }
0x5e: {  	_ =	shalt  }
0x5f: {  	_ =	shalt  }
0x60: {  	_ =	shalt  }
0x61: {  	_ =	shalt  }
0x62: {  	_ =	shalt  }
0x63: {  	_ =	shalt  }
0x64: {  	_ =	shalt  }
0x65: {  	_ =	shalt  }
0x66: {  	_ =	shalt  }
0x67: {  	_ =	shalt  }
0x68: {  	_ =	shalt  }
0x69: {  	_ =	shalt  }
0x6a: {  	_ =	shalt  }
0x6b: {  	_ =	shalt  }
0x6c: {  	_ =	shalt  }
0x6d: {  	_ =	shalt  }
0x6e: {  	_ =	shalt  }
0x6f: {  	_ =	shalt  }
0x70: {  	_ =	shalt  }
0x71: {  	_ =	shalt  }
0x72: {  	_ =	shalt  }
0x73: {  	_ =	shalt  }
0x74: {  	_ =	shalt  }
0x75: {  	_ =	shalt  }
0x76: {  	_ =	shalt  }
0x77: {  	_ =	shalt  }
0x78: {  	_ =	shalt  }
0x79: {  	_ =	shalt  }
0x7a: {  	_ =	shalt  }
0x7b: {  	_ =	shalt  }
0x7c: {  	_ =	shalt  }
0x7d: {  	_ =	shalt  }
0x7e: {  	_ =	shalt  }
0x7f: {  	_ =	shalt  }
0x80: {  	_ =	shalt  }
0x81: {  	_ =	shalt  }
0x82: {  	_ =	shalt  }
0x83: {  	_ =	shalt  }
0x84: {  	_ =	shalt  }
0x85: {  	_ =	shalt  }
0x86: {  	_ =	shalt  }
0x87: {  	_ =	shalt  }
.Lfunc_end0:
.L_simem_size_0:
called_computation.1_lowered:
.L_overlay_start_0:
0x88: {  	s2 =	sld [smem:$0x3FD9]  }
0x89: {  	s3 =	sld [smem:$0x3FFE];
	_ =	sdelay $0x1  }
0x8a: {  	s1 =	srdreg.scid  }
0x8b: {  	s0 =	sand.u32 $0x1, s1  }
0x8c: {  	s17 =	sshll.u32 s0, $0xA;
	s2 =	sadd.s32 s3, s2  }
0x8d: {  	s2 =	sadd.s32 s2, s17  }
0x8e: {  	[smem:$0x3FC2] =	sst s2  }
0x8f: {  	_ = 	snop  }
0x90: {  	s2 =	sld [smem:$0x3FD0];
	(tm) =	ssettm $0x1  }
0x91: {  	s18 =	sld [smem:$0x3FFB];
	_ =	sdelay $0x3  }
0x92: {  	_ =	strace s18  }
0x93: {  	s3 =	sld [smem:$0x3FFC];
	_ =	sdelay $0x3  }
0x94: {  	_ =	strace s3  }
0x95: {  	s3 =	sld [smem:$0x3FFD];
	_ =	sdelay $0x3  }
0x96: {  	_ =	strace s3  }
0x97: {  	_ =	strace $0x8FFFFFFF  }
0x98: {  	s19 =	sld [smem:$0x3FDB];
	_ =	sdelay $0x1  }
0x99: {  	s4 =	simm.s32 $_scs_section_size  }
0x9a: {  	s5 =	simm.s32 $_size__tile_overlayer_lowered;
	s6 =	simm.s32 $_tile_overlayer_lowered  }
0x9b: {  	s22 =	simm.s32 $0x1BFF;
	s21 =	sshll.u32 s6, $0x1;
	s3 =	sadd.s32 s4, s19  }
0x9c: {  	s7 =	simm.s32 $0x0;
	s20 =	sshll.u32 s5, $0x1;
	s5 =	sadd.s32 s21, s3  }
0x9d: {  	[timem:s7], [sflag:s22] =	dma.local [hbm:s5], s20  }
0x9e: {  	_ =	swait.ge [sflag:s22], s20  }
0x9f: {  	s4 =	ssub.s32 $0x0, s20;
	[sflag:s22] =	ssyncset.done $0x0  }
0xa0: {  	[sflag:s22] =	ssyncadd.s32 s4;
	_ =	sdelay $0x1  }
0xa1: {  	s23 =	simm.s32 $0x1B8B  }
0xa2: {  	_ =	swait.ge [sflag:s23], $0x1  }
0xa3: {  	[sflag:s23] =	ssyncset.done $0x0  }
0xa4: {  	s25 =	simm.s32 $0x1B8E;
	s24 =	sld [smem:$0x3FFE];
	[sflag:s23] =	ssyncadd.s32 $0xFFFFFFFF  }
0xa5: {  	s26 =	simm.s32 $execute0_lowered;
	[smem:$0x3FD2] =	sst s25  }
0xa6: {  	s5 =	sshll.u32 s26, $0x1;
	_ =	strace $0x80000046;
	[dreg:$0x1] =	wrdreg $0xFFFFFFFF  }
0xa7: {  	s28 =	simm.s32 $_size_execute0_lowered;
	s3 =	sadd.s32 s3, s5;
	[dreg:$0x0] =	wrdreg $0x0  }
0xa8: {  	s5 =	sshll.u32 s28, $0x1;
	[dreg:$0x2] =	wrdreg s3  }
0xa9: {  	[dreg:$0x3] =	wrdreg s5  }
0xaa: {  	[dreg:$0x4] =	wrdreg $0xC0  }
0xab: {  	_ =	task [dreg:s7], $0x5FFFF  }
0xac: {  	[dreg:$0x1] =	wrdreg $0xFFFFFFFF  }
0xad: {  	[dreg:$0x0] =	wrdreg $0x60  }
0xae: {  	[dreg:$0x2] =	wrdreg s2  }
0xaf: {  	[dreg:$0x3] =	wrdreg s24  }
0xb0: {  	[dreg:$0x4] =	wrdreg $0x178000  }
0xb1: {  	[dreg:$0x5] =	wrdreg $0x9  }
0xb2: {  	_ =	task.clear_ibuf [dreg:s7], $0x6FFFF;
	_ =	strace $0x90000046  }
0xb3: {  	s29 =	simm.s32 $0x9;
	_ =	strace $0x80000048  }
0xb4: {  	_ =	swait.ge [sflag:s29], $0x1  }
0xb5: {  	[sflag:s29] =	ssyncadd.s32 $0xFFFFFFFF  }
0xb6: {  	_ =	strace $0x90000048  }
0xb7: {  	_ =	sfence  }
0xb8: {  	s30 =	sld [smem:$0x0];
	_ =	sdelay $0x2  }
0xb9: {  	s31 =	sshll.u32 s1, $0xD;
	s1 =	sshrl.u32 s1, $0x2  }
0xba: {  	s3 =	sand.u32 $0x4000, s31;
	s1 =	sadd.s32 s1, s30  }
0xbb: {  	s0 =	sor.u32 s3, s0;
	s1 =	sshll.u32 s1, $0x11  }
0xbc: {  	s0 =	sor.u32 s1, s0  }
0xbd: {  	s0 =	sadd.s32 $0x8F2B, s0  }
0xbe: {  	[sflag:s0] =	ssyncadd.remote.s32 $0x1  }
0xbf: {  	_ =	sfence.sel $0xFFFF  }
0xc0: {  	[dreg:$0x0] =	wrdreg $0xFFFFFFFF;
	(pc) =	sbr.abs _section_cstart, $3  }
0xc1: {  	[dreg:$0x1] =	wrdreg $0xFFFFFFFF  }
0xc2: {  	_ =	task.clear_ibuf [dreg:s7], $0x2FFFF;
	_ =	strace $0x9FFFFFFF  }
0xc3: {  	(tm) =	ssettm $0x7FFFFFFF  }
tec
execute0_lowered:
.L_overlay_start_1:
0x0: {  	(tag) =	ssettag $0x1  }
0x1: {  	s4 =	rddreg [dreg:$0x0]  }
0x2: {  	s5 =	rddreg [dreg:$0x1]  }
0x3: {  	s0 =	srdreg.scid;
	s2 =	rddreg [dreg:$0x2]  }
0x4: {  	s1 =	rddreg [dreg:$0x3];
	s6 =	sand.u32 $0x1, s0  }
0x5: {  	s3 =	simm.s32 $0x0;
	s0 =	stileid.u32;
	s7 =	smul.u32 $0xA0000, s6  }
0x6: {  	[smem:$0x7FF] =	sst s3;
	s8 =	smul.u32 $0x5000, s0  }
0x7: {  	s12 =	simm.s32 $0x10000;
	_ =	strace $0x80000047;
	s29 =	smul.u32 $0x14000, s0  }
0x8: {  	s28 =	ssub.s32 $0x2, s6;
	s10 =	sshll.u32 s0, $0xC;
	s11 =	smul.u32 $0x1388, s6  }
0x9: {  	s9 =	sshrl.u32 s28, $0x1;
	s4 =	sadd.s32 s4, s10;
	s10 =	simm.s32 $0x12800  }
0xa: {  	s7 =	sadd.s32 s8, s7;
	s9 =	ssub.s32 s28, s9;
	s30 =	sshrl.u32 s29, $0x2  }
0xb: {  	s31 =	sadd.s32 $0x9C4, s11;
	v0 =	vmov s11;
	s11 =	simm.s32 $0x50;
	s7 =	sshrl.u32 s7, $0x3  }
0xc: {  	s8 =	smax.u32 s9, $0x1;
	s9 =	simm.s32 $0x1;
	s7 =	sadd.s32 s7, s5  }
0xd: {  	v2 =	vimm.f32 $1.000000000e+00;
	v3 =	vimm.f32 $0.0e+00;
	v1 =	vmov s31;
	s5 =	sadd.s32 s30, s2;
	s6 =	sadd.s32 $0x1A00, s7;
	s7 =	sadd.s32 $0xBA00, s7  }
.LBB2_1:
0xe: {  	s13 =	simm.s32 $0x0  }
.LBB2_2:
0xf: {  	p0 =	sne.s32 s13, $0x9E00  }
.Ltmp0:
0x10: {  	_ = 	snop;
	(pc) =	sbr.rel @p0 .LBB2_2-.Ltmp0, $3  }
0x11: {  	_ =	sdelay $0x1  }
0x12: {  	s14 =	sshra.s32 s13, $0x2  }
0x13: {  	s13 =	sadd.s32 $0x200, s13;
	[tilespmem:s14+$0x10000] =	vst v2  }
0x14: {  	s13 =	simm.s32 $0x200;
	s14 =	simm.s32 $0x0  }
.LBB2_4:
0x15: {  	p0 =	sne.s32 s13, $0x13E00;
	[tilespmem:s14+$0x12800] =	vst v3;
	s14 =	smov.u32 s13;
	s13 =	sadd.s32 $0x200, s13  }
.Ltmp1:
0x16: {  	(pc) =	sbr.rel @p0 .LBB2_4-.Ltmp1, $2  }
0x17: {  	_ =	sdelay $0x2  }
0x18: {  	s14 =	sshra.s32 s14, $0x2  }
0x19: {  	[tilespmem:s14+$0x12800] =	vst v3;
	s13 =	simm.s32 $0x0  }
0x1a: {  	[tilespmem:s13], [sflag:$0x1] =	stream.linear.gather [hbm4b:s4+s13], $0x7D00, $0x38;
	[tilespmem:$0x18200] =	vst v63  }
0x1b: {  	_ =	swait.ge [sflag:s9], $0x7D00  }
0x1c: {  	[sflag:s9] =	ssyncset.done $0x0  }
0x1d: {  	[sflag:s9] =	ssyncadd.s32 $0xFFFF8300  }
0x1e: {  	[spmem:s5] =	stream.linear.scatter [tilespmem:s10], [sflag:$0x1], $0x5000, $0x38;
	[tilespmem:$0x18200] =	vst v63  }
0x1f: {  	_ =	swait.ge [sflag:s9], $0x5000  }
0x20: {  	[sflag:s9] =	ssyncset.done $0x0  }
0x21: {  	[sflag:s9] =	ssyncadd.s32 $0xFFFFB000  }
0x22: {  	s15 =	simm.s32 $0x0;
	[bflag:$0x0] =	sbarrier.arrive $0xFFFF  }
0x23: {  	v4 =	vld [tilespmem:s15+$0x40];
	_ =	sdelay $0x2  }
0x24: {  	v5 =	vld [tilespmem:s15+$0x0]  }
0x25: {  	v6 =	vld [tilespmem:s15+$0x10]  }
0x26: {  	v9 =	vld [tilespmem:s15+$0x20];
	v7 =	vand.u32 $0x1F, v4  }
0x27: {  	v11 =	vadd.s32 $0x9C4, v7;
	v7 =	vld [tilespmem:s15+$0x30]  }
0x28: {  	v10 =	vsub.s32 v4, v0  }
0x29: {  	v4 =	vsub.s32 v5, v0;
	vm0 =	vgt.u32 v10, $0x9C3  }
0x2a: {  	v8 =	vand.u32 $0x1F, v5;
	v5 =	vsub.s32 v6, v0;
	v11 =	vsel vm0, v11, v10  }
0x2b: {  	s14 =	simm.s32 $0x80;
	s16 =	simm.s32 $0x400;
	s13 =	simm.s32 $0x200;
	v10 =	vand.u32 $0x1F, v6;
	v6 =	vsub.s32 v9, v0;
	v9 =	vand.u32 $0x1F, v9;
	[tilespmem:s15+$0x8040] =	vst v11  }
.LBB2_6:
0x2c: {  	p0 =	sne.s32 s16, $0x1F200;
	v11 =	vld [tilespmem:s14+$0x40];
	vm0 =	vgt.u32 v4, $0x9C3;
	v12 =	vsub.s32 v7, v0;
	v7 =	vand.u32 $0x1F, v7  }
0x2d: {  	v8 =	vadd.s32 $0x9C4, v8;
	vm1 =	vgt.u32 v5, $0x9C3;
	v10 =	vadd.s32 $0x9C4, v10;
	v13 =	vld [tilespmem:s14+$0x0]  }
0x2e: {  	vm2 =	vgt.u32 v6, $0x9C3;
	v9 =	vadd.s32 $0x9C4, v9;
	vm3 =	vgt.u32 v12, $0x9C3;
	v14 =	vld [tilespmem:s14+$0x10]  }
0x2f: {  	v4 =	vsel vm0, v8, v4;
	v5 =	vsel vm1, v10, v5;
	v8 =	vadd.s32 $0x9C4, v7;
	v15 =	vld [tilespmem:s14+$0x20]  }
.Ltmp2:
0x30: {  	v6 =	vsel vm2, v9, v6;
	v9 =	vsel vm3, v8, v12;
	v7 =	vld [tilespmem:s14+$0x30];
	[tilespmem:s15+$0x8000] =	vst v4;
	(pc) =	sbr.rel @p0 .LBB2_6-.Ltmp2, $4  }
0x31: {  	v10 =	vsub.s32 v11, v0;
	v8 =	vand.u32 $0x1F, v11;
	[tilespmem:s15+$0x8010] =	vst v5  }
0x32: {  	v4 =	vsub.s32 v13, v0;
	vm0 =	vgt.u32 v10, $0x9C3;
	v11 =	vadd.s32 $0x9C4, v8;
	[tilespmem:s15+$0x8020] =	vst v6  }
0x33: {  	v8 =	vand.u32 $0x1F, v13;
	v5 =	vsub.s32 v14, v0;
	v11 =	vsel vm0, v11, v10;
	[tilespmem:s15+$0x8030] =	vst v9;
	s15 =	smov.u32 s14  }
0x34: {  	s14 =	sshra.s32 s16, $0x2;
	s16 =	sadd.s32 $0x200, s16;
	v10 =	vand.u32 $0x1F, v14;
	v6 =	vsub.s32 v15, v0;
	v9 =	vand.u32 $0x1F, v15;
	[tilespmem:s15+$0x8040] =	vst v11  }
0x35: {  	v11 =	vld [tilespmem:s14+$0x40]  }
0x36: {  	v13 =	vld [tilespmem:s14+$0x0]  }
0x37: {  	vm0 =	vgt.u32 v4, $0x9C3;
	v12 =	vsub.s32 v7, v0;
	v14 =	vld [tilespmem:s14+$0x10]  }
0x38: {  	v52 =	vand.u32 $0x1F, v7;
	v8 =	vadd.s32 $0x9C4, v8;
	vm1 =	vgt.u32 v5, $0x9C3;
	v15 =	vld [tilespmem:s14+$0x20]  }
0x39: {  	v10 =	vadd.s32 $0x9C4, v10;
	vm2 =	vgt.u32 v6, $0x9C3;
	v9 =	vadd.s32 $0x9C4, v9;
	v53 =	vld [tilespmem:s14+$0x30]  }
0x3a: {  	vm3 =	vgt.u32 v12, $0x9C3;
	v4 =	vsel vm0, v8, v4;
	v7 =	vadd.s32 $0x9C4, v52  }
0x3b: {  	v5 =	vsel vm1, v10, v5;
	v6 =	vsel vm2, v9, v6;
	v7 =	vsel vm3, v7, v12  }
0x3c: {  	v54 =	vsub.s32 v11, v0;
	v55 =	vand.u32 $0x1F, v11;
	v56 =	vsub.s32 v13, v0  }
0x3d: {  	[tilespmem:s15+$0x8010] =	vst v5;
	v57 =	vand.u32 $0x1F, v13;
	v5 =	vsub.s32 v14, v0;
	v58 =	vand.u32 $0x1F, v14  }
0x3e: {  	[tilespmem:s15+$0x8000] =	vst v4;
	v59 =	vsub.s32 v15, v0;
	v60 =	vand.u32 $0x1F, v15;
	v61 =	vsub.s32 v53, v0  }
0x3f: {  	[tilespmem:s15+$0x8020] =	vst v6;
	v8 =	vand.u32 $0x1F, v53;
	vm11 =	vgt.u32 v54, $0x9C3;
	v4 =	vadd.s32 $0x9C4, v55  }
0x40: {  	[tilespmem:s15+$0x8030] =	vst v7;
	vm12 =	vgt.u32 v56, $0x9C3;
	v10 =	vadd.s32 $0x9C4, v57;
	v4 =	vsel vm11, v4, v54  }
0x41: {  	vm14 =	vgt.u32 v59, $0x9C3;
	v63 =	vadd.s32 $0x9C4, v60;
	v62 =	vsel vm12, v10, v56;
	[tilespmem:s14+$0x8040] =	vst v4  }
0x42: {  	vm13 =	vgt.u32 v5, $0x9C3;
	v6 =	vsel vm14, v63, v59;
	v4 =	vadd.s32 $0x9C4, v58;
	[tilespmem:s14+$0x8000] =	vst v62  }
0x43: {  	vm15 =	vgt.u32 v61, $0x9C3;
	[tilespmem:s14+$0x8020] =	vst v6;
	v4 =	vsel vm13, v4, v5;
	v5 =	vadd.s32 $0x9C4, v8  }
0x44: {  	[tilespmem:s14+$0x8010] =	vst v4;
	v4 =	vsel vm15, v5, v61  }
0x45: {  	s31 =	simm.s32 $0x8000;
	[tilespmem:s14+$0x8030] =	vst v4  }
0x46: {  	[spmem:s2] =	stream.indirect.scatter.add.f32 [tilespmem:s12], [sflag:$0x1], $0x10, s31, s11, $0xb8;
	[tilespmem:$0x18200] =	vst v63  }
0x47: {  	_ =	swait.ge [sflag:s9], $0x500  }
.LBB2_8:
0x48: {  	s14 =	sshra.s32 s13, $0x2;
	[sflag:s9] =	ssyncset.done $0x0;
	p0 =	sne.s32 s13, $0x1F200  }
.Ltmp3:
0x49: {  	s14 =	sadd.s32 $0x8000, s14;
	[sflag:s9] =	ssyncadd.s32 $0xFFFFFB00;
	(pc) =	sbr.rel @p0 .LBB2_8-.Ltmp3, $3  }
0x4a: {  	[spmem:s2] =	stream.indirect.scatter.add.f32 [tilespmem:s12], [sflag:$0x1], $0x10, s14, s11, $0xb8;
	[tilespmem:$0x18200] =	vst v63  }
0x4b: {  	s13 =	sadd.s32 $0x200, s13;
	_ =	sdelay $0x1  }
0x4c: {  	_ =	swait.ge [sflag:s9], $0x500  }
0x4d: {  	[sflag:s9] =	ssyncset.done $0x0  }
0x4e: {  	[sflag:s9] =	ssyncadd.s32 $0xFFFFFB00  }
0x4f: {  	[bflag:$0x0] =	sbarrier.arrive $0xFFFF  }
0x50: {  	[tilespmem:s10], [sflag:$0x1] =	stream.linear.gather [spmem:s5], $0x5000, $0x38;
	[tilespmem:$0x18200] =	vst v63  }
0x51: {  	_ =	swait.ge [sflag:s9], $0x5000  }
0x52: {  	[sflag:s9] =	ssyncset.done $0x0  }
0x53: {  	s13 =	simm.s32 $0x0;
	[sflag:s9] =	ssyncadd.s32 $0xFFFFB000  }
0x54: {  	[hbm4b:s6+s13] =	stream.linear.scatter [tilespmem:s10], [sflag:$0x1], $0x5000, $0x38;
	[tilespmem:$0x18200] =	vst v63  }
0x55: {  	_ =	swait.ge [sflag:s9], $0x5000  }
0x56: {  	[sflag:s9] =	ssyncset.done $0x0  }
0x57: {  	s14 =	simm.s32 $0x0;
	s13 =	simm.s32 $0x200;
	[sflag:s9] =	ssyncadd.s32 $0xFFFFB000  }
.LBB2_10:
0x58: {  	p0 =	sne.s32 s13, $0x13E00;
	[tilespmem:s14+$0x12800] =	vst v3;
	s14 =	smov.u32 s13;
	s13 =	sadd.s32 $0x200, s13  }
.Ltmp4:
0x59: {  	(pc) =	sbr.rel @p0 .LBB2_10-.Ltmp4, $2  }
0x5a: {  	_ =	sdelay $0x2  }
0x5b: {  	s14 =	sshra.s32 s14, $0x2  }
0x5c: {  	[tilespmem:s14+$0x12800] =	vst v3  }
0x5d: {  	[bflag:$0x0] =	sbarrier.arrive $0xFFFF  }
0x5e: {  	[spmem:s5] =	stream.linear.scatter [tilespmem:s10], [sflag:$0x1], $0x5000, $0x38;
	[tilespmem:$0x18200] =	vst v63  }
0x5f: {  	_ =	swait.ge [sflag:s9], $0x5000  }
0x60: {  	[sflag:s9] =	ssyncset.done $0x0  }
0x61: {  	[sflag:s9] =	ssyncadd.s32 $0xFFFFB000  }
0x62: {  	s15 =	simm.s32 $0x0;
	[bflag:$0x0] =	sbarrier.arrive $0xFFFF  }
0x63: {  	v4 =	vld [tilespmem:s15+$0x40];
	_ =	sdelay $0x2  }
0x64: {  	v5 =	vld [tilespmem:s15+$0x0]  }
0x65: {  	v6 =	vld [tilespmem:s15+$0x10]  }
0x66: {  	v9 =	vld [tilespmem:s15+$0x20];
	v7 =	vand.u32 $0x1F, v4  }
0x67: {  	v11 =	vadd.s32 $0x9C4, v7;
	v7 =	vld [tilespmem:s15+$0x30]  }
0x68: {  	v10 =	vsub.s32 v4, v1  }
0x69: {  	v4 =	vsub.s32 v5, v1;
	vm0 =	vgt.u32 v10, $0x9C3  }
0x6a: {  	v8 =	vand.u32 $0x1F, v5;
	v5 =	vsub.s32 v6, v1;
	v11 =	vsel vm0, v11, v10  }
0x6b: {  	s13 =	simm.s32 $0x200;
	s14 =	simm.s32 $0x80;
	s16 =	simm.s32 $0x400;
	v10 =	vand.u32 $0x1F, v6;
	v6 =	vsub.s32 v9, v1;
	v9 =	vand.u32 $0x1F, v9;
	[tilespmem:s15+$0x8040] =	vst v11  }
.LBB2_12:
0x6c: {  	p0 =	sne.s32 s16, $0x1F200;
	v11 =	vld [tilespmem:s14+$0x40];
	vm0 =	vgt.u32 v4, $0x9C3;
	v12 =	vsub.s32 v7, v1;
	v7 =	vand.u32 $0x1F, v7  }
0x6d: {  	v8 =	vadd.s32 $0x9C4, v8;
	vm1 =	vgt.u32 v5, $0x9C3;
	v10 =	vadd.s32 $0x9C4, v10;
	v13 =	vld [tilespmem:s14+$0x0]  }
0x6e: {  	vm2 =	vgt.u32 v6, $0x9C3;
	v9 =	vadd.s32 $0x9C4, v9;
	vm3 =	vgt.u32 v12, $0x9C3;
	v14 =	vld [tilespmem:s14+$0x10]  }
0x6f: {  	v4 =	vsel vm0, v8, v4;
	v5 =	vsel vm1, v10, v5;
	v8 =	vadd.s32 $0x9C4, v7;
	v15 =	vld [tilespmem:s14+$0x20]  }
.Ltmp5:
0x70: {  	v6 =	vsel vm2, v9, v6;
	v9 =	vsel vm3, v8, v12;
	v7 =	vld [tilespmem:s14+$0x30];
	[tilespmem:s15+$0x8000] =	vst v4;
	(pc) =	sbr.rel @p0 .LBB2_12-.Ltmp5, $4  }
0x71: {  	v10 =	vsub.s32 v11, v1;
	v8 =	vand.u32 $0x1F, v11;
	[tilespmem:s15+$0x8010] =	vst v5  }
0x72: {  	v4 =	vsub.s32 v13, v1;
	vm0 =	vgt.u32 v10, $0x9C3;
	v11 =	vadd.s32 $0x9C4, v8;
	[tilespmem:s15+$0x8020] =	vst v6  }
0x73: {  	v8 =	vand.u32 $0x1F, v13;
	v5 =	vsub.s32 v14, v1;
	v11 =	vsel vm0, v11, v10;
	[tilespmem:s15+$0x8030] =	vst v9;
	s15 =	smov.u32 s14  }
0x74: {  	s14 =	sshra.s32 s16, $0x2;
	s16 =	sadd.s32 $0x200, s16;
	v10 =	vand.u32 $0x1F, v14;
	v6 =	vsub.s32 v15, v1;
	v9 =	vand.u32 $0x1F, v15;
	[tilespmem:s15+$0x8040] =	vst v11  }
0x75: {  	v11 =	vld [tilespmem:s14+$0x40]  }
0x76: {  	v13 =	vld [tilespmem:s14+$0x0]  }
0x77: {  	vm0 =	vgt.u32 v4, $0x9C3;
	v12 =	vsub.s32 v7, v1;
	v14 =	vld [tilespmem:s14+$0x10]  }
0x78: {  	v52 =	vand.u32 $0x1F, v7;
	v8 =	vadd.s32 $0x9C4, v8;
	vm1 =	vgt.u32 v5, $0x9C3;
	v15 =	vld [tilespmem:s14+$0x20]  }
0x79: {  	v10 =	vadd.s32 $0x9C4, v10;
	vm2 =	vgt.u32 v6, $0x9C3;
	v9 =	vadd.s32 $0x9C4, v9;
	v53 =	vld [tilespmem:s14+$0x30]  }
0x7a: {  	vm3 =	vgt.u32 v12, $0x9C3;
	v4 =	vsel vm0, v8, v4;
	v7 =	vadd.s32 $0x9C4, v52  }
0x7b: {  	v5 =	vsel vm1, v10, v5;
	v6 =	vsel vm2, v9, v6;
	v7 =	vsel vm3, v7, v12  }
0x7c: {  	v54 =	vsub.s32 v11, v1;
	v55 =	vand.u32 $0x1F, v11;
	v56 =	vsub.s32 v13, v1  }
0x7d: {  	[tilespmem:s15+$0x8010] =	vst v5;
	v57 =	vand.u32 $0x1F, v13;
	v5 =	vsub.s32 v14, v1;
	v58 =	vand.u32 $0x1F, v14  }
0x7e: {  	[tilespmem:s15+$0x8000] =	vst v4;
	v59 =	vsub.s32 v15, v1;
	v60 =	vand.u32 $0x1F, v15;
	v61 =	vsub.s32 v53, v1  }
0x7f: {  	[tilespmem:s15+$0x8020] =	vst v6;
	v8 =	vand.u32 $0x1F, v53;
	vm11 =	vgt.u32 v54, $0x9C3;
	v4 =	vadd.s32 $0x9C4, v55  }
0x80: {  	[tilespmem:s15+$0x8030] =	vst v7;
	vm12 =	vgt.u32 v56, $0x9C3;
	v10 =	vadd.s32 $0x9C4, v57;
	v4 =	vsel vm11, v4, v54  }
0x81: {  	vm14 =	vgt.u32 v59, $0x9C3;
	v63 =	vadd.s32 $0x9C4, v60;
	v62 =	vsel vm12, v10, v56;
	[tilespmem:s14+$0x8040] =	vst v4  }
0x82: {  	vm13 =	vgt.u32 v5, $0x9C3;
	v6 =	vsel vm14, v63, v59;
	v4 =	vadd.s32 $0x9C4, v58;
	[tilespmem:s14+$0x8000] =	vst v62  }
0x83: {  	vm15 =	vgt.u32 v61, $0x9C3;
	[tilespmem:s14+$0x8020] =	vst v6;
	v4 =	vsel vm13, v4, v5;
	v5 =	vadd.s32 $0x9C4, v8  }
0x84: {  	[tilespmem:s14+$0x8010] =	vst v4;
	v4 =	vsel vm15, v5, v61  }
0x85: {  	s31 =	simm.s32 $0x8000;
	[tilespmem:s14+$0x8030] =	vst v4  }
0x86: {  	[spmem:s2] =	stream.indirect.scatter.add.f32 [tilespmem:s12], [sflag:$0x1], $0x10, s31, s11, $0xb8;
	[tilespmem:$0x18200] =	vst v63  }
0x87: {  	_ =	swait.ge [sflag:s9], $0x500  }
.LBB2_14:
0x88: {  	s14 =	sshra.s32 s13, $0x2;
	[sflag:s9] =	ssyncset.done $0x0;
	p0 =	sne.s32 s13, $0x1F200  }
.Ltmp6:
0x89: {  	s14 =	sadd.s32 $0x8000, s14;
	[sflag:s9] =	ssyncadd.s32 $0xFFFFFB00;
	(pc) =	sbr.rel @p0 .LBB2_14-.Ltmp6, $3  }
0x8a: {  	[spmem:s2] =	stream.indirect.scatter.add.f32 [tilespmem:s12], [sflag:$0x1], $0x10, s14, s11, $0xb8;
	[tilespmem:$0x18200] =	vst v63  }
0x8b: {  	s13 =	sadd.s32 $0x200, s13;
	_ =	sdelay $0x1  }
0x8c: {  	_ =	swait.ge [sflag:s9], $0x500  }
0x8d: {  	[sflag:s9] =	ssyncset.done $0x0  }
0x8e: {  	[sflag:s9] =	ssyncadd.s32 $0xFFFFFB00  }
0x8f: {  	[bflag:$0x0] =	sbarrier.arrive $0xFFFF  }
0x90: {  	[tilespmem:s10], [sflag:$0x1] =	stream.linear.gather [spmem:s5], $0x5000, $0x38;
	[tilespmem:$0x18200] =	vst v63  }
0x91: {  	_ =	swait.ge [sflag:s9], $0x5000  }
0x92: {  	[sflag:s9] =	ssyncset.done $0x0  }
0x93: {  	s13 =	simm.s32 $0x0;
	[sflag:s9] =	ssyncadd.s32 $0xFFFFB000  }
0x94: {  	[hbm4b:s7+s13] =	stream.linear.scatter [tilespmem:s10], [sflag:$0x1], $0x5000, $0x38;
	[tilespmem:$0x18200] =	vst v63  }
0x95: {  	_ =	swait.ge [sflag:s9], $0x5000  }
0x96: {  	[sflag:s9] =	ssyncset.done $0x0  }
0x97: {  	s14 =	simm.s32 $0x0;
	s13 =	simm.s32 $0x200;
	[sflag:s9] =	ssyncadd.s32 $0xFFFFB000  }
.LBB2_16:
0x98: {  	p0 =	sne.s32 s13, $0x13E00;
	[tilespmem:s14+$0x12800] =	vst v3;
	s14 =	smov.u32 s13;
	s13 =	sadd.s32 $0x200, s13  }
.Ltmp7:
0x99: {  	(pc) =	sbr.rel @p0 .LBB2_16-.Ltmp7, $2  }
0x9a: {  	_ =	sdelay $0x2  }
0x9b: {  	s14 =	sshra.s32 s14, $0x2  }
0x9c: {  	s3 =	sadd.s32 $0x1, s3  }
0x9d: {  	p0 =	sne.s32 s3, s8  }
.Ltmp8:
0x9e: {  	_ = 	snop;
	(pc) =	sbr.rel @p0 .LBB2_1-.Ltmp8, $3  }
0x9f: {  	_ = 	snop  }
0xa0: {  	[tilespmem:s14+$0x12800] =	vst v3  }
0xa1: {  	[bflag:$0x0] =	sbarrier.arrive $0xFFFF;
	_ =	sdelay $0x1  }
0xa2: {  	_ =	sfence.sel $0x180000  }
0xa3: {  	[bflag:$0x0] =	sbarrier.arrive $0xFFFF  }
0xa4: {  	p0 =	sne.s32 s0, $0x0;
	_ =	strace $0x90000047  }
0xa5: {  	s0 =	sadd.s32 @!p0 $0x100000, s1;
	[bflag:$0x2] =	sbarrier.arrive $0xFFFF  }
0xa6: {  	[sflag:s0] =	ssyncadd.tile.s32 @!p0 $0x1;
	_ =	shalt  }
.Lfunc_end2:
_tile_overlayer_lowered:
.L_overlay_start_2:
0xa7: {  	(tag) =	ssettag $0x2  }
0xa8: {  	s0 =	rddreg [dreg:$0x0];
	s2 =	stileid.u32  }
0xa9: {  	s1 =	rddreg [dreg:$0x1];
	p0 =	sne.s32 s2, $0x0  }
0xaa: {  	s3 =	rddreg [dreg:$0x2];
	[bflag:$0x3] =	sbarrier.arrive $0xFFFF;
	s2 =	simm.s32 @!p0 $0x1C01  }
0xab: {  	[timem:s3], [sflag:s2] =	dma.local @!p0 [hbm:s0], s1  }
0xac: {  	s0 =	simm.s32 @!p0 $0x1  }
0xad: {  	_ =	swait.ge @!p0 [sflag:s0], s1  }
0xae: {  	s1 =	ssub.s32 @!p0 $0x0, s1;
	[sflag:s0] =	ssyncset.done @!p0 $0x0  }
0xaf: {  	[sflag:s0] =	ssyncadd.s32 @!p0 s1  }
0xb0: {  	[bflag:$0x3] =	sbarrier.arrive $0xFFFF  }
0xb1: {  	_ =	shalt  }

</sc_bundles>
